<compile_context>
chip_gen: v7x
topology: tpu7x:2x2x1
jax: 0.10.2.dev20260603
libtpu: 0.0.44.dev20260713+nightly
codegen_flags: <defaults>
</compile_context>

<pallas_src>
import functools

import jax
import jax.numpy as jnp
from jax import lax
from jax.experimental import pallas as pl
from jax.experimental.pallas import tpu as pltpu
from jax.experimental.pallas import tpu_sc as plsc

N = 10000
D = 128
H = 128
E = 320000

NC = 2
NS = 16
L = 16
DA = 144
EBLK = 32
MACRO = 4096
NBLK = MACRO // EBLK
NMAC = 5
E_PAD = NS * NMAC * MACRO
NPAD = 10112
RPT = NPAD // NS
KB = 40
M14 = (1 << 14) - 1


def _sc_edge_kernel(xa, tblp, pe3):
  mesh = plsc.VectorSubcoreMesh(core_axis_name="c", subcore_axis_name="s",
                                num_cores=NC, num_subcores=NS)

  @functools.partial(
      pl.kernel,
      out_type=jax.ShapeDtypeStruct((NC, NPAD, DA), jnp.float32),
      mesh=mesh,
      compiler_params=pltpu.CompilerParams(needs_layout_passes=False,
                                           use_tc_tiling_on_sc=False),
      scratch_types=[
          pltpu.VMEM((NBLK, EBLK), jnp.int32),
          pltpu.VMEM((NBLK, EBLK), jnp.int32),
          pltpu.VMEM((KB * L,), jnp.int32),
          pltpu.VMEM((N // 2,), jnp.int32),
          pltpu.VMEM((4, EBLK), jnp.int32),
          pltpu.VMEM((4, EBLK), jnp.int32),
          pltpu.VMEM((EBLK, DA), jnp.float32),
          pltpu.VMEM((EBLK, DA), jnp.float32),
          pltpu.VMEM((EBLK, DA), jnp.float32),
          pltpu.VMEM((EBLK, DA), jnp.float32),
          pltpu.VMEM_SHARED((NPAD, DA), jnp.float32),
          pltpu.SemaphoreType.DMA,
          pltpu.SemaphoreType.DMA,
          pltpu.SemaphoreType.DMA,
          pltpu.SemaphoreType.DMA,
      ],
  )
  def k(x_hbm, tbl_hbm, pe_hbm, agg_out,
        pev, es, hist, tblv, srcb, dstb, rows0, rows1, rows2, rows3,
        agg_sh, sem0, sem1, sem2, sem3):
    c = lax.axis_index("c")
    s = lax.axis_index("s")
    bufs = (rows0, rows1, rows2, rows3)
    sems = (sem0, sem1, sem2, sem3)

    pltpu.sync_copy(tbl_hbm.at[c], tblv)

    zv = jnp.zeros((L,), jnp.float32)

    def fill(r, carry):
      for kk in range(DA // L):
        rows0[r, pl.ds(kk * L, L)] = zv
      return carry
    lax.fori_loop(0, EBLK, fill, None)

    base = s * RPT
    for off in range(0, RPT, EBLK):
      nrows = min(EBLK, RPT - off)
      pltpu.sync_copy(rows0.at[pl.ds(0, nrows)],
                      agg_sh.at[pl.ds(base + off, nrows)])

    plsc.subcore_barrier()

    iota16 = lax.iota(jnp.int32, L)
    ones16 = jnp.ones((L,), jnp.int32)

    def macro(m, carry):
      pltpu.sync_copy(pe_hbm.at[s, m], pev)

      for b in range(KB):
        hist[pl.ds(b * L, L)] = jnp.zeros((L,), jnp.int32)

      def thist(i, cr):
        for half in range(EBLK // L):
          sl = pl.ds(half * L, L)
          v = pev[i, sl]
          sv = v & M14
          w = plsc.load_gather(tblv, [sv >> 1])
          t = (w >> ((sv & 1) << 4)) & 0xFFFF
          pev[i, sl] = t | ((v >> 14) << 14)
          key = (t >> 8) * L + iota16
          plsc.addupdate_scatter(hist, [key], ones16)
        return cr
      lax.fori_loop(0, NBLK, thist, None)

      carry_s = jnp.int32(0)
      for b in range(KB):
        vec = hist[pl.ds(b * L, L)]
        incl = plsc.cumsum(vec)
        hist[pl.ds(b * L, L)] = incl - vec + carry_s
        carry_s = carry_s + jnp.sum(vec)

      def place(i, cr):
        for half in range(EBLK // L):
          sl = pl.ds(half * L, L)
          v = pev[i, sl]
          key = ((v & M14) >> 8) * L + iota16
          pos = plsc.load_gather(hist, [key])
          plsc.store_scatter(es, [pos >> 5, pos & (EBLK - 1)], v)
          plsc.store_scatter(hist, [key], pos + 1)
        return cr
      lax.fori_loop(0, NBLK, place, None)

      def unpack_src(j, row):
        for half in range(EBLK // L):
          sl = pl.ds(half * L, L)
          srcb[row, sl] = es[j, sl] & M14

      def unpack_dst(j, row):
        for half in range(EBLK // L):
          sl = pl.ds(half * L, L)
          dstb[row, sl] = es[j, sl] >> 14

      unpack_src(0, 0)
      pltpu.async_copy(x_hbm.at[srcb.at[0]], bufs[0], sems[0])
      unpack_src(1, 1)
      pltpu.async_copy(x_hbm.at[srcb.at[1]], bufs[1], sems[1])

      def ring(i, cr):
        for hh in range(4):
          j = i * 4 + hh
          unpack_dst(j, hh)
          pltpu.make_async_copy(x_hbm.at[srcb.at[hh]], bufs[hh],
                                sems[hh]).wait()

          @pl.when(j + 2 < NBLK)
          def _():
            unpack_src(j + 2, (hh + 2) % 4)
            pltpu.async_copy(x_hbm.at[srcb.at[(hh + 2) % 4]],
                             bufs[(hh + 2) % 4], sems[(hh + 2) % 4])

          pltpu.sync_copy(bufs[hh], agg_sh.at[dstb.at[hh]], add=True)
        return cr
      lax.fori_loop(0, NBLK // 4, ring, None)
      return carry
    lax.fori_loop(0, NMAC, macro, None)

    plsc.subcore_barrier()

    pltpu.sync_copy(agg_sh.at[pl.ds(base, RPT)], agg_out.at[c, pl.ds(base, RPT)])

  return k(xa, tblp, pe3)


RB = 1000
NB = N // RB
DEGW = 16


def _tc_loss_body(agg_ref, we_ref, be_ref, wdt_ref, out_ref,
                  sum_acc, ws_ref):
  p = pl.program_id(0)
  j = pl.program_id(1)

  inv = 1.0 / jnp.clip(agg_ref[0, :, D:D + 1], 1.0, None)

  @pl.when(p == 0)
  def _():
    @pl.when(j == 0)
    def _():
      sum_acc[...] = jnp.zeros_like(sum_acc)
    pos = jnp.maximum((agg_ref[0, :, :D] * inv) @ we_ref[...] + be_ref[...], 0.0)
    sum_acc[...] += pos.sum(axis=0, keepdims=True)

  @pl.when(p == 1)
  def _():
    @pl.when(j == 0)
    def _():
      ssum = sum_acc[...] * (1.0 / N)
      ws_ref[...] = jnp.dot(ssum, wdt_ref[...])
      out_ref[0, 0] = 0.0
    ws = ws_ref[...]
    pos = jnp.maximum((agg_ref[0, :, :D] * inv) @ we_ref[...] + be_ref[...], 0.0)
    neg = jnp.maximum((agg_ref[1, :, :D] * inv) @ we_ref[...] + be_ref[...], 0.0)
    lp = (pos * ws).sum(axis=1)
    ln = (neg * ws).sum(axis=1)
    c1 = jnp.maximum(lp, 0.0) - lp + jnp.log1p(jnp.exp(-jnp.abs(lp)))
    c2 = jnp.maximum(ln, 0.0) + jnp.log1p(jnp.exp(-jnp.abs(ln)))
    out_ref[0, 0] += (c1.sum() + c2.sum()) * (1.0 / N)


def _tc_loss_kernel(agg, W_enc, b_enc2, W_disc_T):
  return pl.pallas_call(
      _tc_loss_body,
      grid=(2, NB),
      in_specs=[
          pl.BlockSpec((NC, RB, DA), lambda p, j: (0, j, 0)),
          pl.BlockSpec((D, H), lambda p, j: (0, 0)),
          pl.BlockSpec((1, H), lambda p, j: (0, 0)),
          pl.BlockSpec((H, H), lambda p, j: (0, 0)),
      ],
      out_specs=pl.BlockSpec((1, 1), lambda p, j: (0, 0),
                             memory_space=pltpu.SMEM),
      out_shape=jax.ShapeDtypeStruct((1, 1), jnp.float32),
      scratch_shapes=[pltpu.VMEM((1, D), jnp.float32),
                      pltpu.VMEM((1, H), jnp.float32)],
  )(agg, W_enc, b_enc2, W_disc_T)


def kernel(x, edge_index, W_enc, b_enc, W_disc, perm):
  src = edge_index[0].astype(jnp.int32)
  dst = edge_index[1].astype(jnp.int32)
  pad = E_PAD - E
  perm32 = perm.astype(jnp.int32)
  pad_src = jnp.arange(pad, dtype=jnp.int32) % N
  pad_dst = jnp.arange(pad, dtype=jnp.int32) % (NPAD - N) + N
  sp = jnp.concatenate([src, pad_src])
  dp = jnp.concatenate([dst, pad_dst])
  pe3 = (sp | (dp << 14)).reshape(NS, NMAC, NBLK, EBLK)
  tbl = jnp.stack([jnp.arange(N, dtype=jnp.int32), perm32])
  tblp = tbl[:, 0::2] | (tbl[:, 1::2] << 16)
  xa = jnp.concatenate(
      [x, jnp.ones((N, 1), jnp.float32), jnp.zeros((N, DA - D - 1), jnp.float32)],
      axis=1)
  agg = _sc_edge_kernel(xa, tblp, pe3)
  out = _tc_loss_kernel(agg, W_enc, b_enc.reshape(1, H), W_disc.T)
  return out[0, 0]

# --- scband reference (transcript-rebuilt; emitter-appended) ---
"""Pipeline reference for scband-dgi-7791070675515 (READ-ONLY COPY).

The authoritative reference and input builder live on the scoring server;
editing this copy changes nothing except your own understanding.
"""

import jax, jax.numpy as jnp
import numpy as np

N = 10000
E = 320000
D_IN = 128
H = 128


def setup_inputs(seed: int = 0) -> dict:
    key = jax.random.key(seed)
    k1, k2, k3, k4, k5 = jax.random.split(key, 5)
    x = jax.random.normal(k1, (N, D_IN), dtype=jnp.float32)
    edge_index = jax.random.randint(k2, (2, E), 0, N, dtype=jnp.int32)
    bound_enc = 1.0 / np.sqrt(D_IN)
    W_enc = jax.random.uniform(k3, (D_IN, H), minval=-bound_enc, maxval=bound_enc, dtype=jnp.float32)
    b_enc = jnp.zeros((H,), dtype=jnp.float32)
    bound_d = 1.0 / np.sqrt(H)
    W_disc = jax.random.uniform(k4, (H, H), minval=-bound_d, maxval=bound_d, dtype=jnp.float32)
    # fixed corruption permutation (torch uses torch.randperm at runtime)
    perm = jax.random.permutation(k5, N)
    return {"x": x, "edge_index": edge_index, "W_enc": W_enc, "b_enc": b_enc, "W_disc": W_disc, "perm": perm}


def _gcn_layer(x, src, dst, W, b):
    # mean-aggregate neighbor features via gather + scatter-add (segment_sum)
    msgs = x[src]
    agg = jax.ops.segment_sum(msgs, dst, num_segments=N)
    deg = jax.ops.segment_sum(jnp.ones((src.shape[0],), dtype=x.dtype), dst, num_segments=N)
    agg = agg / jnp.clip(deg, 1.0)[:, None]
    return jax.nn.relu(agg @ W + b)


def _bce_with_logits(logits, targets):
    # numerically stable BCEWithLogitsLoss (mean reduction), matches torch
    return jnp.mean(jnp.maximum(logits, 0.0) - logits * targets + jnp.log1p(jnp.exp(-jnp.abs(logits))))


def reference(x, edge_index, W_enc, b_enc, W_disc, perm):
    src = edge_index[0]
    dst = edge_index[1]
    # positive encoder pass
    positive = _gcn_layer(x, src, dst, W_enc, b_enc)
    # corrupted (negative) encoder pass: permute node features
    negative = _gcn_layer(x[perm], src, dst, W_enc, b_enc)
    # readout summary
    summary = positive.mean(axis=0)
    # discriminator: features @ (W @ summary)
    ws = W_disc @ summary
    pos_logits = positive @ ws
    neg_logits = negative @ ws
    l1 = _bce_with_logits(pos_logits, jnp.ones_like(pos_logits))
    l2 = _bce_with_logits(neg_logits, jnp.zeros_like(neg_logits))
    return l1 + l2

if __name__ == "__main__":
    import jax
    _d = setup_inputs()
    print(jax.jit(kernel)(*tuple(_d.values())))

</pallas_src>

<mosaic_0001>
#map = affine_map<(d0, d1) -> (0, 0)>
#map1 = affine_map<(d0, d1) -> (0, 0, 0, 0)>
#map2 = affine_map<(d0, d1) -> (0, 0, 0)>
module attributes {stable_mosaic.version = 14 : i64} {
  func.func @k(%arg0: i32, %arg1: i32, %arg2: memref<10000x144xf32, #tpu.memory_space<hbm>>, %arg3: memref<2x5000xi32, #tpu.memory_space<hbm>>, %arg4: memref<16x5x128x32xi32, #tpu.memory_space<hbm>>, %arg5: memref<2x10112x144xf32, #tpu.memory_space<hbm>>, %arg6: memref<128x32xi32, #tpu.memory_space<vmem>>, %arg7: memref<128x32xi32, #tpu.memory_space<vmem>>, %arg8: memref<640xi32, #tpu.memory_space<vmem>>, %arg9: memref<5000xi32, #tpu.memory_space<vmem>>, %arg10: memref<4x32xi32, #tpu.memory_space<vmem>>, %arg11: memref<4x32xi32, #tpu.memory_space<vmem>>, %arg12: memref<32x144xf32, #tpu.memory_space<vmem>>, %arg13: memref<32x144xf32, #tpu.memory_space<vmem>>, %arg14: memref<32x144xf32, #tpu.memory_space<vmem>>, %arg15: memref<32x144xf32, #tpu.memory_space<vmem>>, %arg16: memref<10112x144xf32, #tpu.memory_space<vmem_shared>>, %arg17: memref<!tpu.dma_semaphore, #tpu.memory_space<semaphore_mem>>, %arg18: memref<!tpu.dma_semaphore, #tpu.memory_space<semaphore_mem>>, %arg19: memref<!tpu.dma_semaphore, #tpu.memory_space<semaphore_mem>>, %arg20: memref<!tpu.dma_semaphore, #tpu.memory_space<semaphore_mem>>) attributes {dimension_semantics = [#tpu.dimension_semantics<core_parallel>, #tpu.dimension_semantics<subcore_parallel>], iteration_bounds = array<i64: 2, 16>, scalar_prefetch = 0 : i64, scratch_operands = 15 : i64, tpu.core_type = #tpu.core_type<sc_vector_subcore>, window_params = [{transform_indices = #map}, {transform_indices = #map}, {transform_indices = #map1}, {transform_indices = #map2}]} {
    "tpu.region"() ({
      %run_scoped3A = tpu.sem_alloc : memref<!tpu.dma_semaphore, #tpu.memory_space<semaphore_mem>>
      %dma_start3A = arith.constant 0 : i32
      %dma_start3A_53 = tpu.memref_slice %arg3[%arg0, %dma_start3A] : memref<2x5000xi32, #tpu.memory_space<hbm>> -> memref<1x5000xi32, #tpu.memory_space<hbm>>
      %dma_start3A_54 = tpu.memref_squeeze %dma_start3A_53 : memref<1x5000xi32, #tpu.memory_space<hbm>> -> memref<5000xi32, #tpu.memory_space<hbm>>
      %dma_start3A_55 = arith.constant 0 : i32
      %dma_start3A_56 = tpu.memref_slice %arg3[%arg0, %dma_start3A_55] : memref<2x5000xi32, #tpu.memory_space<hbm>> -> memref<1x5000xi32, #tpu.memory_space<hbm>>
      %dma_start3A_57 = tpu.memref_squeeze %dma_start3A_56 : memref<1x5000xi32, #tpu.memory_space<hbm>> -> memref<5000xi32, #tpu.memory_space<hbm>>
      tpu.enqueue_dma source(%dma_start3A_57 : memref<5000xi32, #tpu.memory_space<hbm>>) target(%arg9 : memref<5000xi32, #tpu.memory_space<vmem>>) target_semaphore(%run_scoped3A : memref<!tpu.dma_semaphore, #tpu.memory_space<semaphore_mem>>)
      %dma_wait3A = arith.constant 0 : i32
      %dma_wait3A_58 = tpu.memref_slice %arg3[%arg0, %dma_wait3A] : memref<2x5000xi32, #tpu.memory_space<hbm>> -> memref<1x5000xi32, #tpu.memory_space<hbm>>
      %dma_wait3A_59 = tpu.memref_squeeze %dma_wait3A_58 : memref<1x5000xi32, #tpu.memory_space<hbm>> -> memref<5000xi32, #tpu.memory_space<hbm>>
      %dma_wait3A_60 = arith.constant 0 : i32
      %dma_wait3A_61 = tpu.memref_slice %arg3[%arg0, %dma_wait3A_60] : memref<2x5000xi32, #tpu.memory_space<hbm>> -> memref<1x5000xi32, #tpu.memory_space<hbm>>
      %dma_wait3A_62 = tpu.memref_squeeze %dma_wait3A_61 : memref<1x5000xi32, #tpu.memory_space<hbm>> -> memref<5000xi32, #tpu.memory_space<hbm>>
      tpu.wait_dma2 semaphore(%run_scoped3A : memref<!tpu.dma_semaphore, #tpu.memory_space<semaphore_mem>>) src(%dma_wait3A_62 : memref<5000xi32, #tpu.memory_space<hbm>>) dst(%arg9 : memref<5000xi32, #tpu.memory_space<vmem>>)
      tpu.yield
    }) : () -> ()
    %broadcast_in_dim3A = arith.constant 0.000000e+00 : f32
    %broadcast_in_dim3A_0 = vector.broadcast %broadcast_in_dim3A : f32 to vector<16xf32>
    %scan3A = arith.constant 0 : i32
    %scan3A_1 = arith.constant 32 : i32
    %scan3A_2 = arith.addi %scan3A, %scan3A_1 : i32
    %scan3A_3 = arith.constant 1 : i32
    scf.for %scan3A_53 = %scan3A to %scan3A_2 step %scan3A_3  : i32 {
      %swap3A = arith.index_cast %scan3A_53 : i32 to index
      %swap3A_54 = arith.constant 0 : index
      %swap3A_55 = tpu.vector_load %arg12[%swap3A, %swap3A_54] {strides = array<i32>} : memref<32x144xf32, #tpu.memory_space<vmem>>, vector<16xf32>,
      tpu.vector_store %arg12[%swap3A, %swap3A_54], %broadcast_in_dim3A_0 {strides = array<i32>} : memref<32x144xf32, #tpu.memory_space<vmem>>, vector<16xf32>,
      %swap3A_56 = arith.index_cast %scan3A_53 : i32 to index
      %swap3A_57 = arith.constant 16 : index
      %swap3A_58 = tpu.vector_load %arg12[%swap3A_56, %swap3A_57] {strides = array<i32>} : memref<32x144xf32, #tpu.memory_space<vmem>>, vector<16xf32>,
      tpu.vector_store %arg12[%swap3A_56, %swap3A_57], %broadcast_in_dim3A_0 {strides = array<i32>} : memref<32x144xf32, #tpu.memory_space<vmem>>, vector<16xf32>,
      %swap3A_59 = arith.index_cast %scan3A_53 : i32 to index
      %swap3A_60 = arith.constant 32 : index
      %swap3A_61 = tpu.vector_load %arg12[%swap3A_59, %swap3A_60] {strides = array<i32>} : memref<32x144xf32, #tpu.memory_space<vmem>>, vector<16xf32>,
      tpu.vector_store %arg12[%swap3A_59, %swap3A_60], %broadcast_in_dim3A_0 {strides = array<i32>} : memref<32x144xf32, #tpu.memory_space<vmem>>, vector<16xf32>,
      %swap3A_62 = arith.index_cast %scan3A_53 : i32 to index
      %swap3A_63 = arith.constant 48 : index
      %swap3A_64 = tpu.vector_load %arg12[%swap3A_62, %swap3A_63] {strides = array<i32>} : memref<32x144xf32, #tpu.memory_space<vmem>>, vector<16xf32>,
      tpu.vector_store %arg12[%swap3A_62, %swap3A_63], %broadcast_in_dim3A_0 {strides = array<i32>} : memref<32x144xf32, #tpu.memory_space<vmem>>, vector<16xf32>,
      %swap3A_65 = arith.index_cast %scan3A_53 : i32 to index
      %swap3A_66 = arith.constant 64 : index
      %swap3A_67 = tpu.vector_load %arg12[%swap3A_65, %swap3A_66] {strides = array<i32>} : memref<32x144xf32, #tpu.memory_space<vmem>>, vector<16xf32>,
      tpu.vector_store %arg12[%swap3A_65, %swap3A_66], %broadcast_in_dim3A_0 {strides = array<i32>} : memref<32x144xf32, #tpu.memory_space<vmem>>, vector<16xf32>,
      %swap3A_68 = arith.index_cast %scan3A_53 : i32 to index
      %swap3A_69 = arith.constant 80 : index
      %swap3A_70 = tpu.vector_load %arg12[%swap3A_68, %swap3A_69] {strides = array<i32>} : memref<32x144xf32, #tpu.memory_space<vmem>>, vector<16xf32>,
      tpu.vector_store %arg12[%swap3A_68, %swap3A_69], %broadcast_in_dim3A_0 {strides = array<i32>} : memref<32x144xf32, #tpu.memory_space<vmem>>, vector<16xf32>,
      %swap3A_71 = arith.index_cast %scan3A_53 : i32 to index
      %swap3A_72 = arith.constant 96 : index
      %swap3A_73 = tpu.vector_load %arg12[%swap3A_71, %swap3A_72] {strides = array<i32>} : memref<32x144xf32, #tpu.memory_space<vmem>>, vector<16xf32>,
      tpu.vector_store %arg12[%swap3A_71, %swap3A_72], %broadcast_in_dim3A_0 {strides = array<i32>} : memref<32x144xf32, #tpu.memory_space<vmem>>, vector<16xf32>,
      %swap3A_74 = arith.index_cast %scan3A_53 : i32 to index
      %swap3A_75 = arith.constant 112 : index
      %swap3A_76 = tpu.vector_load %arg12[%swap3A_74, %swap3A_75] {strides = array<i32>} : memref<32x144xf32, #tpu.memory_space<vmem>>, vector<16xf32>,
      tpu.vector_store %arg12[%swap3A_74, %swap3A_75], %broadcast_in_dim3A_0 {strides = array<i32>} : memref<32x144xf32, #tpu.memory_space<vmem>>, vector<16xf32>,
      %swap3A_77 = arith.index_cast %scan3A_53 : i32 to index
      %swap3A_78 = arith.constant 128 : index
      %swap3A_79 = tpu.vector_load %arg12[%swap3A_77, %swap3A_78] {strides = array<i32>} : memref<32x144xf32, #tpu.memory_space<vmem>>, vector<16xf32>,
      tpu.vector_store %arg12[%swap3A_77, %swap3A_78], %broadcast_in_dim3A_0 {strides = array<i32>} : memref<32x144xf32, #tpu.memory_space<vmem>>, vector<16xf32>,
    }
    %scan3A_4 = arith.constant 32 : i32
    %mul3A = arith.constant 632 : i32
    %mul3A_5 = arith.muli %arg1, %mul3A : i32
    %add3A = arith.constant 0 : i32
    %add3A_6 = arith.addi %mul3A_5, %add3A : i32
    "tpu.region"() ({
      %run_scoped3A = tpu.sem_alloc : memref<!tpu.dma_semaphore, #tpu.memory_space<semaphore_mem>>
      %dma_start3A = arith.constant 0 : i32
      %dma_start3A_53 = arith.constant 0 : i32
      %dma_start3A_54 = tpu.memref_slice %arg12[%dma_start3A, %dma_start3A_53] : memref<32x144xf32, #tpu.memory_space<vmem>> -> memref<32x144xf32, #tpu.memory_space<vmem>>
      %dma_start3A_55 = arith.constant 0 : i32
      %dma_start3A_56 = tpu.memref_slice %arg16[%add3A_6, %dma_start3A_55] : memref<10112x144xf32, #tpu.memory_space<vmem_shared>> -> memref<32x144xf32, #tpu.memory_space<vmem_shared>>
      %dma_start3A_57 = arith.constant 0 : i32
      %dma_start3A_58 = tpu.memref_slice %arg16[%add3A_6, %dma_start3A_57] : memref<10112x144xf32, #tpu.memory_space<vmem_shared>> -> memref<32x144xf32, #tpu.memory_space<vmem_shared>>
      %dma_start3A_59 = arith.constant 0 : i32
      %dma_start3A_60 = arith.constant 0 : i32
      %dma_start3A_61 = tpu.memref_slice %arg12[%dma_start3A_59, %dma_start3A_60] : memref<32x144xf32, #tpu.memory_space<vmem>> -> memref<32x144xf32, #tpu.memory_space<vmem>>
      tpu.enqueue_dma source(%dma_start3A_61 : memref<32x144xf32, #tpu.memory_space<vmem>>) target(%dma_start3A_58 : memref<32x144xf32, #tpu.memory_space<vmem_shared>>) target_semaphore(%run_scoped3A : memref<!tpu.dma_semaphore, #tpu.memory_space<semaphore_mem>>)
      %dma_wait3A = arith.constant 0 : i32
      %dma_wait3A_62 = arith.constant 0 : i32
      %dma_wait3A_63 = tpu.memref_slice %arg12[%dma_wait3A, %dma_wait3A_62] : memref<32x144xf32, #tpu.memory_space<vmem>> -> memref<32x144xf32, #tpu.memory_space<vmem>>
      %dma_wait3A_64 = arith.constant 0 : i32
      %dma_wait3A_65 = tpu.memref_slice %arg16[%add3A_6, %dma_wait3A_64] : memref<10112x144xf32, #tpu.memory_space<vmem_shared>> -> memref<32x144xf32, #tpu.memory_space<vmem_shared>>
      %dma_wait3A_66 = arith.constant 0 : i32
      %dma_wait3A_67 = tpu.memref_slice %arg16[%add3A_6, %dma_wait3A_66] : memref<10112x144xf32, #tpu.memory_space<vmem_shared>> -> memref<32x144xf32, #tpu.memory_space<vmem_shared>>
      %dma_wait3A_68 = arith.constant 0 : i32
      %dma_wait3A_69 = arith.constant 0 : i32
      %dma_wait3A_70 = tpu.memref_slice %arg12[%dma_wait3A_68, %dma_wait3A_69] : memref<32x144xf32, #tpu.memory_space<vmem>> -> memref<32x144xf32, #tpu.memory_space<vmem>>
      tpu.wait_dma2 semaphore(%run_scoped3A : memref<!tpu.dma_semaphore, #tpu.memory_space<semaphore_mem>>) src(%dma_wait3A_70 : memref<32x144xf32, #tpu.memory_space<vmem>>) dst(%dma_wait3A_67 : memref<32x144xf32, #tpu.memory_space<vmem_shared>>)
      tpu.yield
    }) : () -> ()
    %add3A_7 = arith.constant 32 : i32
    %add3A_8 = arith.addi %mul3A_5, %add3A_7 : i32
    "tpu.region"() ({
      %run_scoped3A = tpu.sem_alloc : memref<!tpu.dma_semaphore, #tpu.memory_space<semaphore_mem>>
      %dma_start3A = arith.constant 0 : i32
      %dma_start3A_53 = arith.constant 0 : i32
      %dma_start3A_54 = tpu.memref_slice %arg12[%dma_start3A, %dma_start3A_53] : memref<32x144xf32, #tpu.memory_space<vmem>> -> memref<32x144xf32, #tpu.memory_space<vmem>>
      %dma_start3A_55 = arith.constant 0 : i32
      %dma_start3A_56 = tpu.memref_slice %arg16[%add3A_8, %dma_start3A_55] : memref<10112x144xf32, #tpu.memory_space<vmem_shared>> -> memref<32x144xf32, #tpu.memory_space<vmem_shared>>
      %dma_start3A_57 = arith.constant 0 : i32
      %dma_start3A_58 = tpu.memref_slice %arg16[%add3A_8, %dma_start3A_57] : memref<10112x144xf32, #tpu.memory_space<vmem_shared>> -> memref<32x144xf32, #tpu.memory_space<vmem_shared>>
      %dma_start3A_59 = arith.constant 0 : i32
      %dma_start3A_60 = arith.constant 0 : i32
      %dma_start3A_61 = tpu.memref_slice %arg12[%dma_start3A_59, %dma_start3A_60] : memref<32x144xf32, #tpu.memory_space<vmem>> -> memref<32x144xf32, #tpu.memory_space<vmem>>
      tpu.enqueue_dma source(%dma_start3A_61 : memref<32x144xf32, #tpu.memory_space<vmem>>) target(%dma_start3A_58 : memref<32x144xf32, #tpu.memory_space<vmem_shared>>) target_semaphore(%run_scoped3A : memref<!tpu.dma_semaphore, #tpu.memory_space<semaphore_mem>>)
      %dma_wait3A = arith.constant 0 : i32
      %dma_wait3A_62 = arith.constant 0 : i32
      %dma_wait3A_63 = tpu.memref_slice %arg12[%dma_wait3A, %dma_wait3A_62] : memref<32x144xf32, #tpu.memory_space<vmem>> -> memref<32x144xf32, #tpu.memory_space<vmem>>
      %dma_wait3A_64 = arith.constant 0 : i32
      %dma_wait3A_65 = tpu.memref_slice %arg16[%add3A_8, %dma_wait3A_64] : memref<10112x144xf32, #tpu.memory_space<vmem_shared>> -> memref<32x144xf32, #tpu.memory_space<vmem_shared>>
      %dma_wait3A_66 = arith.constant 0 : i32
      %dma_wait3A_67 = tpu.memref_slice %arg16[%add3A_8, %dma_wait3A_66] : memref<10112x144xf32, #tpu.memory_space<vmem_shared>> -> memref<32x144xf32, #tpu.memory_space<vmem_shared>>
      %dma_wait3A_68 = arith.constant 0 : i32
      %dma_wait3A_69 = arith.constant 0 : i32
      %dma_wait3A_70 = tpu.memref_slice %arg12[%dma_wait3A_68, %dma_wait3A_69] : memref<32x144xf32, #tpu.memory_space<vmem>> -> memref<32x144xf32, #tpu.memory_space<vmem>>
      tpu.wait_dma2 semaphore(%run_scoped3A : memref<!tpu.dma_semaphore, #tpu.memory_space<semaphore_mem>>) src(%dma_wait3A_70 : memref<32x144xf32, #tpu.memory_space<vmem>>) dst(%dma_wait3A_67 : memref<32x144xf32, #tpu.memory_space<vmem_shared>>)
      tpu.yield
    }) : () -> ()
    %add3A_9 = arith.constant 64 : i32
    %add3A_10 = arith.addi %mul3A_5, %add3A_9 : i32
    "tpu.region"() ({
      %run_scoped3A = tpu.sem_alloc : memref<!tpu.dma_semaphore, #tpu.memory_space<semaphore_mem>>
      %dma_start3A = arith.constant 0 : i32
      %dma_start3A_53 = arith.constant 0 : i32
      %dma_start3A_54 = tpu.memref_slice %arg12[%dma_start3A, %dma_start3A_53] : memref<32x144xf32, #tpu.memory_space<vmem>> -> memref<32x144xf32, #tpu.memory_space<vmem>>
      %dma_start3A_55 = arith.constant 0 : i32
      %dma_start3A_56 = tpu.memref_slice %arg16[%add3A_10, %dma_start3A_55] : memref<10112x144xf32, #tpu.memory_space<vmem_shared>> -> memref<32x144xf32, #tpu.memory_space<vmem_shared>>
      %dma_start3A_57 = arith.constant 0 : i32
      %dma_start3A_58 = tpu.memref_slice %arg16[%add3A_10, %dma_start3A_57] : memref<10112x144xf32, #tpu.memory_space<vmem_shared>> -> memref<32x144xf32, #tpu.memory_space<vmem_shared>>
      %dma_start3A_59 = arith.constant 0 : i32
      %dma_start3A_60 = arith.constant 0 : i32
      %dma_start3A_61 = tpu.memref_slice %arg12[%dma_start3A_59, %dma_start3A_60] : memref<32x144xf32, #tpu.memory_space<vmem>> -> memref<32x144xf32, #tpu.memory_space<vmem>>
      tpu.enqueue_dma source(%dma_start3A_61 : memref<32x144xf32, #tpu.memory_space<vmem>>) target(%dma_start3A_58 : memref<32x144xf32, #tpu.memory_space<vmem_shared>>) target_semaphore(%run_scoped3A : memref<!tpu.dma_semaphore, #tpu.memory_space<semaphore_mem>>)
      %dma_wait3A = arith.constant 0 : i32
      %dma_wait3A_62 = arith.constant 0 : i32
      %dma_wait3A_63 = tpu.memref_slice %arg12[%dma_wait3A, %dma_wait3A_62] : memref<32x144xf32, #tpu.memory_space<vmem>> -> memref<32x144xf32, #tpu.memory_space<vmem>>
      %dma_wait3A_64 = arith.constant 0 : i32
      %dma_wait3A_65 = tpu.memref_slice %arg16[%add3A_10, %dma_wait3A_64] : memref<10112x144xf32, #tpu.memory_space<vmem_shared>> -> memref<32x144xf32, #tpu.memory_space<vmem_shared>>
      %dma_wait3A_66 = arith.constant 0 : i32
      %dma_wait3A_67 = tpu.memref_slice %arg16[%add3A_10, %dma_wait3A_66] : memref<10112x144xf32, #tpu.memory_space<vmem_shared>> -> memref<32x144xf32, #tpu.memory_space<vmem_shared>>
      %dma_wait3A_68 = arith.constant 0 : i32
      %dma_wait3A_69 = arith.constant 0 : i32
      %dma_wait3A_70 = tpu.memref_slice %arg12[%dma_wait3A_68, %dma_wait3A_69] : memref<32x144xf32, #tpu.memory_space<vmem>> -> memref<32x144xf32, #tpu.memory_space<vmem>>
      tpu.wait_dma2 semaphore(%run_scoped3A : memref<!tpu.dma_semaphore, #tpu.memory_space<semaphore_mem>>) src(%dma_wait3A_70 : memref<32x144xf32, #tpu.memory_space<vmem>>) dst(%dma_wait3A_67 : memref<32x144xf32, #tpu.memory_space<vmem_shared>>)
      tpu.yield
    }) : () -> ()
    %add3A_11 = arith.constant 96 : i32
    %add3A_12 = arith.addi %mul3A_5, %add3A_11 : i32
    "tpu.region"() ({
      %run_scoped3A = tpu.sem_alloc : memref<!tpu.dma_semaphore, #tpu.memory_space<semaphore_mem>>
      %dma_start3A = arith.constant 0 : i32
      %dma_start3A_53 = arith.constant 0 : i32
      %dma_start3A_54 = tpu.memref_slice %arg12[%dma_start3A, %dma_start3A_53] : memref<32x144xf32, #tpu.memory_space<vmem>> -> memref<32x144xf32, #tpu.memory_space<vmem>>
      %dma_start3A_55 = arith.constant 0 : i32
      %dma_start3A_56 = tpu.memref_slice %arg16[%add3A_12, %dma_start3A_55] : memref<10112x144xf32, #tpu.memory_space<vmem_shared>> -> memref<32x144xf32, #tpu.memory_space<vmem_shared>>
      %dma_start3A_57 = arith.constant 0 : i32
      %dma_start3A_58 = tpu.memref_slice %arg16[%add3A_12, %dma_start3A_57] : memref<10112x144xf32, #tpu.memory_space<vmem_shared>> -> memref<32x144xf32, #tpu.memory_space<vmem_shared>>
      %dma_start3A_59 = arith.constant 0 : i32
      %dma_start3A_60 = arith.constant 0 : i32
      %dma_start3A_61 = tpu.memref_slice %arg12[%dma_start3A_59, %dma_start3A_60] : memref<32x144xf32, #tpu.memory_space<vmem>> -> memref<32x144xf32, #tpu.memory_space<vmem>>
      tpu.enqueue_dma source(%dma_start3A_61 : memref<32x144xf32, #tpu.memory_space<vmem>>) target(%dma_start3A_58 : memref<32x144xf32, #tpu.memory_space<vmem_shared>>) target_semaphore(%run_scoped3A : memref<!tpu.dma_semaphore, #tpu.memory_space<semaphore_mem>>)
      %dma_wait3A = arith.constant 0 : i32
      %dma_wait3A_62 = arith.constant 0 : i32
      %dma_wait3A_63 = tpu.memref_slice %arg12[%dma_wait3A, %dma_wait3A_62] : memref<32x144xf32, #tpu.memory_space<vmem>> -> memref<32x144xf32, #tpu.memory_space<vmem>>
      %dma_wait3A_64 = arith.constant 0 : i32
      %dma_wait3A_65 = tpu.memref_slice %arg16[%add3A_12, %dma_wait3A_64] : memref<10112x144xf32, #tpu.memory_space<vmem_shared>> -> memref<32x144xf32, #tpu.memory_space<vmem_shared>>
      %dma_wait3A_66 = arith.constant 0 : i32
      %dma_wait3A_67 = tpu.memref_slice %arg16[%add3A_12, %dma_wait3A_66] : memref<10112x144xf32, #tpu.memory_space<vmem_shared>> -> memref<32x144xf32, #tpu.memory_space<vmem_shared>>
      %dma_wait3A_68 = arith.constant 0 : i32
      %dma_wait3A_69 = arith.constant 0 : i32
      %dma_wait3A_70 = tpu.memref_slice %arg12[%dma_wait3A_68, %dma_wait3A_69] : memref<32x144xf32, #tpu.memory_space<vmem>> -> memref<32x144xf32, #tpu.memory_space<vmem>>
      tpu.wait_dma2 semaphore(%run_scoped3A : memref<!tpu.dma_semaphore, #tpu.memory_space<semaphore_mem>>) src(%dma_wait3A_70 : memref<32x144xf32, #tpu.memory_space<vmem>>) dst(%dma_wait3A_67 : memref<32x144xf32, #tpu.memory_space<vmem_shared>>)
      tpu.yield
    }) : () -> ()
    %add3A_13 = arith.constant 128 : i32
    %add3A_14 = arith.addi %mul3A_5, %add3A_13 : i32
    "tpu.region"() ({
      %run_scoped3A = tpu.sem_alloc : memref<!tpu.dma_semaphore, #tpu.memory_space<semaphore_mem>>
      %dma_start3A = arith.constant 0 : i32
      %dma_start3A_53 = arith.constant 0 : i32
      %dma_start3A_54 = tpu.memref_slice %arg12[%dma_start3A, %dma_start3A_53] : memref<32x144xf32, #tpu.memory_space<vmem>> -> memref<32x144xf32, #tpu.memory_space<vmem>>
      %dma_start3A_55 = arith.constant 0 : i32
      %dma_start3A_56 = tpu.memref_slice %arg16[%add3A_14, %dma_start3A_55] : memref<10112x144xf32, #tpu.memory_space<vmem_shared>> -> memref<32x144xf32, #tpu.memory_space<vmem_shared>>
      %dma_start3A_57 = arith.constant 0 : i32
      %dma_start3A_58 = tpu.memref_slice %arg16[%add3A_14, %dma_start3A_57] : memref<10112x144xf32, #tpu.memory_space<vmem_shared>> -> memref<32x144xf32, #tpu.memory_space<vmem_shared>>
      %dma_start3A_59 = arith.constant 0 : i32
      %dma_start3A_60 = arith.constant 0 : i32
      %dma_start3A_61 = tpu.memref_slice %arg12[%dma_start3A_59, %dma_start3A_60] : memref<32x144xf32, #tpu.memory_space<vmem>> -> memref<32x144xf32, #tpu.memory_space<vmem>>
      tpu.enqueue_dma source(%dma_start3A_61 : memref<32x144xf32, #tpu.memory_space<vmem>>) target(%dma_start3A_58 : memref<32x144xf32, #tpu.memory_space<vmem_shared>>) target_semaphore(%run_scoped3A : memref<!tpu.dma_semaphore, #tpu.memory_space<semaphore_mem>>)
      %dma_wait3A = arith.constant 0 : i32
      %dma_wait3A_62 = arith.constant 0 : i32
      %dma_wait3A_63 = tpu.memref_slice %arg12[%dma_wait3A, %dma_wait3A_62] : memref<32x144xf32, #tpu.memory_space<vmem>> -> memref<32x144xf32, #tpu.memory_space<vmem>>
      %dma_wait3A_64 = arith.constant 0 : i32
      %dma_wait3A_65 = tpu.memref_slice %arg16[%add3A_14, %dma_wait3A_64] : memref<10112x144xf32, #tpu.memory_space<vmem_shared>> -> memref<32x144xf32, #tpu.memory_space<vmem_shared>>
      %dma_wait3A_66 = arith.constant 0 : i32
      %dma_wait3A_67 = tpu.memref_slice %arg16[%add3A_14, %dma_wait3A_66] : memref<10112x144xf32, #tpu.memory_space<vmem_shared>> -> memref<32x144xf32, #tpu.memory_space<vmem_shared>>
      %dma_wait3A_68 = arith.constant 0 : i32
      %dma_wait3A_69 = arith.constant 0 : i32
      %dma_wait3A_70 = tpu.memref_slice %arg12[%dma_wait3A_68, %dma_wait3A_69] : memref<32x144xf32, #tpu.memory_space<vmem>> -> memref<32x144xf32, #tpu.memory_space<vmem>>
      tpu.wait_dma2 semaphore(%run_scoped3A : memref<!tpu.dma_semaphore, #tpu.memory_space<semaphore_mem>>) src(%dma_wait3A_70 : memref<32x144xf32, #tpu.memory_space<vmem>>) dst(%dma_wait3A_67 : memref<32x144xf32, #tpu.memory_space<vmem_shared>>)
      tpu.yield
    }) : () -> ()
    %add3A_15 = arith.constant 160 : i32
    %add3A_16 = arith.addi %mul3A_5, %add3A_15 : i32
    "tpu.region"() ({
      %run_scoped3A = tpu.sem_alloc : memref<!tpu.dma_semaphore, #tpu.memory_space<semaphore_mem>>
      %dma_start3A = arith.constant 0 : i32
      %dma_start3A_53 = arith.constant 0 : i32
      %dma_start3A_54 = tpu.memref_slice %arg12[%dma_start3A, %dma_start3A_53] : memref<32x144xf32, #tpu.memory_space<vmem>> -> memref<32x144xf32, #tpu.memory_space<vmem>>
      %dma_start3A_55 = arith.constant 0 : i32
      %dma_start3A_56 = tpu.memref_slice %arg16[%add3A_16, %dma_start3A_55] : memref<10112x144xf32, #tpu.memory_space<vmem_shared>> -> memref<32x144xf32, #tpu.memory_space<vmem_shared>>
      %dma_start3A_57 = arith.constant 0 : i32
      %dma_start3A_58 = tpu.memref_slice %arg16[%add3A_16, %dma_start3A_57] : memref<10112x144xf32, #tpu.memory_space<vmem_shared>> -> memref<32x144xf32, #tpu.memory_space<vmem_shared>>
      %dma_start3A_59 = arith.constant 0 : i32
      %dma_start3A_60 = arith.constant 0 : i32
      %dma_start3A_61 = tpu.memref_slice %arg12[%dma_start3A_59, %dma_start3A_60] : memref<32x144xf32, #tpu.memory_space<vmem>> -> memref<32x144xf32, #tpu.memory_space<vmem>>
      tpu.enqueue_dma source(%dma_start3A_61 : memref<32x144xf32, #tpu.memory_space<vmem>>) target(%dma_start3A_58 : memref<32x144xf32, #tpu.memory_space<vmem_shared>>) target_semaphore(%run_scoped3A : memref<!tpu.dma_semaphore, #tpu.memory_space<semaphore_mem>>)
      %dma_wait3A = arith.constant 0 : i32
      %dma_wait3A_62 = arith.constant 0 : i32
      %dma_wait3A_63 = tpu.memref_slice %arg12[%dma_wait3A, %dma_wait3A_62] : memref<32x144xf32, #tpu.memory_space<vmem>> -> memref<32x144xf32, #tpu.memory_space<vmem>>
      %dma_wait3A_64 = arith.constant 0 : i32
      %dma_wait3A_65 = tpu.memref_slice %arg16[%add3A_16, %dma_wait3A_64] : memref<10112x144xf32, #tpu.memory_space<vmem_shared>> -> memref<32x144xf32, #tpu.memory_space<vmem_shared>>
      %dma_wait3A_66 = arith.constant 0 : i32
      %dma_wait3A_67 = tpu.memref_slice %arg16[%add3A_16, %dma_wait3A_66] : memref<10112x144xf32, #tpu.memory_space<vmem_shared>> -> memref<32x144xf32, #tpu.memory_space<vmem_shared>>
      %dma_wait3A_68 = arith.constant 0 : i32
      %dma_wait3A_69 = arith.constant 0 : i32
      %dma_wait3A_70 = tpu.memref_slice %arg12[%dma_wait3A_68, %dma_wait3A_69] : memref<32x144xf32, #tpu.memory_space<vmem>> -> memref<32x144xf32, #tpu.memory_space<vmem>>
      tpu.wait_dma2 semaphore(%run_scoped3A : memref<!tpu.dma_semaphore, #tpu.memory_space<semaphore_mem>>) src(%dma_wait3A_70 : memref<32x144xf32, #tpu.memory_space<vmem>>) dst(%dma_wait3A_67 : memref<32x144xf32, #tpu.memory_space<vmem_shared>>)
      tpu.yield
    }) : () -> ()
    %add3A_17 = arith.constant 192 : i32
    %add3A_18 = arith.addi %mul3A_5, %add3A_17 : i32
    "tpu.region"() ({
      %run_scoped3A = tpu.sem_alloc : memref<!tpu.dma_semaphore, #tpu.memory_space<semaphore_mem>>
      %dma_start3A = arith.constant 0 : i32
      %dma_start3A_53 = arith.constant 0 : i32
      %dma_start3A_54 = tpu.memref_slice %arg12[%dma_start3A, %dma_start3A_53] : memref<32x144xf32, #tpu.memory_space<vmem>> -> memref<32x144xf32, #tpu.memory_space<vmem>>
      %dma_start3A_55 = arith.constant 0 : i32
      %dma_start3A_56 = tpu.memref_slice %arg16[%add3A_18, %dma_start3A_55] : memref<10112x144xf32, #tpu.memory_space<vmem_shared>> -> memref<32x144xf32, #tpu.memory_space<vmem_shared>>
      %dma_start3A_57 = arith.constant 0 : i32
      %dma_start3A_58 = tpu.memref_slice %arg16[%add3A_18, %dma_start3A_57] : memref<10112x144xf32, #tpu.memory_space<vmem_shared>> -> memref<32x144xf32, #tpu.memory_space<vmem_shared>>
      %dma_start3A_59 = arith.constant 0 : i32
      %dma_start3A_60 = arith.constant 0 : i32
      %dma_start3A_61 = tpu.memref_slice %arg12[%dma_start3A_59, %dma_start3A_60] : memref<32x144xf32, #tpu.memory_space<vmem>> -> memref<32x144xf32, #tpu.memory_space<vmem>>
      tpu.enqueue_dma source(%dma_start3A_61 : memref<32x144xf32, #tpu.memory_space<vmem>>) target(%dma_start3A_58 : memref<32x144xf32, #tpu.memory_space<vmem_shared>>) target_semaphore(%run_scoped3A : memref<!tpu.dma_semaphore, #tpu.memory_space<semaphore_mem>>)
      %dma_wait3A = arith.constant 0 : i32
      %dma_wait3A_62 = arith.constant 0 : i32
      %dma_wait3A_63 = tpu.memref_slice %arg12[%dma_wait3A, %dma_wait3A_62] : memref<32x144xf32, #tpu.memory_space<vmem>> -> memref<32x144xf32, #tpu.memory_space<vmem>>
      %dma_wait3A_64 = arith.constant 0 : i32
      %dma_wait3A_65 = tpu.memref_slice %arg16[%add3A_18, %dma_wait3A_64] : memref<10112x144xf32, #tpu.memory_space<vmem_shared>> -> memref<32x144xf32, #tpu.memory_space<vmem_shared>>
      %dma_wait3A_66 = arith.constant 0 : i32
      %dma_wait3A_67 = tpu.memref_slice %arg16[%add3A_18, %dma_wait3A_66] : memref<10112x144xf32, #tpu.memory_space<vmem_shared>> -> memref<32x144xf32, #tpu.memory_space<vmem_shared>>
      %dma_wait3A_68 = arith.constant 0 : i32
      %dma_wait3A_69 = arith.constant 0 : i32
      %dma_wait3A_70 = tpu.memref_slice %arg12[%dma_wait3A_68, %dma_wait3A_69] : memref<32x144xf32, #tpu.memory_space<vmem>> -> memref<32x144xf32, #tpu.memory_space<vmem>>
      tpu.wait_dma2 semaphore(%run_scoped3A : memref<!tpu.dma_semaphore, #tpu.memory_space<semaphore_mem>>) src(%dma_wait3A_70 : memref<32x144xf32, #tpu.memory_space<vmem>>) dst(%dma_wait3A_67 : memref<32x144xf32, #tpu.memory_space<vmem_shared>>)
      tpu.yield
    }) : () -> ()
    %add3A_19 = arith.constant 224 : i32
    %add3A_20 = arith.addi %mul3A_5, %add3A_19 : i32
    "tpu.region"() ({
      %run_scoped3A = tpu.sem_alloc : memref<!tpu.dma_semaphore, #tpu.memory_space<semaphore_mem>>
      %dma_start3A = arith.constant 0 : i32
      %dma_start3A_53 = arith.constant 0 : i32
      %dma_start3A_54 = tpu.memref_slice %arg12[%dma_start3A, %dma_start3A_53] : memref<32x144xf32, #tpu.memory_space<vmem>> -> memref<32x144xf32, #tpu.memory_space<vmem>>
      %dma_start3A_55 = arith.constant 0 : i32
      %dma_start3A_56 = tpu.memref_slice %arg16[%add3A_20, %dma_start3A_55] : memref<10112x144xf32, #tpu.memory_space<vmem_shared>> -> memref<32x144xf32, #tpu.memory_space<vmem_shared>>
      %dma_start3A_57 = arith.constant 0 : i32
      %dma_start3A_58 = tpu.memref_slice %arg16[%add3A_20, %dma_start3A_57] : memref<10112x144xf32, #tpu.memory_space<vmem_shared>> -> memref<32x144xf32, #tpu.memory_space<vmem_shared>>
      %dma_start3A_59 = arith.constant 0 : i32
      %dma_start3A_60 = arith.constant 0 : i32
      %dma_start3A_61 = tpu.memref_slice %arg12[%dma_start3A_59, %dma_start3A_60] : memref<32x144xf32, #tpu.memory_space<vmem>> -> memref<32x144xf32, #tpu.memory_space<vmem>>
      tpu.enqueue_dma source(%dma_start3A_61 : memref<32x144xf32, #tpu.memory_space<vmem>>) target(%dma_start3A_58 : memref<32x144xf32, #tpu.memory_space<vmem_shared>>) target_semaphore(%run_scoped3A : memref<!tpu.dma_semaphore, #tpu.memory_space<semaphore_mem>>)
      %dma_wait3A = arith.constant 0 : i32
      %dma_wait3A_62 = arith.constant 0 : i32
      %dma_wait3A_63 = tpu.memref_slice %arg12[%dma_wait3A, %dma_wait3A_62] : memref<32x144xf32, #tpu.memory_space<vmem>> -> memref<32x144xf32, #tpu.memory_space<vmem>>
      %dma_wait3A_64 = arith.constant 0 : i32
      %dma_wait3A_65 = tpu.memref_slice %arg16[%add3A_20, %dma_wait3A_64] : memref<10112x144xf32, #tpu.memory_space<vmem_shared>> -> memref<32x144xf32, #tpu.memory_space<vmem_shared>>
      %dma_wait3A_66 = arith.constant 0 : i32
      %dma_wait3A_67 = tpu.memref_slice %arg16[%add3A_20, %dma_wait3A_66] : memref<10112x144xf32, #tpu.memory_space<vmem_shared>> -> memref<32x144xf32, #tpu.memory_space<vmem_shared>>
      %dma_wait3A_68 = arith.constant 0 : i32
      %dma_wait3A_69 = arith.constant 0 : i32
      %dma_wait3A_70 = tpu.memref_slice %arg12[%dma_wait3A_68, %dma_wait3A_69] : memref<32x144xf32, #tpu.memory_space<vmem>> -> memref<32x144xf32, #tpu.memory_space<vmem>>
      tpu.wait_dma2 semaphore(%run_scoped3A : memref<!tpu.dma_semaphore, #tpu.memory_space<semaphore_mem>>) src(%dma_wait3A_70 : memref<32x144xf32, #tpu.memory_space<vmem>>) dst(%dma_wait3A_67 : memref<32x144xf32, #tpu.memory_space<vmem_shared>>)
      tpu.yield
    }) : () -> ()
    %add3A_21 = arith.constant 256 : i32
    %add3A_22 = arith.addi %mul3A_5, %add3A_21 : i32
    "tpu.region"() ({
      %run_scoped3A = tpu.sem_alloc : memref<!tpu.dma_semaphore, #tpu.memory_space<semaphore_mem>>
      %dma_start3A = arith.constant 0 : i32
      %dma_start3A_53 = arith.constant 0 : i32
      %dma_start3A_54 = tpu.memref_slice %arg12[%dma_start3A, %dma_start3A_53] : memref<32x144xf32, #tpu.memory_space<vmem>> -> memref<32x144xf32, #tpu.memory_space<vmem>>
      %dma_start3A_55 = arith.constant 0 : i32
      %dma_start3A_56 = tpu.memref_slice %arg16[%add3A_22, %dma_start3A_55] : memref<10112x144xf32, #tpu.memory_space<vmem_shared>> -> memref<32x144xf32, #tpu.memory_space<vmem_shared>>
      %dma_start3A_57 = arith.constant 0 : i32
      %dma_start3A_58 = tpu.memref_slice %arg16[%add3A_22, %dma_start3A_57] : memref<10112x144xf32, #tpu.memory_space<vmem_shared>> -> memref<32x144xf32, #tpu.memory_space<vmem_shared>>
      %dma_start3A_59 = arith.constant 0 : i32
      %dma_start3A_60 = arith.constant 0 : i32
      %dma_start3A_61 = tpu.memref_slice %arg12[%dma_start3A_59, %dma_start3A_60] : memref<32x144xf32, #tpu.memory_space<vmem>> -> memref<32x144xf32, #tpu.memory_space<vmem>>
      tpu.enqueue_dma source(%dma_start3A_61 : memref<32x144xf32, #tpu.memory_space<vmem>>) target(%dma_start3A_58 : memref<32x144xf32, #tpu.memory_space<vmem_shared>>) target_semaphore(%run_scoped3A : memref<!tpu.dma_semaphore, #tpu.memory_space<semaphore_mem>>)
      %dma_wait3A = arith.constant 0 : i32
      %dma_wait3A_62 = arith.constant 0 : i32
      %dma_wait3A_63 = tpu.memref_slice %arg12[%dma_wait3A, %dma_wait3A_62] : memref<32x144xf32, #tpu.memory_space<vmem>> -> memref<32x144xf32, #tpu.memory_space<vmem>>
      %dma_wait3A_64 = arith.constant 0 : i32
      %dma_wait3A_65 = tpu.memref_slice %arg16[%add3A_22, %dma_wait3A_64] : memref<10112x144xf32, #tpu.memory_space<vmem_shared>> -> memref<32x144xf32, #tpu.memory_space<vmem_shared>>
      %dma_wait3A_66 = arith.constant 0 : i32
      %dma_wait3A_67 = tpu.memref_slice %arg16[%add3A_22, %dma_wait3A_66] : memref<10112x144xf32, #tpu.memory_space<vmem_shared>> -> memref<32x144xf32, #tpu.memory_space<vmem_shared>>
      %dma_wait3A_68 = arith.constant 0 : i32
      %dma_wait3A_69 = arith.constant 0 : i32
      %dma_wait3A_70 = tpu.memref_slice %arg12[%dma_wait3A_68, %dma_wait3A_69] : memref<32x144xf32, #tpu.memory_space<vmem>> -> memref<32x144xf32, #tpu.memory_space<vmem>>
      tpu.wait_dma2 semaphore(%run_scoped3A : memref<!tpu.dma_semaphore, #tpu.memory_space<semaphore_mem>>) src(%dma_wait3A_70 : memref<32x144xf32, #tpu.memory_space<vmem>>) dst(%dma_wait3A_67 : memref<32x144xf32, #tpu.memory_space<vmem_shared>>)
      tpu.yield
    }) : () -> ()
    %add3A_23 = arith.constant 288 : i32
    %add3A_24 = arith.addi %mul3A_5, %add3A_23 : i32
    "tpu.region"() ({
      %run_scoped3A = tpu.sem_alloc : memref<!tpu.dma_semaphore, #tpu.memory_space<semaphore_mem>>
      %dma_start3A = arith.constant 0 : i32
      %dma_start3A_53 = arith.constant 0 : i32
      %dma_start3A_54 = tpu.memref_slice %arg12[%dma_start3A, %dma_start3A_53] : memref<32x144xf32, #tpu.memory_space<vmem>> -> memref<32x144xf32, #tpu.memory_space<vmem>>
      %dma_start3A_55 = arith.constant 0 : i32
      %dma_start3A_56 = tpu.memref_slice %arg16[%add3A_24, %dma_start3A_55] : memref<10112x144xf32, #tpu.memory_space<vmem_shared>> -> memref<32x144xf32, #tpu.memory_space<vmem_shared>>
      %dma_start3A_57 = arith.constant 0 : i32
      %dma_start3A_58 = tpu.memref_slice %arg16[%add3A_24, %dma_start3A_57] : memref<10112x144xf32, #tpu.memory_space<vmem_shared>> -> memref<32x144xf32, #tpu.memory_space<vmem_shared>>
      %dma_start3A_59 = arith.constant 0 : i32
      %dma_start3A_60 = arith.constant 0 : i32
      %dma_start3A_61 = tpu.memref_slice %arg12[%dma_start3A_59, %dma_start3A_60] : memref<32x144xf32, #tpu.memory_space<vmem>> -> memref<32x144xf32, #tpu.memory_space<vmem>>
      tpu.enqueue_dma source(%dma_start3A_61 : memref<32x144xf32, #tpu.memory_space<vmem>>) target(%dma_start3A_58 : memref<32x144xf32, #tpu.memory_space<vmem_shared>>) target_semaphore(%run_scoped3A : memref<!tpu.dma_semaphore, #tpu.memory_space<semaphore_mem>>)
      %dma_wait3A = arith.constant 0 : i32
      %dma_wait3A_62 = arith.constant 0 : i32
      %dma_wait3A_63 = tpu.memref_slice %arg12[%dma_wait3A, %dma_wait3A_62] : memref<32x144xf32, #tpu.memory_space<vmem>> -> memref<32x144xf32, #tpu.memory_space<vmem>>
      %dma_wait3A_64 = arith.constant 0 : i32
      %dma_wait3A_65 = tpu.memref_slice %arg16[%add3A_24, %dma_wait3A_64] : memref<10112x144xf32, #tpu.memory_space<vmem_shared>> -> memref<32x144xf32, #tpu.memory_space<vmem_shared>>
      %dma_wait3A_66 = arith.constant 0 : i32
      %dma_wait3A_67 = tpu.memref_slice %arg16[%add3A_24, %dma_wait3A_66] : memref<10112x144xf32, #tpu.memory_space<vmem_shared>> -> memref<32x144xf32, #tpu.memory_space<vmem_shared>>
      %dma_wait3A_68 = arith.constant 0 : i32
      %dma_wait3A_69 = arith.constant 0 : i32
      %dma_wait3A_70 = tpu.memref_slice %arg12[%dma_wait3A_68, %dma_wait3A_69] : memref<32x144xf32, #tpu.memory_space<vmem>> -> memref<32x144xf32, #tpu.memory_space<vmem>>
      tpu.wait_dma2 semaphore(%run_scoped3A : memref<!tpu.dma_semaphore, #tpu.memory_space<semaphore_mem>>) src(%dma_wait3A_70 : memref<32x144xf32, #tpu.memory_space<vmem>>) dst(%dma_wait3A_67 : memref<32x144xf32, #tpu.memory_space<vmem_shared>>)
      tpu.yield
    }) : () -> ()
    %add3A_25 = arith.constant 320 : i32
    %add3A_26 = arith.addi %mul3A_5, %add3A_25 : i32
    "tpu.region"() ({
      %run_scoped3A = tpu.sem_alloc : memref<!tpu.dma_semaphore, #tpu.memory_space<semaphore_mem>>
      %dma_start3A = arith.constant 0 : i32
      %dma_start3A_53 = arith.constant 0 : i32
      %dma_start3A_54 = tpu.memref_slice %arg12[%dma_start3A, %dma_start3A_53] : memref<32x144xf32, #tpu.memory_space<vmem>> -> memref<32x144xf32, #tpu.memory_space<vmem>>
      %dma_start3A_55 = arith.constant 0 : i32
      %dma_start3A_56 = tpu.memref_slice %arg16[%add3A_26, %dma_start3A_55] : memref<10112x144xf32, #tpu.memory_space<vmem_shared>> -> memref<32x144xf32, #tpu.memory_space<vmem_shared>>
      %dma_start3A_57 = arith.constant 0 : i32
      %dma_start3A_58 = tpu.memref_slice %arg16[%add3A_26, %dma_start3A_57] : memref<10112x144xf32, #tpu.memory_space<vmem_shared>> -> memref<32x144xf32, #tpu.memory_space<vmem_shared>>
      %dma_start3A_59 = arith.constant 0 : i32
      %dma_start3A_60 = arith.constant 0 : i32
      %dma_start3A_61 = tpu.memref_slice %arg12[%dma_start3A_59, %dma_start3A_60] : memref<32x144xf32, #tpu.memory_space<vmem>> -> memref<32x144xf32, #tpu.memory_space<vmem>>
      tpu.enqueue_dma source(%dma_start3A_61 : memref<32x144xf32, #tpu.memory_space<vmem>>) target(%dma_start3A_58 : memref<32x144xf32, #tpu.memory_space<vmem_shared>>) target_semaphore(%run_scoped3A : memref<!tpu.dma_semaphore, #tpu.memory_space<semaphore_mem>>)
      %dma_wait3A = arith.constant 0 : i32
      %dma_wait3A_62 = arith.constant 0 : i32
      %dma_wait3A_63 = tpu.memref_slice %arg12[%dma_wait3A, %dma_wait3A_62] : memref<32x144xf32, #tpu.memory_space<vmem>> -> memref<32x144xf32, #tpu.memory_space<vmem>>
      %dma_wait3A_64 = arith.constant 0 : i32
      %dma_wait3A_65 = tpu.memref_slice %arg16[%add3A_26, %dma_wait3A_64] : memref<10112x144xf32, #tpu.memory_space<vmem_shared>> -> memref<32x144xf32, #tpu.memory_space<vmem_shared>>
      %dma_wait3A_66 = arith.constant 0 : i32
      %dma_wait3A_67 = tpu.memref_slice %arg16[%add3A_26, %dma_wait3A_66] : memref<10112x144xf32, #tpu.memory_space<vmem_shared>> -> memref<32x144xf32, #tpu.memory_space<vmem_shared>>
      %dma_wait3A_68 = arith.constant 0 : i32
      %dma_wait3A_69 = arith.constant 0 : i32
      %dma_wait3A_70 = tpu.memref_slice %arg12[%dma_wait3A_68, %dma_wait3A_69] : memref<32x144xf32, #tpu.memory_space<vmem>> -> memref<32x144xf32, #tpu.memory_space<vmem>>
      tpu.wait_dma2 semaphore(%run_scoped3A : memref<!tpu.dma_semaphore, #tpu.memory_space<semaphore_mem>>) src(%dma_wait3A_70 : memref<32x144xf32, #tpu.memory_space<vmem>>) dst(%dma_wait3A_67 : memref<32x144xf32, #tpu.memory_space<vmem_shared>>)
      tpu.yield
    }) : () -> ()
    %add3A_27 = arith.constant 352 : i32
    %add3A_28 = arith.addi %mul3A_5, %add3A_27 : i32
    "tpu.region"() ({
      %run_scoped3A = tpu.sem_alloc : memref<!tpu.dma_semaphore, #tpu.memory_space<semaphore_mem>>
      %dma_start3A = arith.constant 0 : i32
      %dma_start3A_53 = arith.constant 0 : i32
      %dma_start3A_54 = tpu.memref_slice %arg12[%dma_start3A, %dma_start3A_53] : memref<32x144xf32, #tpu.memory_space<vmem>> -> memref<32x144xf32, #tpu.memory_space<vmem>>
      %dma_start3A_55 = arith.constant 0 : i32
      %dma_start3A_56 = tpu.memref_slice %arg16[%add3A_28, %dma_start3A_55] : memref<10112x144xf32, #tpu.memory_space<vmem_shared>> -> memref<32x144xf32, #tpu.memory_space<vmem_shared>>
      %dma_start3A_57 = arith.constant 0 : i32
      %dma_start3A_58 = tpu.memref_slice %arg16[%add3A_28, %dma_start3A_57] : memref<10112x144xf32, #tpu.memory_space<vmem_shared>> -> memref<32x144xf32, #tpu.memory_space<vmem_shared>>
      %dma_start3A_59 = arith.constant 0 : i32
      %dma_start3A_60 = arith.constant 0 : i32
      %dma_start3A_61 = tpu.memref_slice %arg12[%dma_start3A_59, %dma_start3A_60] : memref<32x144xf32, #tpu.memory_space<vmem>> -> memref<32x144xf32, #tpu.memory_space<vmem>>
      tpu.enqueue_dma source(%dma_start3A_61 : memref<32x144xf32, #tpu.memory_space<vmem>>) target(%dma_start3A_58 : memref<32x144xf32, #tpu.memory_space<vmem_shared>>) target_semaphore(%run_scoped3A : memref<!tpu.dma_semaphore, #tpu.memory_space<semaphore_mem>>)
      %dma_wait3A = arith.constant 0 : i32
      %dma_wait3A_62 = arith.constant 0 : i32
      %dma_wait3A_63 = tpu.memref_slice %arg12[%dma_wait3A, %dma_wait3A_62] : memref<32x144xf32, #tpu.memory_space<vmem>> -> memref<32x144xf32, #tpu.memory_space<vmem>>
      %dma_wait3A_64 = arith.constant 0 : i32
      %dma_wait3A_65 = tpu.memref_slice %arg16[%add3A_28, %dma_wait3A_64] : memref<10112x144xf32, #tpu.memory_space<vmem_shared>> -> memref<32x144xf32, #tpu.memory_space<vmem_shared>>
      %dma_wait3A_66 = arith.constant 0 : i32
      %dma_wait3A_67 = tpu.memref_slice %arg16[%add3A_28, %dma_wait3A_66] : memref<10112x144xf32, #tpu.memory_space<vmem_shared>> -> memref<32x144xf32, #tpu.memory_space<vmem_shared>>
      %dma_wait3A_68 = arith.constant 0 : i32
      %dma_wait3A_69 = arith.constant 0 : i32
      %dma_wait3A_70 = tpu.memref_slice %arg12[%dma_wait3A_68, %dma_wait3A_69] : memref<32x144xf32, #tpu.memory_space<vmem>> -> memref<32x144xf32, #tpu.memory_space<vmem>>
      tpu.wait_dma2 semaphore(%run_scoped3A : memref<!tpu.dma_semaphore, #tpu.memory_space<semaphore_mem>>) src(%dma_wait3A_70 : memref<32x144xf32, #tpu.memory_space<vmem>>) dst(%dma_wait3A_67 : memref<32x144xf32, #tpu.memory_space<vmem_shared>>)
      tpu.yield
    }) : () -> ()
    %add3A_29 = arith.constant 384 : i32
    %add3A_30 = arith.addi %mul3A_5, %add3A_29 : i32
    "tpu.region"() ({
      %run_scoped3A = tpu.sem_alloc : memref<!tpu.dma_semaphore, #tpu.memory_space<semaphore_mem>>
      %dma_start3A = arith.constant 0 : i32
      %dma_start3A_53 = arith.constant 0 : i32
      %dma_start3A_54 = tpu.memref_slice %arg12[%dma_start3A, %dma_start3A_53] : memref<32x144xf32, #tpu.memory_space<vmem>> -> memref<32x144xf32, #tpu.memory_space<vmem>>
      %dma_start3A_55 = arith.constant 0 : i32
      %dma_start3A_56 = tpu.memref_slice %arg16[%add3A_30, %dma_start3A_55] : memref<10112x144xf32, #tpu.memory_space<vmem_shared>> -> memref<32x144xf32, #tpu.memory_space<vmem_shared>>
      %dma_start3A_57 = arith.constant 0 : i32
      %dma_start3A_58 = tpu.memref_slice %arg16[%add3A_30, %dma_start3A_57] : memref<10112x144xf32, #tpu.memory_space<vmem_shared>> -> memref<32x144xf32, #tpu.memory_space<vmem_shared>>
      %dma_start3A_59 = arith.constant 0 : i32
      %dma_start3A_60 = arith.constant 0 : i32
      %dma_start3A_61 = tpu.memref_slice %arg12[%dma_start3A_59, %dma_start3A_60] : memref<32x144xf32, #tpu.memory_space<vmem>> -> memref<32x144xf32, #tpu.memory_space<vmem>>
      tpu.enqueue_dma source(%dma_start3A_61 : memref<32x144xf32, #tpu.memory_space<vmem>>) target(%dma_start3A_58 : memref<32x144xf32, #tpu.memory_space<vmem_shared>>) target_semaphore(%run_scoped3A : memref<!tpu.dma_semaphore, #tpu.memory_space<semaphore_mem>>)
      %dma_wait3A = arith.constant 0 : i32
      %dma_wait3A_62 = arith.constant 0 : i32
      %dma_wait3A_63 = tpu.memref_slice %arg12[%dma_wait3A, %dma_wait3A_62] : memref<32x144xf32, #tpu.memory_space<vmem>> -> memref<32x144xf32, #tpu.memory_space<vmem>>
      %dma_wait3A_64 = arith.constant 0 : i32
      %dma_wait3A_65 = tpu.memref_slice %arg16[%add3A_30, %dma_wait3A_64] : memref<10112x144xf32, #tpu.memory_space<vmem_shared>> -> memref<32x144xf32, #tpu.memory_space<vmem_shared>>
      %dma_wait3A_66 = arith.constant 0 : i32
      %dma_wait3A_67 = tpu.memref_slice %arg16[%add3A_30, %dma_wait3A_66] : memref<10112x144xf32, #tpu.memory_space<vmem_shared>> -> memref<32x144xf32, #tpu.memory_space<vmem_shared>>
      %dma_wait3A_68 = arith.constant 0 : i32
      %dma_wait3A_69 = arith.constant 0 : i32
      %dma_wait3A_70 = tpu.memref_slice %arg12[%dma_wait3A_68, %dma_wait3A_69] : memref<32x144xf32, #tpu.memory_space<vmem>> -> memref<32x144xf32, #tpu.memory_space<vmem>>
      tpu.wait_dma2 semaphore(%run_scoped3A : memref<!tpu.dma_semaphore, #tpu.memory_space<semaphore_mem>>) src(%dma_wait3A_70 : memref<32x144xf32, #tpu.memory_space<vmem>>) dst(%dma_wait3A_67 : memref<32x144xf32, #tpu.memory_space<vmem_shared>>)
      tpu.yield
    }) : () -> ()
    %add3A_31 = arith.constant 416 : i32
    %add3A_32 = arith.addi %mul3A_5, %add3A_31 : i32
    "tpu.region"() ({
      %run_scoped3A = tpu.sem_alloc : memref<!tpu.dma_semaphore, #tpu.memory_space<semaphore_mem>>
      %dma_start3A = arith.constant 0 : i32
      %dma_start3A_53 = arith.constant 0 : i32
      %dma_start3A_54 = tpu.memref_slice %arg12[%dma_start3A, %dma_start3A_53] : memref<32x144xf32, #tpu.memory_space<vmem>> -> memref<32x144xf32, #tpu.memory_space<vmem>>
      %dma_start3A_55 = arith.constant 0 : i32
      %dma_start3A_56 = tpu.memref_slice %arg16[%add3A_32, %dma_start3A_55] : memref<10112x144xf32, #tpu.memory_space<vmem_shared>> -> memref<32x144xf32, #tpu.memory_space<vmem_shared>>
      %dma_start3A_57 = arith.constant 0 : i32
      %dma_start3A_58 = tpu.memref_slice %arg16[%add3A_32, %dma_start3A_57] : memref<10112x144xf32, #tpu.memory_space<vmem_shared>> -> memref<32x144xf32, #tpu.memory_space<vmem_shared>>
      %dma_start3A_59 = arith.constant 0 : i32
      %dma_start3A_60 = arith.constant 0 : i32
      %dma_start3A_61 = tpu.memref_slice %arg12[%dma_start3A_59, %dma_start3A_60] : memref<32x144xf32, #tpu.memory_space<vmem>> -> memref<32x144xf32, #tpu.memory_space<vmem>>
      tpu.enqueue_dma source(%dma_start3A_61 : memref<32x144xf32, #tpu.memory_space<vmem>>) target(%dma_start3A_58 : memref<32x144xf32, #tpu.memory_space<vmem_shared>>) target_semaphore(%run_scoped3A : memref<!tpu.dma_semaphore, #tpu.memory_space<semaphore_mem>>)
      %dma_wait3A = arith.constant 0 : i32
      %dma_wait3A_62 = arith.constant 0 : i32
      %dma_wait3A_63 = tpu.memref_slice %arg12[%dma_wait3A, %dma_wait3A_62] : memref<32x144xf32, #tpu.memory_space<vmem>> -> memref<32x144xf32, #tpu.memory_space<vmem>>
      %dma_wait3A_64 = arith.constant 0 : i32
      %dma_wait3A_65 = tpu.memref_slice %arg16[%add3A_32, %dma_wait3A_64] : memref<10112x144xf32, #tpu.memory_space<vmem_shared>> -> memref<32x144xf32, #tpu.memory_space<vmem_shared>>
      %dma_wait3A_66 = arith.constant 0 : i32
      %dma_wait3A_67 = tpu.memref_slice %arg16[%add3A_32, %dma_wait3A_66] : memref<10112x144xf32, #tpu.memory_space<vmem_shared>> -> memref<32x144xf32, #tpu.memory_space<vmem_shared>>
      %dma_wait3A_68 = arith.constant 0 : i32
      %dma_wait3A_69 = arith.constant 0 : i32
      %dma_wait3A_70 = tpu.memref_slice %arg12[%dma_wait3A_68, %dma_wait3A_69] : memref<32x144xf32, #tpu.memory_space<vmem>> -> memref<32x144xf32, #tpu.memory_space<vmem>>
      tpu.wait_dma2 semaphore(%run_scoped3A : memref<!tpu.dma_semaphore, #tpu.memory_space<semaphore_mem>>) src(%dma_wait3A_70 : memref<32x144xf32, #tpu.memory_space<vmem>>) dst(%dma_wait3A_67 : memref<32x144xf32, #tpu.memory_space<vmem_shared>>)
      tpu.yield
    }) : () -> ()
    %add3A_33 = arith.constant 448 : i32
    %add3A_34 = arith.addi %mul3A_5, %add3A_33 : i32
    "tpu.region"() ({
      %run_scoped3A = tpu.sem_alloc : memref<!tpu.dma_semaphore, #tpu.memory_space<semaphore_mem>>
      %dma_start3A = arith.constant 0 : i32
      %dma_start3A_53 = arith.constant 0 : i32
      %dma_start3A_54 = tpu.memref_slice %arg12[%dma_start3A, %dma_start3A_53] : memref<32x144xf32, #tpu.memory_space<vmem>> -> memref<32x144xf32, #tpu.memory_space<vmem>>
      %dma_start3A_55 = arith.constant 0 : i32
      %dma_start3A_56 = tpu.memref_slice %arg16[%add3A_34, %dma_start3A_55] : memref<10112x144xf32, #tpu.memory_space<vmem_shared>> -> memref<32x144xf32, #tpu.memory_space<vmem_shared>>
      %dma_start3A_57 = arith.constant 0 : i32
      %dma_start3A_58 = tpu.memref_slice %arg16[%add3A_34, %dma_start3A_57] : memref<10112x144xf32, #tpu.memory_space<vmem_shared>> -> memref<32x144xf32, #tpu.memory_space<vmem_shared>>
      %dma_start3A_59 = arith.constant 0 : i32
      %dma_start3A_60 = arith.constant 0 : i32
      %dma_start3A_61 = tpu.memref_slice %arg12[%dma_start3A_59, %dma_start3A_60] : memref<32x144xf32, #tpu.memory_space<vmem>> -> memref<32x144xf32, #tpu.memory_space<vmem>>
      tpu.enqueue_dma source(%dma_start3A_61 : memref<32x144xf32, #tpu.memory_space<vmem>>) target(%dma_start3A_58 : memref<32x144xf32, #tpu.memory_space<vmem_shared>>) target_semaphore(%run_scoped3A : memref<!tpu.dma_semaphore, #tpu.memory_space<semaphore_mem>>)
      %dma_wait3A = arith.constant 0 : i32
      %dma_wait3A_62 = arith.constant 0 : i32
      %dma_wait3A_63 = tpu.memref_slice %arg12[%dma_wait3A, %dma_wait3A_62] : memref<32x144xf32, #tpu.memory_space<vmem>> -> memref<32x144xf32, #tpu.memory_space<vmem>>
      %dma_wait3A_64 = arith.constant 0 : i32
      %dma_wait3A_65 = tpu.memref_slice %arg16[%add3A_34, %dma_wait3A_64] : memref<10112x144xf32, #tpu.memory_space<vmem_shared>> -> memref<32x144xf32, #tpu.memory_space<vmem_shared>>
      %dma_wait3A_66 = arith.constant 0 : i32
      %dma_wait3A_67 = tpu.memref_slice %arg16[%add3A_34, %dma_wait3A_66] : memref<10112x144xf32, #tpu.memory_space<vmem_shared>> -> memref<32x144xf32, #tpu.memory_space<vmem_shared>>
      %dma_wait3A_68 = arith.constant 0 : i32
      %dma_wait3A_69 = arith.constant 0 : i32
      %dma_wait3A_70 = tpu.memref_slice %arg12[%dma_wait3A_68, %dma_wait3A_69] : memref<32x144xf32, #tpu.memory_space<vmem>> -> memref<32x144xf32, #tpu.memory_space<vmem>>
      tpu.wait_dma2 semaphore(%run_scoped3A : memref<!tpu.dma_semaphore, #tpu.memory_space<semaphore_mem>>) src(%dma_wait3A_70 : memref<32x144xf32, #tpu.memory_space<vmem>>) dst(%dma_wait3A_67 : memref<32x144xf32, #tpu.memory_space<vmem_shared>>)
      tpu.yield
    }) : () -> ()
    %add3A_35 = arith.constant 480 : i32
    %add3A_36 = arith.addi %mul3A_5, %add3A_35 : i32
    "tpu.region"() ({
      %run_scoped3A = tpu.sem_alloc : memref<!tpu.dma_semaphore, #tpu.memory_space<semaphore_mem>>
      %dma_start3A = arith.constant 0 : i32
      %dma_start3A_53 = arith.constant 0 : i32
      %dma_start3A_54 = tpu.memref_slice %arg12[%dma_start3A, %dma_start3A_53] : memref<32x144xf32, #tpu.memory_space<vmem>> -> memref<32x144xf32, #tpu.memory_space<vmem>>
      %dma_start3A_55 = arith.constant 0 : i32
      %dma_start3A_56 = tpu.memref_slice %arg16[%add3A_36, %dma_start3A_55] : memref<10112x144xf32, #tpu.memory_space<vmem_shared>> -> memref<32x144xf32, #tpu.memory_space<vmem_shared>>
      %dma_start3A_57 = arith.constant 0 : i32
      %dma_start3A_58 = tpu.memref_slice %arg16[%add3A_36, %dma_start3A_57] : memref<10112x144xf32, #tpu.memory_space<vmem_shared>> -> memref<32x144xf32, #tpu.memory_space<vmem_shared>>
      %dma_start3A_59 = arith.constant 0 : i32
      %dma_start3A_60 = arith.constant 0 : i32
      %dma_start3A_61 = tpu.memref_slice %arg12[%dma_start3A_59, %dma_start3A_60] : memref<32x144xf32, #tpu.memory_space<vmem>> -> memref<32x144xf32, #tpu.memory_space<vmem>>
      tpu.enqueue_dma source(%dma_start3A_61 : memref<32x144xf32, #tpu.memory_space<vmem>>) target(%dma_start3A_58 : memref<32x144xf32, #tpu.memory_space<vmem_shared>>) target_semaphore(%run_scoped3A : memref<!tpu.dma_semaphore, #tpu.memory_space<semaphore_mem>>)
      %dma_wait3A = arith.constant 0 : i32
      %dma_wait3A_62 = arith.constant 0 : i32
      %dma_wait3A_63 = tpu.memref_slice %arg12[%dma_wait3A, %dma_wait3A_62] : memref<32x144xf32, #tpu.memory_space<vmem>> -> memref<32x144xf32, #tpu.memory_space<vmem>>
      %dma_wait3A_64 = arith.constant 0 : i32
      %dma_wait3A_65 = tpu.memref_slice %arg16[%add3A_36, %dma_wait3A_64] : memref<10112x144xf32, #tpu.memory_space<vmem_shared>> -> memref<32x144xf32, #tpu.memory_space<vmem_shared>>
      %dma_wait3A_66 = arith.constant 0 : i32
      %dma_wait3A_67 = tpu.memref_slice %arg16[%add3A_36, %dma_wait3A_66] : memref<10112x144xf32, #tpu.memory_space<vmem_shared>> -> memref<32x144xf32, #tpu.memory_space<vmem_shared>>
      %dma_wait3A_68 = arith.constant 0 : i32
      %dma_wait3A_69 = arith.constant 0 : i32
      %dma_wait3A_70 = tpu.memref_slice %arg12[%dma_wait3A_68, %dma_wait3A_69] : memref<32x144xf32, #tpu.memory_space<vmem>> -> memref<32x144xf32, #tpu.memory_space<vmem>>
      tpu.wait_dma2 semaphore(%run_scoped3A : memref<!tpu.dma_semaphore, #tpu.memory_space<semaphore_mem>>) src(%dma_wait3A_70 : memref<32x144xf32, #tpu.memory_space<vmem>>) dst(%dma_wait3A_67 : memref<32x144xf32, #tpu.memory_space<vmem_shared>>)
      tpu.yield
    }) : () -> ()
    %add3A_37 = arith.constant 512 : i32
    %add3A_38 = arith.addi %mul3A_5, %add3A_37 : i32
    "tpu.region"() ({
      %run_scoped3A = tpu.sem_alloc : memref<!tpu.dma_semaphore, #tpu.memory_space<semaphore_mem>>
      %dma_start3A = arith.constant 0 : i32
      %dma_start3A_53 = arith.constant 0 : i32
      %dma_start3A_54 = tpu.memref_slice %arg12[%dma_start3A, %dma_start3A_53] : memref<32x144xf32, #tpu.memory_space<vmem>> -> memref<32x144xf32, #tpu.memory_space<vmem>>
      %dma_start3A_55 = arith.constant 0 : i32
      %dma_start3A_56 = tpu.memref_slice %arg16[%add3A_38, %dma_start3A_55] : memref<10112x144xf32, #tpu.memory_space<vmem_shared>> -> memref<32x144xf32, #tpu.memory_space<vmem_shared>>
      %dma_start3A_57 = arith.constant 0 : i32
      %dma_start3A_58 = tpu.memref_slice %arg16[%add3A_38, %dma_start3A_57] : memref<10112x144xf32, #tpu.memory_space<vmem_shared>> -> memref<32x144xf32, #tpu.memory_space<vmem_shared>>
      %dma_start3A_59 = arith.constant 0 : i32
      %dma_start3A_60 = arith.constant 0 : i32
      %dma_start3A_61 = tpu.memref_slice %arg12[%dma_start3A_59, %dma_start3A_60] : memref<32x144xf32, #tpu.memory_space<vmem>> -> memref<32x144xf32, #tpu.memory_space<vmem>>
      tpu.enqueue_dma source(%dma_start3A_61 : memref<32x144xf32, #tpu.memory_space<vmem>>) target(%dma_start3A_58 : memref<32x144xf32, #tpu.memory_space<vmem_shared>>) target_semaphore(%run_scoped3A : memref<!tpu.dma_semaphore, #tpu.memory_space<semaphore_mem>>)
      %dma_wait3A = arith.constant 0 : i32
      %dma_wait3A_62 = arith.constant 0 : i32
      %dma_wait3A_63 = tpu.memref_slice %arg12[%dma_wait3A, %dma_wait3A_62] : memref<32x144xf32, #tpu.memory_space<vmem>> -> memref<32x144xf32, #tpu.memory_space<vmem>>
      %dma_wait3A_64 = arith.constant 0 : i32
      %dma_wait3A_65 = tpu.memref_slice %arg16[%add3A_38, %dma_wait3A_64] : memref<10112x144xf32, #tpu.memory_space<vmem_shared>> -> memref<32x144xf32, #tpu.memory_space<vmem_shared>>
      %dma_wait3A_66 = arith.constant 0 : i32
      %dma_wait3A_67 = tpu.memref_slice %arg16[%add3A_38, %dma_wait3A_66] : memref<10112x144xf32, #tpu.memory_space<vmem_shared>> -> memref<32x144xf32, #tpu.memory_space<vmem_shared>>
      %dma_wait3A_68 = arith.constant 0 : i32
      %dma_wait3A_69 = arith.constant 0 : i32
      %dma_wait3A_70 = tpu.memref_slice %arg12[%dma_wait3A_68, %dma_wait3A_69] : memref<32x144xf32, #tpu.memory_space<vmem>> -> memref<32x144xf32, #tpu.memory_space<vmem>>
      tpu.wait_dma2 semaphore(%run_scoped3A : memref<!tpu.dma_semaphore, #tpu.memory_space<semaphore_mem>>) src(%dma_wait3A_70 : memref<32x144xf32, #tpu.memory_space<vmem>>) dst(%dma_wait3A_67 : memref<32x144xf32, #tpu.memory_space<vmem_shared>>)
      tpu.yield
    }) : () -> ()
    %add3A_39 = arith.constant 544 : i32
    %add3A_40 = arith.addi %mul3A_5, %add3A_39 : i32
    "tpu.region"() ({
      %run_scoped3A = tpu.sem_alloc : memref<!tpu.dma_semaphore, #tpu.memory_space<semaphore_mem>>
      %dma_start3A = arith.constant 0 : i32
      %dma_start3A_53 = arith.constant 0 : i32
      %dma_start3A_54 = tpu.memref_slice %arg12[%dma_start3A, %dma_start3A_53] : memref<32x144xf32, #tpu.memory_space<vmem>> -> memref<32x144xf32, #tpu.memory_space<vmem>>
      %dma_start3A_55 = arith.constant 0 : i32
      %dma_start3A_56 = tpu.memref_slice %arg16[%add3A_40, %dma_start3A_55] : memref<10112x144xf32, #tpu.memory_space<vmem_shared>> -> memref<32x144xf32, #tpu.memory_space<vmem_shared>>
      %dma_start3A_57 = arith.constant 0 : i32
      %dma_start3A_58 = tpu.memref_slice %arg16[%add3A_40, %dma_start3A_57] : memref<10112x144xf32, #tpu.memory_space<vmem_shared>> -> memref<32x144xf32, #tpu.memory_space<vmem_shared>>
      %dma_start3A_59 = arith.constant 0 : i32
      %dma_start3A_60 = arith.constant 0 : i32
      %dma_start3A_61 = tpu.memref_slice %arg12[%dma_start3A_59, %dma_start3A_60] : memref<32x144xf32, #tpu.memory_space<vmem>> -> memref<32x144xf32, #tpu.memory_space<vmem>>
      tpu.enqueue_dma source(%dma_start3A_61 : memref<32x144xf32, #tpu.memory_space<vmem>>) target(%dma_start3A_58 : memref<32x144xf32, #tpu.memory_space<vmem_shared>>) target_semaphore(%run_scoped3A : memref<!tpu.dma_semaphore, #tpu.memory_space<semaphore_mem>>)
      %dma_wait3A = arith.constant 0 : i32
      %dma_wait3A_62 = arith.constant 0 : i32
      %dma_wait3A_63 = tpu.memref_slice %arg12[%dma_wait3A, %dma_wait3A_62] : memref<32x144xf32, #tpu.memory_space<vmem>> -> memref<32x144xf32, #tpu.memory_space<vmem>>
      %dma_wait3A_64 = arith.constant 0 : i32
      %dma_wait3A_65 = tpu.memref_slice %arg16[%add3A_40, %dma_wait3A_64] : memref<10112x144xf32, #tpu.memory_space<vmem_shared>> -> memref<32x144xf32, #tpu.memory_space<vmem_shared>>
      %dma_wait3A_66 = arith.constant 0 : i32
      %dma_wait3A_67 = tpu.memref_slice %arg16[%add3A_40, %dma_wait3A_66] : memref<10112x144xf32, #tpu.memory_space<vmem_shared>> -> memref<32x144xf32, #tpu.memory_space<vmem_shared>>
      %dma_wait3A_68 = arith.constant 0 : i32
      %dma_wait3A_69 = arith.constant 0 : i32
      %dma_wait3A_70 = tpu.memref_slice %arg12[%dma_wait3A_68, %dma_wait3A_69] : memref<32x144xf32, #tpu.memory_space<vmem>> -> memref<32x144xf32, #tpu.memory_space<vmem>>
      tpu.wait_dma2 semaphore(%run_scoped3A : memref<!tpu.dma_semaphore, #tpu.memory_space<semaphore_mem>>) src(%dma_wait3A_70 : memref<32x144xf32, #tpu.memory_space<vmem>>) dst(%dma_wait3A_67 : memref<32x144xf32, #tpu.memory_space<vmem_shared>>)
      tpu.yield
    }) : () -> ()
    %add3A_41 = arith.constant 576 : i32
    %add3A_42 = arith.addi %mul3A_5, %add3A_41 : i32
    "tpu.region"() ({
      %run_scoped3A = tpu.sem_alloc : memref<!tpu.dma_semaphore, #tpu.memory_space<semaphore_mem>>
      %dma_start3A = arith.constant 0 : i32
      %dma_start3A_53 = arith.constant 0 : i32
      %dma_start3A_54 = tpu.memref_slice %arg12[%dma_start3A, %dma_start3A_53] : memref<32x144xf32, #tpu.memory_space<vmem>> -> memref<32x144xf32, #tpu.memory_space<vmem>>
      %dma_start3A_55 = arith.constant 0 : i32
      %dma_start3A_56 = tpu.memref_slice %arg16[%add3A_42, %dma_start3A_55] : memref<10112x144xf32, #tpu.memory_space<vmem_shared>> -> memref<32x144xf32, #tpu.memory_space<vmem_shared>>
      %dma_start3A_57 = arith.constant 0 : i32
      %dma_start3A_58 = tpu.memref_slice %arg16[%add3A_42, %dma_start3A_57] : memref<10112x144xf32, #tpu.memory_space<vmem_shared>> -> memref<32x144xf32, #tpu.memory_space<vmem_shared>>
      %dma_start3A_59 = arith.constant 0 : i32
      %dma_start3A_60 = arith.constant 0 : i32
      %dma_start3A_61 = tpu.memref_slice %arg12[%dma_start3A_59, %dma_start3A_60] : memref<32x144xf32, #tpu.memory_space<vmem>> -> memref<32x144xf32, #tpu.memory_space<vmem>>
      tpu.enqueue_dma source(%dma_start3A_61 : memref<32x144xf32, #tpu.memory_space<vmem>>) target(%dma_start3A_58 : memref<32x144xf32, #tpu.memory_space<vmem_shared>>) target_semaphore(%run_scoped3A : memref<!tpu.dma_semaphore, #tpu.memory_space<semaphore_mem>>)
      %dma_wait3A = arith.constant 0 : i32
      %dma_wait3A_62 = arith.constant 0 : i32
      %dma_wait3A_63 = tpu.memref_slice %arg12[%dma_wait3A, %dma_wait3A_62] : memref<32x144xf32, #tpu.memory_space<vmem>> -> memref<32x144xf32, #tpu.memory_space<vmem>>
      %dma_wait3A_64 = arith.constant 0 : i32
      %dma_wait3A_65 = tpu.memref_slice %arg16[%add3A_42, %dma_wait3A_64] : memref<10112x144xf32, #tpu.memory_space<vmem_shared>> -> memref<32x144xf32, #tpu.memory_space<vmem_shared>>
      %dma_wait3A_66 = arith.constant 0 : i32
      %dma_wait3A_67 = tpu.memref_slice %arg16[%add3A_42, %dma_wait3A_66] : memref<10112x144xf32, #tpu.memory_space<vmem_shared>> -> memref<32x144xf32, #tpu.memory_space<vmem_shared>>
      %dma_wait3A_68 = arith.constant 0 : i32
      %dma_wait3A_69 = arith.constant 0 : i32
      %dma_wait3A_70 = tpu.memref_slice %arg12[%dma_wait3A_68, %dma_wait3A_69] : memref<32x144xf32, #tpu.memory_space<vmem>> -> memref<32x144xf32, #tpu.memory_space<vmem>>
      tpu.wait_dma2 semaphore(%run_scoped3A : memref<!tpu.dma_semaphore, #tpu.memory_space<semaphore_mem>>) src(%dma_wait3A_70 : memref<32x144xf32, #tpu.memory_space<vmem>>) dst(%dma_wait3A_67 : memref<32x144xf32, #tpu.memory_space<vmem_shared>>)
      tpu.yield
    }) : () -> ()
    %add3A_43 = arith.constant 608 : i32
    %add3A_44 = arith.addi %mul3A_5, %add3A_43 : i32
    "tpu.region"() ({
      %run_scoped3A = tpu.sem_alloc : memref<!tpu.dma_semaphore, #tpu.memory_space<semaphore_mem>>
      %dma_start3A = arith.constant 0 : i32
      %dma_start3A_53 = arith.constant 0 : i32
      %dma_start3A_54 = tpu.memref_slice %arg12[%dma_start3A, %dma_start3A_53] : memref<32x144xf32, #tpu.memory_space<vmem>> -> memref<24x144xf32, #tpu.memory_space<vmem>>
      %dma_start3A_55 = arith.constant 0 : i32
      %dma_start3A_56 = tpu.memref_slice %arg16[%add3A_44, %dma_start3A_55] : memref<10112x144xf32, #tpu.memory_space<vmem_shared>> -> memref<24x144xf32, #tpu.memory_space<vmem_shared>>
      %dma_start3A_57 = arith.constant 0 : i32
      %dma_start3A_58 = tpu.memref_slice %arg16[%add3A_44, %dma_start3A_57] : memref<10112x144xf32, #tpu.memory_space<vmem_shared>> -> memref<24x144xf32, #tpu.memory_space<vmem_shared>>
      %dma_start3A_59 = arith.constant 0 : i32
      %dma_start3A_60 = arith.constant 0 : i32
      %dma_start3A_61 = tpu.memref_slice %arg12[%dma_start3A_59, %dma_start3A_60] : memref<32x144xf32, #tpu.memory_space<vmem>> -> memref<24x144xf32, #tpu.memory_space<vmem>>
      tpu.enqueue_dma source(%dma_start3A_61 : memref<24x144xf32, #tpu.memory_space<vmem>>) target(%dma_start3A_58 : memref<24x144xf32, #tpu.memory_space<vmem_shared>>) target_semaphore(%run_scoped3A : memref<!tpu.dma_semaphore, #tpu.memory_space<semaphore_mem>>)
      %dma_wait3A = arith.constant 0 : i32
      %dma_wait3A_62 = arith.constant 0 : i32
      %dma_wait3A_63 = tpu.memref_slice %arg12[%dma_wait3A, %dma_wait3A_62] : memref<32x144xf32, #tpu.memory_space<vmem>> -> memref<24x144xf32, #tpu.memory_space<vmem>>
      %dma_wait3A_64 = arith.constant 0 : i32
      %dma_wait3A_65 = tpu.memref_slice %arg16[%add3A_44, %dma_wait3A_64] : memref<10112x144xf32, #tpu.memory_space<vmem_shared>> -> memref<24x144xf32, #tpu.memory_space<vmem_shared>>
      %dma_wait3A_66 = arith.constant 0 : i32
      %dma_wait3A_67 = tpu.memref_slice %arg16[%add3A_44, %dma_wait3A_66] : memref<10112x144xf32, #tpu.memory_space<vmem_shared>> -> memref<24x144xf32, #tpu.memory_space<vmem_shared>>
      %dma_wait3A_68 = arith.constant 0 : i32
      %dma_wait3A_69 = arith.constant 0 : i32
      %dma_wait3A_70 = tpu.memref_slice %arg12[%dma_wait3A_68, %dma_wait3A_69] : memref<32x144xf32, #tpu.memory_space<vmem>> -> memref<24x144xf32, #tpu.memory_space<vmem>>
      tpu.wait_dma2 semaphore(%run_scoped3A : memref<!tpu.dma_semaphore, #tpu.memory_space<semaphore_mem>>) src(%dma_wait3A_70 : memref<24x144xf32, #tpu.memory_space<vmem>>) dst(%dma_wait3A_67 : memref<24x144xf32, #tpu.memory_space<vmem_shared>>)
      tpu.yield
    }) : () -> ()
    %barrier3A = arith.constant 0 : index
    tpu.barrier barrier_id(%barrier3A)
    %iota3A = tpu.iota {dimensions = array<i32: 0>} : vector<16xi32>
    %broadcast_in_dim3A_45 = arith.constant 1 : i32
    %broadcast_in_dim3A_46 = vector.broadcast %broadcast_in_dim3A_45 : i32 to vector<16xi32>
    %scan3A_47 = arith.constant 0 : i32
    %scan3A_48 = arith.constant 5 : i32
    %scan3A_49 = arith.addi %scan3A_47, %scan3A_48 : i32
    %scan3A_50 = arith.constant 1 : i32
    scf.for %scan3A_53 = %scan3A_47 to %scan3A_49 step %scan3A_50  : i32 {
      "tpu.region"() ({
        %run_scoped3A = tpu.sem_alloc : memref<!tpu.dma_semaphore, #tpu.memory_space<semaphore_mem>>
        %dma_start3A_882 = arith.constant 0 : i32
        %dma_start3A_883 = arith.constant 0 : i32
        %dma_start3A_884 = tpu.memref_slice %arg4[%arg1, %scan3A_53, %dma_start3A_882, %dma_start3A_883] : memref<16x5x128x32xi32, #tpu.memory_space<hbm>> -> memref<1x1x128x32xi32, #tpu.memory_space<hbm>>
        %dma_start3A_885 = tpu.memref_squeeze %dma_start3A_884 : memref<1x1x128x32xi32, #tpu.memory_space<hbm>> -> memref<128x32xi32, #tpu.memory_space<hbm>>
        %dma_start3A_886 = arith.constant 0 : i32
        %dma_start3A_887 = arith.constant 0 : i32
        %dma_start3A_888 = tpu.memref_slice %arg4[%arg1, %scan3A_53, %dma_start3A_886, %dma_start3A_887] : memref<16x5x128x32xi32, #tpu.memory_space<hbm>> -> memref<1x1x128x32xi32, #tpu.memory_space<hbm>>
        %dma_start3A_889 = tpu.memref_squeeze %dma_start3A_888 : memref<1x1x128x32xi32, #tpu.memory_space<hbm>> -> memref<128x32xi32, #tpu.memory_space<hbm>>
        tpu.enqueue_dma source(%dma_start3A_889 : memref<128x32xi32, #tpu.memory_space<hbm>>) target(%arg6 : memref<128x32xi32, #tpu.memory_space<vmem>>) target_semaphore(%run_scoped3A : memref<!tpu.dma_semaphore, #tpu.memory_space<semaphore_mem>>)
        %dma_wait3A = arith.constant 0 : i32
        %dma_wait3A_890 = arith.constant 0 : i32
        %dma_wait3A_891 = tpu.memref_slice %arg4[%arg1, %scan3A_53, %dma_wait3A, %dma_wait3A_890] : memref<16x5x128x32xi32, #tpu.memory_space<hbm>> -> memref<1x1x128x32xi32, #tpu.memory_space<hbm>>
        %dma_wait3A_892 = tpu.memref_squeeze %dma_wait3A_891 : memref<1x1x128x32xi32, #tpu.memory_space<hbm>> -> memref<128x32xi32, #tpu.memory_space<hbm>>
        %dma_wait3A_893 = arith.constant 0 : i32
        %dma_wait3A_894 = arith.constant 0 : i32
        %dma_wait3A_895 = tpu.memref_slice %arg4[%arg1, %scan3A_53, %dma_wait3A_893, %dma_wait3A_894] : memref<16x5x128x32xi32, #tpu.memory_space<hbm>> -> memref<1x1x128x32xi32, #tpu.memory_space<hbm>>
        %dma_wait3A_896 = tpu.memref_squeeze %dma_wait3A_895 : memref<1x1x128x32xi32, #tpu.memory_space<hbm>> -> memref<128x32xi32, #tpu.memory_space<hbm>>
        tpu.wait_dma2 semaphore(%run_scoped3A : memref<!tpu.dma_semaphore, #tpu.memory_space<semaphore_mem>>) src(%dma_wait3A_896 : memref<128x32xi32, #tpu.memory_space<hbm>>) dst(%arg6 : memref<128x32xi32, #tpu.memory_space<vmem>>)
        tpu.yield
      }) : () -> ()
      %broadcast_in_dim3A_54 = arith.constant 0 : i32
      %broadcast_in_dim3A_55 = vector.broadcast %broadcast_in_dim3A_54 : i32 to vector<16xi32>
      %swap3A = arith.constant 0 : index
      %swap3A_56 = tpu.vector_load %arg8[%swap3A] {strides = array<i32>} : memref<640xi32, #tpu.memory_space<vmem>>, vector<16xi32>,
      tpu.vector_store %arg8[%swap3A], %broadcast_in_dim3A_55 {strides = array<i32>} : memref<640xi32, #tpu.memory_space<vmem>>, vector<16xi32>,
      %broadcast_in_dim3A_57 = arith.constant 0 : i32
      %broadcast_in_dim3A_58 = vector.broadcast %broadcast_in_dim3A_57 : i32 to vector<16xi32>
      %swap3A_59 = arith.constant 16 : index
      %swap3A_60 = tpu.vector_load %arg8[%swap3A_59] {strides = array<i32>} : memref<640xi32, #tpu.memory_space<vmem>>, vector<16xi32>,
      tpu.vector_store %arg8[%swap3A_59], %broadcast_in_dim3A_58 {strides = array<i32>} : memref<640xi32, #tpu.memory_space<vmem>>, vector<16xi32>,
      %broadcast_in_dim3A_61 = arith.constant 0 : i32
      %broadcast_in_dim3A_62 = vector.broadcast %broadcast_in_dim3A_61 : i32 to vector<16xi32>
      %swap3A_63 = arith.constant 32 : index
      %swap3A_64 = tpu.vector_load %arg8[%swap3A_63] {strides = array<i32>} : memref<640xi32, #tpu.memory_space<vmem>>, vector<16xi32>,
      tpu.vector_store %arg8[%swap3A_63], %broadcast_in_dim3A_62 {strides = array<i32>} : memref<640xi32, #tpu.memory_space<vmem>>, vector<16xi32>,
      %broadcast_in_dim3A_65 = arith.constant 0 : i32
      %broadcast_in_dim3A_66 = vector.broadcast %broadcast_in_dim3A_65 : i32 to vector<16xi32>
      %swap3A_67 = arith.constant 48 : index
      %swap3A_68 = tpu.vector_load %arg8[%swap3A_67] {strides = array<i32>} : memref<640xi32, #tpu.memory_space<vmem>>, vector<16xi32>,
      tpu.vector_store %arg8[%swap3A_67], %broadcast_in_dim3A_66 {strides = array<i32>} : memref<640xi32, #tpu.memory_space<vmem>>, vector<16xi32>,
      %broadcast_in_dim3A_69 = arith.constant 0 : i32
      %broadcast_in_dim3A_70 = vector.broadcast %broadcast_in_dim3A_69 : i32 to vector<16xi32>
      %swap3A_71 = arith.constant 64 : index
      %swap3A_72 = tpu.vector_load %arg8[%swap3A_71] {strides = array<i32>} : memref<640xi32, #tpu.memory_space<vmem>>, vector<16xi32>,
      tpu.vector_store %arg8[%swap3A_71], %broadcast_in_dim3A_70 {strides = array<i32>} : memref<640xi32, #tpu.memory_space<vmem>>, vector<16xi32>,
      %broadcast_in_dim3A_73 = arith.constant 0 : i32
      %broadcast_in_dim3A_74 = vector.broadcast %broadcast_in_dim3A_73 : i32 to vector<16xi32>
      %swap3A_75 = arith.constant 80 : index
      %swap3A_76 = tpu.vector_load %arg8[%swap3A_75] {strides = array<i32>} : memref<640xi32, #tpu.memory_space<vmem>>, vector<16xi32>,
      tpu.vector_store %arg8[%swap3A_75], %broadcast_in_dim3A_74 {strides = array<i32>} : memref<640xi32, #tpu.memory_space<vmem>>, vector<16xi32>,
      %broadcast_in_dim3A_77 = arith.constant 0 : i32
      %broadcast_in_dim3A_78 = vector.broadcast %broadcast_in_dim3A_77 : i32 to vector<16xi32>
      %swap3A_79 = arith.constant 96 : index
      %swap3A_80 = tpu.vector_load %arg8[%swap3A_79] {strides = array<i32>} : memref<640xi32, #tpu.memory_space<vmem>>, vector<16xi32>,
      tpu.vector_store %arg8[%swap3A_79], %broadcast_in_dim3A_78 {strides = array<i32>} : memref<640xi32, #tpu.memory_space<vmem>>, vector<16xi32>,
      %broadcast_in_dim3A_81 = arith.constant 0 : i32
      %broadcast_in_dim3A_82 = vector.broadcast %broadcast_in_dim3A_81 : i32 to vector<16xi32>
      %swap3A_83 = arith.constant 112 : index
      %swap3A_84 = tpu.vector_load %arg8[%swap3A_83] {strides = array<i32>} : memref<640xi32, #tpu.memory_space<vmem>>, vector<16xi32>,
      tpu.vector_store %arg8[%swap3A_83], %broadcast_in_dim3A_82 {strides = array<i32>} : memref<640xi32, #tpu.memory_space<vmem>>, vector<16xi32>,
      %broadcast_in_dim3A_85 = arith.constant 0 : i32
      %broadcast_in_dim3A_86 = vector.broadcast %broadcast_in_dim3A_85 : i32 to vector<16xi32>
      %swap3A_87 = arith.constant 128 : index
      %swap3A_88 = tpu.vector_load %arg8[%swap3A_87] {strides = array<i32>} : memref<640xi32, #tpu.memory_space<vmem>>, vector<16xi32>,
      tpu.vector_store %arg8[%swap3A_87], %broadcast_in_dim3A_86 {strides = array<i32>} : memref<640xi32, #tpu.memory_space<vmem>>, vector<16xi32>,
      %broadcast_in_dim3A_89 = arith.constant 0 : i32
      %broadcast_in_dim3A_90 = vector.broadcast %broadcast_in_dim3A_89 : i32 to vector<16xi32>
      %swap3A_91 = arith.constant 144 : index
      %swap3A_92 = tpu.vector_load %arg8[%swap3A_91] {strides = array<i32>} : memref<640xi32, #tpu.memory_space<vmem>>, vector<16xi32>,
      tpu.vector_store %arg8[%swap3A_91], %broadcast_in_dim3A_90 {strides = array<i32>} : memref<640xi32, #tpu.memory_space<vmem>>, vector<16xi32>,
      %broadcast_in_dim3A_93 = arith.constant 0 : i32
      %broadcast_in_dim3A_94 = vector.broadcast %broadcast_in_dim3A_93 : i32 to vector<16xi32>
      %swap3A_95 = arith.constant 160 : index
      %swap3A_96 = tpu.vector_load %arg8[%swap3A_95] {strides = array<i32>} : memref<640xi32, #tpu.memory_space<vmem>>, vector<16xi32>,
      tpu.vector_store %arg8[%swap3A_95], %broadcast_in_dim3A_94 {strides = array<i32>} : memref<640xi32, #tpu.memory_space<vmem>>, vector<16xi32>,
      %broadcast_in_dim3A_97 = arith.constant 0 : i32
      %broadcast_in_dim3A_98 = vector.broadcast %broadcast_in_dim3A_97 : i32 to vector<16xi32>
      %swap3A_99 = arith.constant 176 : index
      %swap3A_100 = tpu.vector_load %arg8[%swap3A_99] {strides = array<i32>} : memref<640xi32, #tpu.memory_space<vmem>>, vector<16xi32>,
      tpu.vector_store %arg8[%swap3A_99], %broadcast_in_dim3A_98 {strides = array<i32>} : memref<640xi32, #tpu.memory_space<vmem>>, vector<16xi32>,
      %broadcast_in_dim3A_101 = arith.constant 0 : i32
      %broadcast_in_dim3A_102 = vector.broadcast %broadcast_in_dim3A_101 : i32 to vector<16xi32>
      %swap3A_103 = arith.constant 192 : index
      %swap3A_104 = tpu.vector_load %arg8[%swap3A_103] {strides = array<i32>} : memref<640xi32, #tpu.memory_space<vmem>>, vector<16xi32>,
      tpu.vector_store %arg8[%swap3A_103], %broadcast_in_dim3A_102 {strides = array<i32>} : memref<640xi32, #tpu.memory_space<vmem>>, vector<16xi32>,
      %broadcast_in_dim3A_105 = arith.constant 0 : i32
      %broadcast_in_dim3A_106 = vector.broadcast %broadcast_in_dim3A_105 : i32 to vector<16xi32>
      %swap3A_107 = arith.constant 208 : index
      %swap3A_108 = tpu.vector_load %arg8[%swap3A_107] {strides = array<i32>} : memref<640xi32, #tpu.memory_space<vmem>>, vector<16xi32>,
      tpu.vector_store %arg8[%swap3A_107], %broadcast_in_dim3A_106 {strides = array<i32>} : memref<640xi32, #tpu.memory_space<vmem>>, vector<16xi32>,
      %broadcast_in_dim3A_109 = arith.constant 0 : i32
      %broadcast_in_dim3A_110 = vector.broadcast %broadcast_in_dim3A_109 : i32 to vector<16xi32>
      %swap3A_111 = arith.constant 224 : index
      %swap3A_112 = tpu.vector_load %arg8[%swap3A_111] {strides = array<i32>} : memref<640xi32, #tpu.memory_space<vmem>>, vector<16xi32>,
      tpu.vector_store %arg8[%swap3A_111], %broadcast_in_dim3A_110 {strides = array<i32>} : memref<640xi32, #tpu.memory_space<vmem>>, vector<16xi32>,
      %broadcast_in_dim3A_113 = arith.constant 0 : i32
      %broadcast_in_dim3A_114 = vector.broadcast %broadcast_in_dim3A_113 : i32 to vector<16xi32>
      %swap3A_115 = arith.constant 240 : index
      %swap3A_116 = tpu.vector_load %arg8[%swap3A_115] {strides = array<i32>} : memref<640xi32, #tpu.memory_space<vmem>>, vector<16xi32>,
      tpu.vector_store %arg8[%swap3A_115], %broadcast_in_dim3A_114 {strides = array<i32>} : memref<640xi32, #tpu.memory_space<vmem>>, vector<16xi32>,
      %broadcast_in_dim3A_117 = arith.constant 0 : i32
      %broadcast_in_dim3A_118 = vector.broadcast %broadcast_in_dim3A_117 : i32 to vector<16xi32>
      %swap3A_119 = arith.constant 256 : index
      %swap3A_120 = tpu.vector_load %arg8[%swap3A_119] {strides = array<i32>} : memref<640xi32, #tpu.memory_space<vmem>>, vector<16xi32>,
      tpu.vector_store %arg8[%swap3A_119], %broadcast_in_dim3A_118 {strides = array<i32>} : memref<640xi32, #tpu.memory_space<vmem>>, vector<16xi32>,
      %broadcast_in_dim3A_121 = arith.constant 0 : i32
      %broadcast_in_dim3A_122 = vector.broadcast %broadcast_in_dim3A_121 : i32 to vector<16xi32>
      %swap3A_123 = arith.constant 272 : index
      %swap3A_124 = tpu.vector_load %arg8[%swap3A_123] {strides = array<i32>} : memref<640xi32, #tpu.memory_space<vmem>>, vector<16xi32>,
      tpu.vector_store %arg8[%swap3A_123], %broadcast_in_dim3A_122 {strides = array<i32>} : memref<640xi32, #tpu.memory_space<vmem>>, vector<16xi32>,
      %broadcast_in_dim3A_125 = arith.constant 0 : i32
      %broadcast_in_dim3A_126 = vector.broadcast %broadcast_in_dim3A_125 : i32 to vector<16xi32>
      %swap3A_127 = arith.constant 288 : index
      %swap3A_128 = tpu.vector_load %arg8[%swap3A_127] {strides = array<i32>} : memref<640xi32, #tpu.memory_space<vmem>>, vector<16xi32>,
      tpu.vector_store %arg8[%swap3A_127], %broadcast_in_dim3A_126 {strides = array<i32>} : memref<640xi32, #tpu.memory_space<vmem>>, vector<16xi32>,
      %broadcast_in_dim3A_129 = arith.constant 0 : i32
      %broadcast_in_dim3A_130 = vector.broadcast %broadcast_in_dim3A_129 : i32 to vector<16xi32>
      %swap3A_131 = arith.constant 304 : index
      %swap3A_132 = tpu.vector_load %arg8[%swap3A_131] {strides = array<i32>} : memref<640xi32, #tpu.memory_space<vmem>>, vector<16xi32>,
      tpu.vector_store %arg8[%swap3A_131], %broadcast_in_dim3A_130 {strides = array<i32>} : memref<640xi32, #tpu.memory_space<vmem>>, vector<16xi32>,
      %broadcast_in_dim3A_133 = arith.constant 0 : i32
      %broadcast_in_dim3A_134 = vector.broadcast %broadcast_in_dim3A_133 : i32 to vector<16xi32>
      %swap3A_135 = arith.constant 320 : index
      %swap3A_136 = tpu.vector_load %arg8[%swap3A_135] {strides = array<i32>} : memref<640xi32, #tpu.memory_space<vmem>>, vector<16xi32>,
      tpu.vector_store %arg8[%swap3A_135], %broadcast_in_dim3A_134 {strides = array<i32>} : memref<640xi32, #tpu.memory_space<vmem>>, vector<16xi32>,
      %broadcast_in_dim3A_137 = arith.constant 0 : i32
      %broadcast_in_dim3A_138 = vector.broadcast %broadcast_in_dim3A_137 : i32 to vector<16xi32>
      %swap3A_139 = arith.constant 336 : index
      %swap3A_140 = tpu.vector_load %arg8[%swap3A_139] {strides = array<i32>} : memref<640xi32, #tpu.memory_space<vmem>>, vector<16xi32>,
      tpu.vector_store %arg8[%swap3A_139], %broadcast_in_dim3A_138 {strides = array<i32>} : memref<640xi32, #tpu.memory_space<vmem>>, vector<16xi32>,
      %broadcast_in_dim3A_141 = arith.constant 0 : i32
      %broadcast_in_dim3A_142 = vector.broadcast %broadcast_in_dim3A_141 : i32 to vector<16xi32>
      %swap3A_143 = arith.constant 352 : index
      %swap3A_144 = tpu.vector_load %arg8[%swap3A_143] {strides = array<i32>} : memref<640xi32, #tpu.memory_space<vmem>>, vector<16xi32>,
      tpu.vector_store %arg8[%swap3A_143], %broadcast_in_dim3A_142 {strides = array<i32>} : memref<640xi32, #tpu.memory_space<vmem>>, vector<16xi32>,
      %broadcast_in_dim3A_145 = arith.constant 0 : i32
      %broadcast_in_dim3A_146 = vector.broadcast %broadcast_in_dim3A_145 : i32 to vector<16xi32>
      %swap3A_147 = arith.constant 368 : index
      %swap3A_148 = tpu.vector_load %arg8[%swap3A_147] {strides = array<i32>} : memref<640xi32, #tpu.memory_space<vmem>>, vector<16xi32>,
      tpu.vector_store %arg8[%swap3A_147], %broadcast_in_dim3A_146 {strides = array<i32>} : memref<640xi32, #tpu.memory_space<vmem>>, vector<16xi32>,
      %broadcast_in_dim3A_149 = arith.constant 0 : i32
      %broadcast_in_dim3A_150 = vector.broadcast %broadcast_in_dim3A_149 : i32 to vector<16xi32>
      %swap3A_151 = arith.constant 384 : index
      %swap3A_152 = tpu.vector_load %arg8[%swap3A_151] {strides = array<i32>} : memref<640xi32, #tpu.memory_space<vmem>>, vector<16xi32>,
      tpu.vector_store %arg8[%swap3A_151], %broadcast_in_dim3A_150 {strides = array<i32>} : memref<640xi32, #tpu.memory_space<vmem>>, vector<16xi32>,
      %broadcast_in_dim3A_153 = arith.constant 0 : i32
      %broadcast_in_dim3A_154 = vector.broadcast %broadcast_in_dim3A_153 : i32 to vector<16xi32>
      %swap3A_155 = arith.constant 400 : index
      %swap3A_156 = tpu.vector_load %arg8[%swap3A_155] {strides = array<i32>} : memref<640xi32, #tpu.memory_space<vmem>>, vector<16xi32>,
      tpu.vector_store %arg8[%swap3A_155], %broadcast_in_dim3A_154 {strides = array<i32>} : memref<640xi32, #tpu.memory_space<vmem>>, vector<16xi32>,
      %broadcast_in_dim3A_157 = arith.constant 0 : i32
      %broadcast_in_dim3A_158 = vector.broadcast %broadcast_in_dim3A_157 : i32 to vector<16xi32>
      %swap3A_159 = arith.constant 416 : index
      %swap3A_160 = tpu.vector_load %arg8[%swap3A_159] {strides = array<i32>} : memref<640xi32, #tpu.memory_space<vmem>>, vector<16xi32>,
      tpu.vector_store %arg8[%swap3A_159], %broadcast_in_dim3A_158 {strides = array<i32>} : memref<640xi32, #tpu.memory_space<vmem>>, vector<16xi32>,
      %broadcast_in_dim3A_161 = arith.constant 0 : i32
      %broadcast_in_dim3A_162 = vector.broadcast %broadcast_in_dim3A_161 : i32 to vector<16xi32>
      %swap3A_163 = arith.constant 432 : index
      %swap3A_164 = tpu.vector_load %arg8[%swap3A_163] {strides = array<i32>} : memref<640xi32, #tpu.memory_space<vmem>>, vector<16xi32>,
      tpu.vector_store %arg8[%swap3A_163], %broadcast_in_dim3A_162 {strides = array<i32>} : memref<640xi32, #tpu.memory_space<vmem>>, vector<16xi32>,
      %broadcast_in_dim3A_165 = arith.constant 0 : i32
      %broadcast_in_dim3A_166 = vector.broadcast %broadcast_in_dim3A_165 : i32 to vector<16xi32>
      %swap3A_167 = arith.constant 448 : index
      %swap3A_168 = tpu.vector_load %arg8[%swap3A_167] {strides = array<i32>} : memref<640xi32, #tpu.memory_space<vmem>>, vector<16xi32>,
      tpu.vector_store %arg8[%swap3A_167], %broadcast_in_dim3A_166 {strides = array<i32>} : memref<640xi32, #tpu.memory_space<vmem>>, vector<16xi32>,
      %broadcast_in_dim3A_169 = arith.constant 0 : i32
      %broadcast_in_dim3A_170 = vector.broadcast %broadcast_in_dim3A_169 : i32 to vector<16xi32>
      %swap3A_171 = arith.constant 464 : index
      %swap3A_172 = tpu.vector_load %arg8[%swap3A_171] {strides = array<i32>} : memref<640xi32, #tpu.memory_space<vmem>>, vector<16xi32>,
      tpu.vector_store %arg8[%swap3A_171], %broadcast_in_dim3A_170 {strides = array<i32>} : memref<640xi32, #tpu.memory_space<vmem>>, vector<16xi32>,
      %broadcast_in_dim3A_173 = arith.constant 0 : i32
      %broadcast_in_dim3A_174 = vector.broadcast %broadcast_in_dim3A_173 : i32 to vector<16xi32>
      %swap3A_175 = arith.constant 480 : index
      %swap3A_176 = tpu.vector_load %arg8[%swap3A_175] {strides = array<i32>} : memref<640xi32, #tpu.memory_space<vmem>>, vector<16xi32>,
      tpu.vector_store %arg8[%swap3A_175], %broadcast_in_dim3A_174 {strides = array<i32>} : memref<640xi32, #tpu.memory_space<vmem>>, vector<16xi32>,
      %broadcast_in_dim3A_177 = arith.constant 0 : i32
      %broadcast_in_dim3A_178 = vector.broadcast %broadcast_in_dim3A_177 : i32 to vector<16xi32>
      %swap3A_179 = arith.constant 496 : index
      %swap3A_180 = tpu.vector_load %arg8[%swap3A_179] {strides = array<i32>} : memref<640xi32, #tpu.memory_space<vmem>>, vector<16xi32>,
      tpu.vector_store %arg8[%swap3A_179], %broadcast_in_dim3A_178 {strides = array<i32>} : memref<640xi32, #tpu.memory_space<vmem>>, vector<16xi32>,
      %broadcast_in_dim3A_181 = arith.constant 0 : i32
      %broadcast_in_dim3A_182 = vector.broadcast %broadcast_in_dim3A_181 : i32 to vector<16xi32>
      %swap3A_183 = arith.constant 512 : index
      %swap3A_184 = tpu.vector_load %arg8[%swap3A_183] {strides = array<i32>} : memref<640xi32, #tpu.memory_space<vmem>>, vector<16xi32>,
      tpu.vector_store %arg8[%swap3A_183], %broadcast_in_dim3A_182 {strides = array<i32>} : memref<640xi32, #tpu.memory_space<vmem>>, vector<16xi32>,
      %broadcast_in_dim3A_185 = arith.constant 0 : i32
      %broadcast_in_dim3A_186 = vector.broadcast %broadcast_in_dim3A_185 : i32 to vector<16xi32>
      %swap3A_187 = arith.constant 528 : index
      %swap3A_188 = tpu.vector_load %arg8[%swap3A_187] {strides = array<i32>} : memref<640xi32, #tpu.memory_space<vmem>>, vector<16xi32>,
      tpu.vector_store %arg8[%swap3A_187], %broadcast_in_dim3A_186 {strides = array<i32>} : memref<640xi32, #tpu.memory_space<vmem>>, vector<16xi32>,
      %broadcast_in_dim3A_189 = arith.constant 0 : i32
      %broadcast_in_dim3A_190 = vector.broadcast %broadcast_in_dim3A_189 : i32 to vector<16xi32>
      %swap3A_191 = arith.constant 544 : index
      %swap3A_192 = tpu.vector_load %arg8[%swap3A_191] {strides = array<i32>} : memref<640xi32, #tpu.memory_space<vmem>>, vector<16xi32>,
      tpu.vector_store %arg8[%swap3A_191], %broadcast_in_dim3A_190 {strides = array<i32>} : memref<640xi32, #tpu.memory_space<vmem>>, vector<16xi32>,
      %broadcast_in_dim3A_193 = arith.constant 0 : i32
      %broadcast_in_dim3A_194 = vector.broadcast %broadcast_in_dim3A_193 : i32 to vector<16xi32>
      %swap3A_195 = arith.constant 560 : index
      %swap3A_196 = tpu.vector_load %arg8[%swap3A_195] {strides = array<i32>} : memref<640xi32, #tpu.memory_space<vmem>>, vector<16xi32>,
      tpu.vector_store %arg8[%swap3A_195], %broadcast_in_dim3A_194 {strides = array<i32>} : memref<640xi32, #tpu.memory_space<vmem>>, vector<16xi32>,
      %broadcast_in_dim3A_197 = arith.constant 0 : i32
      %broadcast_in_dim3A_198 = vector.broadcast %broadcast_in_dim3A_197 : i32 to vector<16xi32>
      %swap3A_199 = arith.constant 576 : index
      %swap3A_200 = tpu.vector_load %arg8[%swap3A_199] {strides = array<i32>} : memref<640xi32, #tpu.memory_space<vmem>>, vector<16xi32>,
      tpu.vector_store %arg8[%swap3A_199], %broadcast_in_dim3A_198 {strides = array<i32>} : memref<640xi32, #tpu.memory_space<vmem>>, vector<16xi32>,
      %broadcast_in_dim3A_201 = arith.constant 0 : i32
      %broadcast_in_dim3A_202 = vector.broadcast %broadcast_in_dim3A_201 : i32 to vector<16xi32>
      %swap3A_203 = arith.constant 592 : index
      %swap3A_204 = tpu.vector_load %arg8[%swap3A_203] {strides = array<i32>} : memref<640xi32, #tpu.memory_space<vmem>>, vector<16xi32>,
      tpu.vector_store %arg8[%swap3A_203], %broadcast_in_dim3A_202 {strides = array<i32>} : memref<640xi32, #tpu.memory_space<vmem>>, vector<16xi32>,
      %broadcast_in_dim3A_205 = arith.constant 0 : i32
      %broadcast_in_dim3A_206 = vector.broadcast %broadcast_in_dim3A_205 : i32 to vector<16xi32>
      %swap3A_207 = arith.constant 608 : index
      %swap3A_208 = tpu.vector_load %arg8[%swap3A_207] {strides = array<i32>} : memref<640xi32, #tpu.memory_space<vmem>>, vector<16xi32>,
      tpu.vector_store %arg8[%swap3A_207], %broadcast_in_dim3A_206 {strides = array<i32>} : memref<640xi32, #tpu.memory_space<vmem>>, vector<16xi32>,
      %broadcast_in_dim3A_209 = arith.constant 0 : i32
      %broadcast_in_dim3A_210 = vector.broadcast %broadcast_in_dim3A_209 : i32 to vector<16xi32>
      %swap3A_211 = arith.constant 624 : index
      %swap3A_212 = tpu.vector_load %arg8[%swap3A_211] {strides = array<i32>} : memref<640xi32, #tpu.memory_space<vmem>>, vector<16xi32>,
      tpu.vector_store %arg8[%swap3A_211], %broadcast_in_dim3A_210 {strides = array<i32>} : memref<640xi32, #tpu.memory_space<vmem>>, vector<16xi32>,
      %scan3A_213 = arith.constant 0 : i32
      %scan3A_214 = arith.constant 128 : i32
      %scan3A_215 = arith.addi %scan3A_213, %scan3A_214 : i32
      %scan3A_216 = arith.constant 1 : i32
      scf.for %scan3A_882 = %scan3A_213 to %scan3A_215 step %scan3A_216  : i32 {
        %get3A_883 = arith.index_cast %scan3A_882 : i32 to index
        %get3A_884 = arith.constant 0 : index
        %get3A_885 = tpu.vector_load %arg6[%get3A_883, %get3A_884] {strides = array<i32>} : memref<128x32xi32, #tpu.memory_space<vmem>>, vector<16xi32>,
        %and3A_886 = arith.constant 16383 : i32
        %and3A_887 = vector.broadcast %and3A_886 : i32 to vector<16xi32>
        %and3A_888 = arith.andi %get3A_885, %and3A_887 : vector<16xi32>
        %shift_right_arithmetic3A = arith.constant 1 : i32
        %shift_right_arithmetic3A_889 = vector.broadcast %shift_right_arithmetic3A : i32 to vector<16xi32>
        %shift_right_arithmetic3A_890 = arith.shrsi %and3A_888, %shift_right_arithmetic3A_889 : vector<16xi32>
        %gather3A = tpu.vector_load_idx %arg9[%shift_right_arithmetic3A_890] : memref<5000xi32, #tpu.memory_space<vmem>>[vector<16xi32>], vector<16xi32>,
        %and3A_891 = arith.constant 1 : i32
        %and3A_892 = vector.broadcast %and3A_891 : i32 to vector<16xi32>
        %and3A_893 = arith.andi %and3A_888, %and3A_892 : vector<16xi32>
        %shift_left3A = arith.constant 4 : i32
        %shift_left3A_894 = vector.broadcast %shift_left3A : i32 to vector<16xi32>
        %shift_left3A_895 = arith.shli %and3A_893, %shift_left3A_894 : vector<16xi32>
        %shift_right_arithmetic3A_896 = arith.shrsi %gather3A, %shift_left3A_895 : vector<16xi32>
        %and3A_897 = arith.constant 65535 : i32
        %and3A_898 = vector.broadcast %and3A_897 : i32 to vector<16xi32>
        %and3A_899 = arith.andi %shift_right_arithmetic3A_896, %and3A_898 : vector<16xi32>
        %shift_right_arithmetic3A_900 = arith.constant 14 : i32
        %shift_right_arithmetic3A_901 = vector.broadcast %shift_right_arithmetic3A_900 : i32 to vector<16xi32>
        %shift_right_arithmetic3A_902 = arith.shrsi %get3A_885, %shift_right_arithmetic3A_901 : vector<16xi32>
        %shift_left3A_903 = arith.constant 14 : i32
        %shift_left3A_904 = vector.broadcast %shift_left3A_903 : i32 to vector<16xi32>
        %shift_left3A_905 = arith.shli %shift_right_arithmetic3A_902, %shift_left3A_904 : vector<16xi32>
        %or3A = arith.ori %and3A_899, %shift_left3A_905 : vector<16xi32>
        %swap3A_906 = arith.index_cast %scan3A_882 : i32 to index
        %swap3A_907 = arith.constant 0 : index
        %swap3A_908 = tpu.vector_load %arg6[%swap3A_906, %swap3A_907] {strides = array<i32>} : memref<128x32xi32, #tpu.memory_space<vmem>>, vector<16xi32>,
        tpu.vector_store %arg6[%swap3A_906, %swap3A_907], %or3A {strides = array<i32>} : memref<128x32xi32, #tpu.memory_space<vmem>>, vector<16xi32>,
        %shift_right_arithmetic3A_909 = arith.constant 8 : i32
        %shift_right_arithmetic3A_910 = vector.broadcast %shift_right_arithmetic3A_909 : i32 to vector<16xi32>
        %shift_right_arithmetic3A_911 = arith.shrsi %and3A_899, %shift_right_arithmetic3A_910 : vector<16xi32>
        %mul3A_912 = arith.constant 16 : i32
        %mul3A_913 = vector.broadcast %mul3A_912 : i32 to vector<16xi32>
        %mul3A_914 = arith.muli %shift_right_arithmetic3A_911, %mul3A_913 : vector<16xi32>
        %add3A_915 = arith.addi %mul3A_914, %iota3A : vector<16xi32>
        tpu.vector_store_idx %arg8[%add3A_915], %broadcast_in_dim3A_46 {add = true} : memref<640xi32, #tpu.memory_space<vmem>>[vector<16xi32>], vector<16xi32>,
        %get3A_916 = arith.index_cast %scan3A_882 : i32 to index
        %get3A_917 = arith.constant 16 : index
        %get3A_918 = tpu.vector_load %arg6[%get3A_916, %get3A_917] {strides = array<i32>} : memref<128x32xi32, #tpu.memory_space<vmem>>, vector<16xi32>,
        %and3A_919 = arith.constant 16383 : i32
        %and3A_920 = vector.broadcast %and3A_919 : i32 to vector<16xi32>
        %and3A_921 = arith.andi %get3A_918, %and3A_920 : vector<16xi32>
        %shift_right_arithmetic3A_922 = arith.constant 1 : i32
        %shift_right_arithmetic3A_923 = vector.broadcast %shift_right_arithmetic3A_922 : i32 to vector<16xi32>
        %shift_right_arithmetic3A_924 = arith.shrsi %and3A_921, %shift_right_arithmetic3A_923 : vector<16xi32>
        %gather3A_925 = tpu.vector_load_idx %arg9[%shift_right_arithmetic3A_924] : memref<5000xi32, #tpu.memory_space<vmem>>[vector<16xi32>], vector<16xi32>,
        %and3A_926 = arith.constant 1 : i32
        %and3A_927 = vector.broadcast %and3A_926 : i32 to vector<16xi32>
        %and3A_928 = arith.andi %and3A_921, %and3A_927 : vector<16xi32>
        %shift_left3A_929 = arith.constant 4 : i32
        %shift_left3A_930 = vector.broadcast %shift_left3A_929 : i32 to vector<16xi32>
        %shift_left3A_931 = arith.shli %and3A_928, %shift_left3A_930 : vector<16xi32>
        %shift_right_arithmetic3A_932 = arith.shrsi %gather3A_925, %shift_left3A_931 : vector<16xi32>
        %and3A_933 = arith.constant 65535 : i32
        %and3A_934 = vector.broadcast %and3A_933 : i32 to vector<16xi32>
        %and3A_935 = arith.andi %shift_right_arithmetic3A_932, %and3A_934 : vector<16xi32>
        %shift_right_arithmetic3A_936 = arith.constant 14 : i32
        %shift_right_arithmetic3A_937 = vector.broadcast %shift_right_arithmetic3A_936 : i32 to vector<16xi32>
        %shift_right_arithmetic3A_938 = arith.shrsi %get3A_918, %shift_right_arithmetic3A_937 : vector<16xi32>
        %shift_left3A_939 = arith.constant 14 : i32
        %shift_left3A_940 = vector.broadcast %shift_left3A_939 : i32 to vector<16xi32>
        %shift_left3A_941 = arith.shli %shift_right_arithmetic3A_938, %shift_left3A_940 : vector<16xi32>
        %or3A_942 = arith.ori %and3A_935, %shift_left3A_941 : vector<16xi32>
        %swap3A_943 = arith.index_cast %scan3A_882 : i32 to index
        %swap3A_944 = arith.constant 16 : index
        %swap3A_945 = tpu.vector_load %arg6[%swap3A_943, %swap3A_944] {strides = array<i32>} : memref<128x32xi32, #tpu.memory_space<vmem>>, vector<16xi32>,
        tpu.vector_store %arg6[%swap3A_943, %swap3A_944], %or3A_942 {strides = array<i32>} : memref<128x32xi32, #tpu.memory_space<vmem>>, vector<16xi32>,
        %shift_right_arithmetic3A_946 = arith.constant 8 : i32
        %shift_right_arithmetic3A_947 = vector.broadcast %shift_right_arithmetic3A_946 : i32 to vector<16xi32>
        %shift_right_arithmetic3A_948 = arith.shrsi %and3A_935, %shift_right_arithmetic3A_947 : vector<16xi32>
        %mul3A_949 = arith.constant 16 : i32
        %mul3A_950 = vector.broadcast %mul3A_949 : i32 to vector<16xi32>
        %mul3A_951 = arith.muli %shift_right_arithmetic3A_948, %mul3A_950 : vector<16xi32>
        %add3A_952 = arith.addi %mul3A_951, %iota3A : vector<16xi32>
        tpu.vector_store_idx %arg8[%add3A_952], %broadcast_in_dim3A_46 {add = true} : memref<640xi32, #tpu.memory_space<vmem>>[vector<16xi32>], vector<16xi32>,
      }
      %scan3A_217 = arith.constant 128 : i32
      %get3A = arith.constant 0 : index
      %get3A_218 = tpu.vector_load %arg8[%get3A] {strides = array<i32>} : memref<640xi32, #tpu.memory_space<vmem>>, vector<16xi32>,
      %broadcast_in_dim3A_219 = arith.constant true
      %broadcast_in_dim3A_220 = vector.broadcast %broadcast_in_dim3A_219 : i1 to vector<16xi1>
      %masked_cumsum3A = tpu.scan <sum>, %get3A_218 masked %broadcast_in_dim3A_220 : vector<16xi32>, vector<16xi1> -> vector<16xi32>
      %sub3A = arith.subi %masked_cumsum3A, %get3A_218 : vector<16xi32>
      %add3A_221 = arith.constant 0 : i32
      %add3A_222 = vector.broadcast %add3A_221 : i32 to vector<16xi32>
      %add3A_223 = arith.addi %sub3A, %add3A_222 : vector<16xi32>
      %swap3A_224 = arith.constant 0 : index
      %swap3A_225 = tpu.vector_load %arg8[%swap3A_224] {strides = array<i32>} : memref<640xi32, #tpu.memory_space<vmem>>, vector<16xi32>,
      tpu.vector_store %arg8[%swap3A_224], %add3A_223 {strides = array<i32>} : memref<640xi32, #tpu.memory_space<vmem>>, vector<16xi32>,
      %reduce_sum3A = arith.constant true
      %reduce_sum3A_226 = vector.broadcast %reduce_sum3A : i1 to vector<16xi1>
      %reduce_sum3A_227 = tpu.scan <sum>, %get3A_218 masked %reduce_sum3A_226 : vector<16xi32>, vector<16xi1> -> vector<16xi32>
      %reduce_sum3A_228 = vector.extract %reduce_sum3A_227[15] : i32 from vector<16xi32>
      %add3A_229 = arith.constant 0 : i32
      %add3A_230 = arith.addi %add3A_229, %reduce_sum3A_228 : i32
      %get3A_231 = arith.constant 16 : index
      %get3A_232 = tpu.vector_load %arg8[%get3A_231] {strides = array<i32>} : memref<640xi32, #tpu.memory_space<vmem>>, vector<16xi32>,
      %broadcast_in_dim3A_233 = arith.constant true
      %broadcast_in_dim3A_234 = vector.broadcast %broadcast_in_dim3A_233 : i1 to vector<16xi1>
      %masked_cumsum3A_235 = tpu.scan <sum>, %get3A_232 masked %broadcast_in_dim3A_234 : vector<16xi32>, vector<16xi1> -> vector<16xi32>
      %sub3A_236 = arith.subi %masked_cumsum3A_235, %get3A_232 : vector<16xi32>
      %add3A_237 = vector.broadcast %add3A_230 : i32 to vector<16xi32>
      %add3A_238 = arith.addi %sub3A_236, %add3A_237 : vector<16xi32>
      %swap3A_239 = arith.constant 16 : index
      %swap3A_240 = tpu.vector_load %arg8[%swap3A_239] {strides = array<i32>} : memref<640xi32, #tpu.memory_space<vmem>>, vector<16xi32>,
      tpu.vector_store %arg8[%swap3A_239], %add3A_238 {strides = array<i32>} : memref<640xi32, #tpu.memory_space<vmem>>, vector<16xi32>,
      %reduce_sum3A_241 = arith.constant true
      %reduce_sum3A_242 = vector.broadcast %reduce_sum3A_241 : i1 to vector<16xi1>
      %reduce_sum3A_243 = tpu.scan <sum>, %get3A_232 masked %reduce_sum3A_242 : vector<16xi32>, vector<16xi1> -> vector<16xi32>
      %reduce_sum3A_244 = vector.extract %reduce_sum3A_243[15] : i32 from vector<16xi32>
      %add3A_245 = arith.addi %add3A_230, %reduce_sum3A_244 : i32
      %get3A_246 = arith.constant 32 : index
      %get3A_247 = tpu.vector_load %arg8[%get3A_246] {strides = array<i32>} : memref<640xi32, #tpu.memory_space<vmem>>, vector<16xi32>,
      %broadcast_in_dim3A_248 = arith.constant true
      %broadcast_in_dim3A_249 = vector.broadcast %broadcast_in_dim3A_248 : i1 to vector<16xi1>
      %masked_cumsum3A_250 = tpu.scan <sum>, %get3A_247 masked %broadcast_in_dim3A_249 : vector<16xi32>, vector<16xi1> -> vector<16xi32>
      %sub3A_251 = arith.subi %masked_cumsum3A_250, %get3A_247 : vector<16xi32>
      %add3A_252 = vector.broadcast %add3A_245 : i32 to vector<16xi32>
      %add3A_253 = arith.addi %sub3A_251, %add3A_252 : vector<16xi32>
      %swap3A_254 = arith.constant 32 : index
      %swap3A_255 = tpu.vector_load %arg8[%swap3A_254] {strides = array<i32>} : memref<640xi32, #tpu.memory_space<vmem>>, vector<16xi32>,
      tpu.vector_store %arg8[%swap3A_254], %add3A_253 {strides = array<i32>} : memref<640xi32, #tpu.memory_space<vmem>>, vector<16xi32>,
      %reduce_sum3A_256 = arith.constant true
      %reduce_sum3A_257 = vector.broadcast %reduce_sum3A_256 : i1 to vector<16xi1>
      %reduce_sum3A_258 = tpu.scan <sum>, %get3A_247 masked %reduce_sum3A_257 : vector<16xi32>, vector<16xi1> -> vector<16xi32>
      %reduce_sum3A_259 = vector.extract %reduce_sum3A_258[15] : i32 from vector<16xi32>
      %add3A_260 = arith.addi %add3A_245, %reduce_sum3A_259 : i32
      %get3A_261 = arith.constant 48 : index
      %get3A_262 = tpu.vector_load %arg8[%get3A_261] {strides = array<i32>} : memref<640xi32, #tpu.memory_space<vmem>>, vector<16xi32>,
      %broadcast_in_dim3A_263 = arith.constant true
      %broadcast_in_dim3A_264 = vector.broadcast %broadcast_in_dim3A_263 : i1 to vector<16xi1>
      %masked_cumsum3A_265 = tpu.scan <sum>, %get3A_262 masked %broadcast_in_dim3A_264 : vector<16xi32>, vector<16xi1> -> vector<16xi32>
      %sub3A_266 = arith.subi %masked_cumsum3A_265, %get3A_262 : vector<16xi32>
      %add3A_267 = vector.broadcast %add3A_260 : i32 to vector<16xi32>
      %add3A_268 = arith.addi %sub3A_266, %add3A_267 : vector<16xi32>
      %swap3A_269 = arith.constant 48 : index
      %swap3A_270 = tpu.vector_load %arg8[%swap3A_269] {strides = array<i32>} : memref<640xi32, #tpu.memory_space<vmem>>, vector<16xi32>,
      tpu.vector_store %arg8[%swap3A_269], %add3A_268 {strides = array<i32>} : memref<640xi32, #tpu.memory_space<vmem>>, vector<16xi32>,
      %reduce_sum3A_271 = arith.constant true
      %reduce_sum3A_272 = vector.broadcast %reduce_sum3A_271 : i1 to vector<16xi1>
      %reduce_sum3A_273 = tpu.scan <sum>, %get3A_262 masked %reduce_sum3A_272 : vector<16xi32>, vector<16xi1> -> vector<16xi32>
      %reduce_sum3A_274 = vector.extract %reduce_sum3A_273[15] : i32 from vector<16xi32>
      %add3A_275 = arith.addi %add3A_260, %reduce_sum3A_274 : i32
      %get3A_276 = arith.constant 64 : index
      %get3A_277 = tpu.vector_load %arg8[%get3A_276] {strides = array<i32>} : memref<640xi32, #tpu.memory_space<vmem>>, vector<16xi32>,
      %broadcast_in_dim3A_278 = arith.constant true
      %broadcast_in_dim3A_279 = vector.broadcast %broadcast_in_dim3A_278 : i1 to vector<16xi1>
      %masked_cumsum3A_280 = tpu.scan <sum>, %get3A_277 masked %broadcast_in_dim3A_279 : vector<16xi32>, vector<16xi1> -> vector<16xi32>
      %sub3A_281 = arith.subi %masked_cumsum3A_280, %get3A_277 : vector<16xi32>
      %add3A_282 = vector.broadcast %add3A_275 : i32 to vector<16xi32>
      %add3A_283 = arith.addi %sub3A_281, %add3A_282 : vector<16xi32>
      %swap3A_284 = arith.constant 64 : index
      %swap3A_285 = tpu.vector_load %arg8[%swap3A_284] {strides = array<i32>} : memref<640xi32, #tpu.memory_space<vmem>>, vector<16xi32>,
      tpu.vector_store %arg8[%swap3A_284], %add3A_283 {strides = array<i32>} : memref<640xi32, #tpu.memory_space<vmem>>, vector<16xi32>,
      %reduce_sum3A_286 = arith.constant true
      %reduce_sum3A_287 = vector.broadcast %reduce_sum3A_286 : i1 to vector<16xi1>
      %reduce_sum3A_288 = tpu.scan <sum>, %get3A_277 masked %reduce_sum3A_287 : vector<16xi32>, vector<16xi1> -> vector<16xi32>
      %reduce_sum3A_289 = vector.extract %reduce_sum3A_288[15] : i32 from vector<16xi32>
      %add3A_290 = arith.addi %add3A_275, %reduce_sum3A_289 : i32
      %get3A_291 = arith.constant 80 : index
      %get3A_292 = tpu.vector_load %arg8[%get3A_291] {strides = array<i32>} : memref<640xi32, #tpu.memory_space<vmem>>, vector<16xi32>,
      %broadcast_in_dim3A_293 = arith.constant true
      %broadcast_in_dim3A_294 = vector.broadcast %broadcast_in_dim3A_293 : i1 to vector<16xi1>
      %masked_cumsum3A_295 = tpu.scan <sum>, %get3A_292 masked %broadcast_in_dim3A_294 : vector<16xi32>, vector<16xi1> -> vector<16xi32>
      %sub3A_296 = arith.subi %masked_cumsum3A_295, %get3A_292 : vector<16xi32>
      %add3A_297 = vector.broadcast %add3A_290 : i32 to vector<16xi32>
      %add3A_298 = arith.addi %sub3A_296, %add3A_297 : vector<16xi32>
      %swap3A_299 = arith.constant 80 : index
      %swap3A_300 = tpu.vector_load %arg8[%swap3A_299] {strides = array<i32>} : memref<640xi32, #tpu.memory_space<vmem>>, vector<16xi32>,
      tpu.vector_store %arg8[%swap3A_299], %add3A_298 {strides = array<i32>} : memref<640xi32, #tpu.memory_space<vmem>>, vector<16xi32>,
      %reduce_sum3A_301 = arith.constant true
      %reduce_sum3A_302 = vector.broadcast %reduce_sum3A_301 : i1 to vector<16xi1>
      %reduce_sum3A_303 = tpu.scan <sum>, %get3A_292 masked %reduce_sum3A_302 : vector<16xi32>, vector<16xi1> -> vector<16xi32>
      %reduce_sum3A_304 = vector.extract %reduce_sum3A_303[15] : i32 from vector<16xi32>
      %add3A_305 = arith.addi %add3A_290, %reduce_sum3A_304 : i32
      %get3A_306 = arith.constant 96 : index
      %get3A_307 = tpu.vector_load %arg8[%get3A_306] {strides = array<i32>} : memref<640xi32, #tpu.memory_space<vmem>>, vector<16xi32>,
      %broadcast_in_dim3A_308 = arith.constant true
      %broadcast_in_dim3A_309 = vector.broadcast %broadcast_in_dim3A_308 : i1 to vector<16xi1>
      %masked_cumsum3A_310 = tpu.scan <sum>, %get3A_307 masked %broadcast_in_dim3A_309 : vector<16xi32>, vector<16xi1> -> vector<16xi32>
      %sub3A_311 = arith.subi %masked_cumsum3A_310, %get3A_307 : vector<16xi32>
      %add3A_312 = vector.broadcast %add3A_305 : i32 to vector<16xi32>
      %add3A_313 = arith.addi %sub3A_311, %add3A_312 : vector<16xi32>
      %swap3A_314 = arith.constant 96 : index
      %swap3A_315 = tpu.vector_load %arg8[%swap3A_314] {strides = array<i32>} : memref<640xi32, #tpu.memory_space<vmem>>, vector<16xi32>,
      tpu.vector_store %arg8[%swap3A_314], %add3A_313 {strides = array<i32>} : memref<640xi32, #tpu.memory_space<vmem>>, vector<16xi32>,
      %reduce_sum3A_316 = arith.constant true
      %reduce_sum3A_317 = vector.broadcast %reduce_sum3A_316 : i1 to vector<16xi1>
      %reduce_sum3A_318 = tpu.scan <sum>, %get3A_307 masked %reduce_sum3A_317 : vector<16xi32>, vector<16xi1> -> vector<16xi32>
      %reduce_sum3A_319 = vector.extract %reduce_sum3A_318[15] : i32 from vector<16xi32>
      %add3A_320 = arith.addi %add3A_305, %reduce_sum3A_319 : i32
      %get3A_321 = arith.constant 112 : index
      %get3A_322 = tpu.vector_load %arg8[%get3A_321] {strides = array<i32>} : memref<640xi32, #tpu.memory_space<vmem>>, vector<16xi32>,
      %broadcast_in_dim3A_323 = arith.constant true
      %broadcast_in_dim3A_324 = vector.broadcast %broadcast_in_dim3A_323 : i1 to vector<16xi1>
      %masked_cumsum3A_325 = tpu.scan <sum>, %get3A_322 masked %broadcast_in_dim3A_324 : vector<16xi32>, vector<16xi1> -> vector<16xi32>
      %sub3A_326 = arith.subi %masked_cumsum3A_325, %get3A_322 : vector<16xi32>
      %add3A_327 = vector.broadcast %add3A_320 : i32 to vector<16xi32>
      %add3A_328 = arith.addi %sub3A_326, %add3A_327 : vector<16xi32>
      %swap3A_329 = arith.constant 112 : index
      %swap3A_330 = tpu.vector_load %arg8[%swap3A_329] {strides = array<i32>} : memref<640xi32, #tpu.memory_space<vmem>>, vector<16xi32>,
      tpu.vector_store %arg8[%swap3A_329], %add3A_328 {strides = array<i32>} : memref<640xi32, #tpu.memory_space<vmem>>, vector<16xi32>,
      %reduce_sum3A_331 = arith.constant true
      %reduce_sum3A_332 = vector.broadcast %reduce_sum3A_331 : i1 to vector<16xi1>
      %reduce_sum3A_333 = tpu.scan <sum>, %get3A_322 masked %reduce_sum3A_332 : vector<16xi32>, vector<16xi1> -> vector<16xi32>
      %reduce_sum3A_334 = vector.extract %reduce_sum3A_333[15] : i32 from vector<16xi32>
      %add3A_335 = arith.addi %add3A_320, %reduce_sum3A_334 : i32
      %get3A_336 = arith.constant 128 : index
      %get3A_337 = tpu.vector_load %arg8[%get3A_336] {strides = array<i32>} : memref<640xi32, #tpu.memory_space<vmem>>, vector<16xi32>,
      %broadcast_in_dim3A_338 = arith.constant true
      %broadcast_in_dim3A_339 = vector.broadcast %broadcast_in_dim3A_338 : i1 to vector<16xi1>
      %masked_cumsum3A_340 = tpu.scan <sum>, %get3A_337 masked %broadcast_in_dim3A_339 : vector<16xi32>, vector<16xi1> -> vector<16xi32>
      %sub3A_341 = arith.subi %masked_cumsum3A_340, %get3A_337 : vector<16xi32>
      %add3A_342 = vector.broadcast %add3A_335 : i32 to vector<16xi32>
      %add3A_343 = arith.addi %sub3A_341, %add3A_342 : vector<16xi32>
      %swap3A_344 = arith.constant 128 : index
      %swap3A_345 = tpu.vector_load %arg8[%swap3A_344] {strides = array<i32>} : memref<640xi32, #tpu.memory_space<vmem>>, vector<16xi32>,
      tpu.vector_store %arg8[%swap3A_344], %add3A_343 {strides = array<i32>} : memref<640xi32, #tpu.memory_space<vmem>>, vector<16xi32>,
      %reduce_sum3A_346 = arith.constant true
      %reduce_sum3A_347 = vector.broadcast %reduce_sum3A_346 : i1 to vector<16xi1>
      %reduce_sum3A_348 = tpu.scan <sum>, %get3A_337 masked %reduce_sum3A_347 : vector<16xi32>, vector<16xi1> -> vector<16xi32>
      %reduce_sum3A_349 = vector.extract %reduce_sum3A_348[15] : i32 from vector<16xi32>
      %add3A_350 = arith.addi %add3A_335, %reduce_sum3A_349 : i32
      %get3A_351 = arith.constant 144 : index
      %get3A_352 = tpu.vector_load %arg8[%get3A_351] {strides = array<i32>} : memref<640xi32, #tpu.memory_space<vmem>>, vector<16xi32>,
      %broadcast_in_dim3A_353 = arith.constant true
      %broadcast_in_dim3A_354 = vector.broadcast %broadcast_in_dim3A_353 : i1 to vector<16xi1>
      %masked_cumsum3A_355 = tpu.scan <sum>, %get3A_352 masked %broadcast_in_dim3A_354 : vector<16xi32>, vector<16xi1> -> vector<16xi32>
      %sub3A_356 = arith.subi %masked_cumsum3A_355, %get3A_352 : vector<16xi32>
      %add3A_357 = vector.broadcast %add3A_350 : i32 to vector<16xi32>
      %add3A_358 = arith.addi %sub3A_356, %add3A_357 : vector<16xi32>
      %swap3A_359 = arith.constant 144 : index
      %swap3A_360 = tpu.vector_load %arg8[%swap3A_359] {strides = array<i32>} : memref<640xi32, #tpu.memory_space<vmem>>, vector<16xi32>,
      tpu.vector_store %arg8[%swap3A_359], %add3A_358 {strides = array<i32>} : memref<640xi32, #tpu.memory_space<vmem>>, vector<16xi32>,
      %reduce_sum3A_361 = arith.constant true
      %reduce_sum3A_362 = vector.broadcast %reduce_sum3A_361 : i1 to vector<16xi1>
      %reduce_sum3A_363 = tpu.scan <sum>, %get3A_352 masked %reduce_sum3A_362 : vector<16xi32>, vector<16xi1> -> vector<16xi32>
      %reduce_sum3A_364 = vector.extract %reduce_sum3A_363[15] : i32 from vector<16xi32>
      %add3A_365 = arith.addi %add3A_350, %reduce_sum3A_364 : i32
      %get3A_366 = arith.constant 160 : index
      %get3A_367 = tpu.vector_load %arg8[%get3A_366] {strides = array<i32>} : memref<640xi32, #tpu.memory_space<vmem>>, vector<16xi32>,
      %broadcast_in_dim3A_368 = arith.constant true
      %broadcast_in_dim3A_369 = vector.broadcast %broadcast_in_dim3A_368 : i1 to vector<16xi1>
      %masked_cumsum3A_370 = tpu.scan <sum>, %get3A_367 masked %broadcast_in_dim3A_369 : vector<16xi32>, vector<16xi1> -> vector<16xi32>
      %sub3A_371 = arith.subi %masked_cumsum3A_370, %get3A_367 : vector<16xi32>
      %add3A_372 = vector.broadcast %add3A_365 : i32 to vector<16xi32>
      %add3A_373 = arith.addi %sub3A_371, %add3A_372 : vector<16xi32>
      %swap3A_374 = arith.constant 160 : index
      %swap3A_375 = tpu.vector_load %arg8[%swap3A_374] {strides = array<i32>} : memref<640xi32, #tpu.memory_space<vmem>>, vector<16xi32>,
      tpu.vector_store %arg8[%swap3A_374], %add3A_373 {strides = array<i32>} : memref<640xi32, #tpu.memory_space<vmem>>, vector<16xi32>,
      %reduce_sum3A_376 = arith.constant true
      %reduce_sum3A_377 = vector.broadcast %reduce_sum3A_376 : i1 to vector<16xi1>
      %reduce_sum3A_378 = tpu.scan <sum>, %get3A_367 masked %reduce_sum3A_377 : vector<16xi32>, vector<16xi1> -> vector<16xi32>
      %reduce_sum3A_379 = vector.extract %reduce_sum3A_378[15] : i32 from vector<16xi32>
      %add3A_380 = arith.addi %add3A_365, %reduce_sum3A_379 : i32
      %get3A_381 = arith.constant 176 : index
      %get3A_382 = tpu.vector_load %arg8[%get3A_381] {strides = array<i32>} : memref<640xi32, #tpu.memory_space<vmem>>, vector<16xi32>,
      %broadcast_in_dim3A_383 = arith.constant true
      %broadcast_in_dim3A_384 = vector.broadcast %broadcast_in_dim3A_383 : i1 to vector<16xi1>
      %masked_cumsum3A_385 = tpu.scan <sum>, %get3A_382 masked %broadcast_in_dim3A_384 : vector<16xi32>, vector<16xi1> -> vector<16xi32>
      %sub3A_386 = arith.subi %masked_cumsum3A_385, %get3A_382 : vector<16xi32>
      %add3A_387 = vector.broadcast %add3A_380 : i32 to vector<16xi32>
      %add3A_388 = arith.addi %sub3A_386, %add3A_387 : vector<16xi32>
      %swap3A_389 = arith.constant 176 : index
      %swap3A_390 = tpu.vector_load %arg8[%swap3A_389] {strides = array<i32>} : memref<640xi32, #tpu.memory_space<vmem>>, vector<16xi32>,
      tpu.vector_store %arg8[%swap3A_389], %add3A_388 {strides = array<i32>} : memref<640xi32, #tpu.memory_space<vmem>>, vector<16xi32>,
      %reduce_sum3A_391 = arith.constant true
      %reduce_sum3A_392 = vector.broadcast %reduce_sum3A_391 : i1 to vector<16xi1>
      %reduce_sum3A_393 = tpu.scan <sum>, %get3A_382 masked %reduce_sum3A_392 : vector<16xi32>, vector<16xi1> -> vector<16xi32>
      %reduce_sum3A_394 = vector.extract %reduce_sum3A_393[15] : i32 from vector<16xi32>
      %add3A_395 = arith.addi %add3A_380, %reduce_sum3A_394 : i32
      %get3A_396 = arith.constant 192 : index
      %get3A_397 = tpu.vector_load %arg8[%get3A_396] {strides = array<i32>} : memref<640xi32, #tpu.memory_space<vmem>>, vector<16xi32>,
      %broadcast_in_dim3A_398 = arith.constant true
      %broadcast_in_dim3A_399 = vector.broadcast %broadcast_in_dim3A_398 : i1 to vector<16xi1>
      %masked_cumsum3A_400 = tpu.scan <sum>, %get3A_397 masked %broadcast_in_dim3A_399 : vector<16xi32>, vector<16xi1> -> vector<16xi32>
      %sub3A_401 = arith.subi %masked_cumsum3A_400, %get3A_397 : vector<16xi32>
      %add3A_402 = vector.broadcast %add3A_395 : i32 to vector<16xi32>
      %add3A_403 = arith.addi %sub3A_401, %add3A_402 : vector<16xi32>
      %swap3A_404 = arith.constant 192 : index
      %swap3A_405 = tpu.vector_load %arg8[%swap3A_404] {strides = array<i32>} : memref<640xi32, #tpu.memory_space<vmem>>, vector<16xi32>,
      tpu.vector_store %arg8[%swap3A_404], %add3A_403 {strides = array<i32>} : memref<640xi32, #tpu.memory_space<vmem>>, vector<16xi32>,
      %reduce_sum3A_406 = arith.constant true
      %reduce_sum3A_407 = vector.broadcast %reduce_sum3A_406 : i1 to vector<16xi1>
      %reduce_sum3A_408 = tpu.scan <sum>, %get3A_397 masked %reduce_sum3A_407 : vector<16xi32>, vector<16xi1> -> vector<16xi32>
      %reduce_sum3A_409 = vector.extract %reduce_sum3A_408[15] : i32 from vector<16xi32>
      %add3A_410 = arith.addi %add3A_395, %reduce_sum3A_409 : i32
      %get3A_411 = arith.constant 208 : index
      %get3A_412 = tpu.vector_load %arg8[%get3A_411] {strides = array<i32>} : memref<640xi32, #tpu.memory_space<vmem>>, vector<16xi32>,
      %broadcast_in_dim3A_413 = arith.constant true
      %broadcast_in_dim3A_414 = vector.broadcast %broadcast_in_dim3A_413 : i1 to vector<16xi1>
      %masked_cumsum3A_415 = tpu.scan <sum>, %get3A_412 masked %broadcast_in_dim3A_414 : vector<16xi32>, vector<16xi1> -> vector<16xi32>
      %sub3A_416 = arith.subi %masked_cumsum3A_415, %get3A_412 : vector<16xi32>
      %add3A_417 = vector.broadcast %add3A_410 : i32 to vector<16xi32>
      %add3A_418 = arith.addi %sub3A_416, %add3A_417 : vector<16xi32>
      %swap3A_419 = arith.constant 208 : index
      %swap3A_420 = tpu.vector_load %arg8[%swap3A_419] {strides = array<i32>} : memref<640xi32, #tpu.memory_space<vmem>>, vector<16xi32>,
      tpu.vector_store %arg8[%swap3A_419], %add3A_418 {strides = array<i32>} : memref<640xi32, #tpu.memory_space<vmem>>, vector<16xi32>,
      %reduce_sum3A_421 = arith.constant true
      %reduce_sum3A_422 = vector.broadcast %reduce_sum3A_421 : i1 to vector<16xi1>
      %reduce_sum3A_423 = tpu.scan <sum>, %get3A_412 masked %reduce_sum3A_422 : vector<16xi32>, vector<16xi1> -> vector<16xi32>
      %reduce_sum3A_424 = vector.extract %reduce_sum3A_423[15] : i32 from vector<16xi32>
      %add3A_425 = arith.addi %add3A_410, %reduce_sum3A_424 : i32
      %get3A_426 = arith.constant 224 : index
      %get3A_427 = tpu.vector_load %arg8[%get3A_426] {strides = array<i32>} : memref<640xi32, #tpu.memory_space<vmem>>, vector<16xi32>,
      %broadcast_in_dim3A_428 = arith.constant true
      %broadcast_in_dim3A_429 = vector.broadcast %broadcast_in_dim3A_428 : i1 to vector<16xi1>
      %masked_cumsum3A_430 = tpu.scan <sum>, %get3A_427 masked %broadcast_in_dim3A_429 : vector<16xi32>, vector<16xi1> -> vector<16xi32>
      %sub3A_431 = arith.subi %masked_cumsum3A_430, %get3A_427 : vector<16xi32>
      %add3A_432 = vector.broadcast %add3A_425 : i32 to vector<16xi32>
      %add3A_433 = arith.addi %sub3A_431, %add3A_432 : vector<16xi32>
      %swap3A_434 = arith.constant 224 : index
      %swap3A_435 = tpu.vector_load %arg8[%swap3A_434] {strides = array<i32>} : memref<640xi32, #tpu.memory_space<vmem>>, vector<16xi32>,
      tpu.vector_store %arg8[%swap3A_434], %add3A_433 {strides = array<i32>} : memref<640xi32, #tpu.memory_space<vmem>>, vector<16xi32>,
      %reduce_sum3A_436 = arith.constant true
      %reduce_sum3A_437 = vector.broadcast %reduce_sum3A_436 : i1 to vector<16xi1>
      %reduce_sum3A_438 = tpu.scan <sum>, %get3A_427 masked %reduce_sum3A_437 : vector<16xi32>, vector<16xi1> -> vector<16xi32>
      %reduce_sum3A_439 = vector.extract %reduce_sum3A_438[15] : i32 from vector<16xi32>
      %add3A_440 = arith.addi %add3A_425, %reduce_sum3A_439 : i32
      %get3A_441 = arith.constant 240 : index
      %get3A_442 = tpu.vector_load %arg8[%get3A_441] {strides = array<i32>} : memref<640xi32, #tpu.memory_space<vmem>>, vector<16xi32>,
      %broadcast_in_dim3A_443 = arith.constant true
      %broadcast_in_dim3A_444 = vector.broadcast %broadcast_in_dim3A_443 : i1 to vector<16xi1>
      %masked_cumsum3A_445 = tpu.scan <sum>, %get3A_442 masked %broadcast_in_dim3A_444 : vector<16xi32>, vector<16xi1> -> vector<16xi32>
      %sub3A_446 = arith.subi %masked_cumsum3A_445, %get3A_442 : vector<16xi32>
      %add3A_447 = vector.broadcast %add3A_440 : i32 to vector<16xi32>
      %add3A_448 = arith.addi %sub3A_446, %add3A_447 : vector<16xi32>
      %swap3A_449 = arith.constant 240 : index
      %swap3A_450 = tpu.vector_load %arg8[%swap3A_449] {strides = array<i32>} : memref<640xi32, #tpu.memory_space<vmem>>, vector<16xi32>,
      tpu.vector_store %arg8[%swap3A_449], %add3A_448 {strides = array<i32>} : memref<640xi32, #tpu.memory_space<vmem>>, vector<16xi32>,
      %reduce_sum3A_451 = arith.constant true
      %reduce_sum3A_452 = vector.broadcast %reduce_sum3A_451 : i1 to vector<16xi1>
      %reduce_sum3A_453 = tpu.scan <sum>, %get3A_442 masked %reduce_sum3A_452 : vector<16xi32>, vector<16xi1> -> vector<16xi32>
      %reduce_sum3A_454 = vector.extract %reduce_sum3A_453[15] : i32 from vector<16xi32>
      %add3A_455 = arith.addi %add3A_440, %reduce_sum3A_454 : i32
      %get3A_456 = arith.constant 256 : index
      %get3A_457 = tpu.vector_load %arg8[%get3A_456] {strides = array<i32>} : memref<640xi32, #tpu.memory_space<vmem>>, vector<16xi32>,
      %broadcast_in_dim3A_458 = arith.constant true
      %broadcast_in_dim3A_459 = vector.broadcast %broadcast_in_dim3A_458 : i1 to vector<16xi1>
      %masked_cumsum3A_460 = tpu.scan <sum>, %get3A_457 masked %broadcast_in_dim3A_459 : vector<16xi32>, vector<16xi1> -> vector<16xi32>
      %sub3A_461 = arith.subi %masked_cumsum3A_460, %get3A_457 : vector<16xi32>
      %add3A_462 = vector.broadcast %add3A_455 : i32 to vector<16xi32>
      %add3A_463 = arith.addi %sub3A_461, %add3A_462 : vector<16xi32>
      %swap3A_464 = arith.constant 256 : index
      %swap3A_465 = tpu.vector_load %arg8[%swap3A_464] {strides = array<i32>} : memref<640xi32, #tpu.memory_space<vmem>>, vector<16xi32>,
      tpu.vector_store %arg8[%swap3A_464], %add3A_463 {strides = array<i32>} : memref<640xi32, #tpu.memory_space<vmem>>, vector<16xi32>,
      %reduce_sum3A_466 = arith.constant true
      %reduce_sum3A_467 = vector.broadcast %reduce_sum3A_466 : i1 to vector<16xi1>
      %reduce_sum3A_468 = tpu.scan <sum>, %get3A_457 masked %reduce_sum3A_467 : vector<16xi32>, vector<16xi1> -> vector<16xi32>
      %reduce_sum3A_469 = vector.extract %reduce_sum3A_468[15] : i32 from vector<16xi32>
      %add3A_470 = arith.addi %add3A_455, %reduce_sum3A_469 : i32
      %get3A_471 = arith.constant 272 : index
      %get3A_472 = tpu.vector_load %arg8[%get3A_471] {strides = array<i32>} : memref<640xi32, #tpu.memory_space<vmem>>, vector<16xi32>,
      %broadcast_in_dim3A_473 = arith.constant true
      %broadcast_in_dim3A_474 = vector.broadcast %broadcast_in_dim3A_473 : i1 to vector<16xi1>
      %masked_cumsum3A_475 = tpu.scan <sum>, %get3A_472 masked %broadcast_in_dim3A_474 : vector<16xi32>, vector<16xi1> -> vector<16xi32>
      %sub3A_476 = arith.subi %masked_cumsum3A_475, %get3A_472 : vector<16xi32>
      %add3A_477 = vector.broadcast %add3A_470 : i32 to vector<16xi32>
      %add3A_478 = arith.addi %sub3A_476, %add3A_477 : vector<16xi32>
      %swap3A_479 = arith.constant 272 : index
      %swap3A_480 = tpu.vector_load %arg8[%swap3A_479] {strides = array<i32>} : memref<640xi32, #tpu.memory_space<vmem>>, vector<16xi32>,
      tpu.vector_store %arg8[%swap3A_479], %add3A_478 {strides = array<i32>} : memref<640xi32, #tpu.memory_space<vmem>>, vector<16xi32>,
      %reduce_sum3A_481 = arith.constant true
      %reduce_sum3A_482 = vector.broadcast %reduce_sum3A_481 : i1 to vector<16xi1>
      %reduce_sum3A_483 = tpu.scan <sum>, %get3A_472 masked %reduce_sum3A_482 : vector<16xi32>, vector<16xi1> -> vector<16xi32>
      %reduce_sum3A_484 = vector.extract %reduce_sum3A_483[15] : i32 from vector<16xi32>
      %add3A_485 = arith.addi %add3A_470, %reduce_sum3A_484 : i32
      %get3A_486 = arith.constant 288 : index
      %get3A_487 = tpu.vector_load %arg8[%get3A_486] {strides = array<i32>} : memref<640xi32, #tpu.memory_space<vmem>>, vector<16xi32>,
      %broadcast_in_dim3A_488 = arith.constant true
      %broadcast_in_dim3A_489 = vector.broadcast %broadcast_in_dim3A_488 : i1 to vector<16xi1>
      %masked_cumsum3A_490 = tpu.scan <sum>, %get3A_487 masked %broadcast_in_dim3A_489 : vector<16xi32>, vector<16xi1> -> vector<16xi32>
      %sub3A_491 = arith.subi %masked_cumsum3A_490, %get3A_487 : vector<16xi32>
      %add3A_492 = vector.broadcast %add3A_485 : i32 to vector<16xi32>
      %add3A_493 = arith.addi %sub3A_491, %add3A_492 : vector<16xi32>
      %swap3A_494 = arith.constant 288 : index
      %swap3A_495 = tpu.vector_load %arg8[%swap3A_494] {strides = array<i32>} : memref<640xi32, #tpu.memory_space<vmem>>, vector<16xi32>,
      tpu.vector_store %arg8[%swap3A_494], %add3A_493 {strides = array<i32>} : memref<640xi32, #tpu.memory_space<vmem>>, vector<16xi32>,
      %reduce_sum3A_496 = arith.constant true
      %reduce_sum3A_497 = vector.broadcast %reduce_sum3A_496 : i1 to vector<16xi1>
      %reduce_sum3A_498 = tpu.scan <sum>, %get3A_487 masked %reduce_sum3A_497 : vector<16xi32>, vector<16xi1> -> vector<16xi32>
      %reduce_sum3A_499 = vector.extract %reduce_sum3A_498[15] : i32 from vector<16xi32>
      %add3A_500 = arith.addi %add3A_485, %reduce_sum3A_499 : i32
      %get3A_501 = arith.constant 304 : index
      %get3A_502 = tpu.vector_load %arg8[%get3A_501] {strides = array<i32>} : memref<640xi32, #tpu.memory_space<vmem>>, vector<16xi32>,
      %broadcast_in_dim3A_503 = arith.constant true
      %broadcast_in_dim3A_504 = vector.broadcast %broadcast_in_dim3A_503 : i1 to vector<16xi1>
      %masked_cumsum3A_505 = tpu.scan <sum>, %get3A_502 masked %broadcast_in_dim3A_504 : vector<16xi32>, vector<16xi1> -> vector<16xi32>
      %sub3A_506 = arith.subi %masked_cumsum3A_505, %get3A_502 : vector<16xi32>
      %add3A_507 = vector.broadcast %add3A_500 : i32 to vector<16xi32>
      %add3A_508 = arith.addi %sub3A_506, %add3A_507 : vector<16xi32>
      %swap3A_509 = arith.constant 304 : index
      %swap3A_510 = tpu.vector_load %arg8[%swap3A_509] {strides = array<i32>} : memref<640xi32, #tpu.memory_space<vmem>>, vector<16xi32>,
      tpu.vector_store %arg8[%swap3A_509], %add3A_508 {strides = array<i32>} : memref<640xi32, #tpu.memory_space<vmem>>, vector<16xi32>,
      %reduce_sum3A_511 = arith.constant true
      %reduce_sum3A_512 = vector.broadcast %reduce_sum3A_511 : i1 to vector<16xi1>
      %reduce_sum3A_513 = tpu.scan <sum>, %get3A_502 masked %reduce_sum3A_512 : vector<16xi32>, vector<16xi1> -> vector<16xi32>
      %reduce_sum3A_514 = vector.extract %reduce_sum3A_513[15] : i32 from vector<16xi32>
      %add3A_515 = arith.addi %add3A_500, %reduce_sum3A_514 : i32
      %get3A_516 = arith.constant 320 : index
      %get3A_517 = tpu.vector_load %arg8[%get3A_516] {strides = array<i32>} : memref<640xi32, #tpu.memory_space<vmem>>, vector<16xi32>,
      %broadcast_in_dim3A_518 = arith.constant true
      %broadcast_in_dim3A_519 = vector.broadcast %broadcast_in_dim3A_518 : i1 to vector<16xi1>
      %masked_cumsum3A_520 = tpu.scan <sum>, %get3A_517 masked %broadcast_in_dim3A_519 : vector<16xi32>, vector<16xi1> -> vector<16xi32>
      %sub3A_521 = arith.subi %masked_cumsum3A_520, %get3A_517 : vector<16xi32>
      %add3A_522 = vector.broadcast %add3A_515 : i32 to vector<16xi32>
      %add3A_523 = arith.addi %sub3A_521, %add3A_522 : vector<16xi32>
      %swap3A_524 = arith.constant 320 : index
      %swap3A_525 = tpu.vector_load %arg8[%swap3A_524] {strides = array<i32>} : memref<640xi32, #tpu.memory_space<vmem>>, vector<16xi32>,
      tpu.vector_store %arg8[%swap3A_524], %add3A_523 {strides = array<i32>} : memref<640xi32, #tpu.memory_space<vmem>>, vector<16xi32>,
      %reduce_sum3A_526 = arith.constant true
      %reduce_sum3A_527 = vector.broadcast %reduce_sum3A_526 : i1 to vector<16xi1>
      %reduce_sum3A_528 = tpu.scan <sum>, %get3A_517 masked %reduce_sum3A_527 : vector<16xi32>, vector<16xi1> -> vector<16xi32>
      %reduce_sum3A_529 = vector.extract %reduce_sum3A_528[15] : i32 from vector<16xi32>
      %add3A_530 = arith.addi %add3A_515, %reduce_sum3A_529 : i32
      %get3A_531 = arith.constant 336 : index
      %get3A_532 = tpu.vector_load %arg8[%get3A_531] {strides = array<i32>} : memref<640xi32, #tpu.memory_space<vmem>>, vector<16xi32>,
      %broadcast_in_dim3A_533 = arith.constant true
      %broadcast_in_dim3A_534 = vector.broadcast %broadcast_in_dim3A_533 : i1 to vector<16xi1>
      %masked_cumsum3A_535 = tpu.scan <sum>, %get3A_532 masked %broadcast_in_dim3A_534 : vector<16xi32>, vector<16xi1> -> vector<16xi32>
      %sub3A_536 = arith.subi %masked_cumsum3A_535, %get3A_532 : vector<16xi32>
      %add3A_537 = vector.broadcast %add3A_530 : i32 to vector<16xi32>
      %add3A_538 = arith.addi %sub3A_536, %add3A_537 : vector<16xi32>
      %swap3A_539 = arith.constant 336 : index
      %swap3A_540 = tpu.vector_load %arg8[%swap3A_539] {strides = array<i32>} : memref<640xi32, #tpu.memory_space<vmem>>, vector<16xi32>,
      tpu.vector_store %arg8[%swap3A_539], %add3A_538 {strides = array<i32>} : memref<640xi32, #tpu.memory_space<vmem>>, vector<16xi32>,
      %reduce_sum3A_541 = arith.constant true
      %reduce_sum3A_542 = vector.broadcast %reduce_sum3A_541 : i1 to vector<16xi1>
      %reduce_sum3A_543 = tpu.scan <sum>, %get3A_532 masked %reduce_sum3A_542 : vector<16xi32>, vector<16xi1> -> vector<16xi32>
      %reduce_sum3A_544 = vector.extract %reduce_sum3A_543[15] : i32 from vector<16xi32>
      %add3A_545 = arith.addi %add3A_530, %reduce_sum3A_544 : i32
      %get3A_546 = arith.constant 352 : index
      %get3A_547 = tpu.vector_load %arg8[%get3A_546] {strides = array<i32>} : memref<640xi32, #tpu.memory_space<vmem>>, vector<16xi32>,
      %broadcast_in_dim3A_548 = arith.constant true
      %broadcast_in_dim3A_549 = vector.broadcast %broadcast_in_dim3A_548 : i1 to vector<16xi1>
      %masked_cumsum3A_550 = tpu.scan <sum>, %get3A_547 masked %broadcast_in_dim3A_549 : vector<16xi32>, vector<16xi1> -> vector<16xi32>
      %sub3A_551 = arith.subi %masked_cumsum3A_550, %get3A_547 : vector<16xi32>
      %add3A_552 = vector.broadcast %add3A_545 : i32 to vector<16xi32>
      %add3A_553 = arith.addi %sub3A_551, %add3A_552 : vector<16xi32>
      %swap3A_554 = arith.constant 352 : index
      %swap3A_555 = tpu.vector_load %arg8[%swap3A_554] {strides = array<i32>} : memref<640xi32, #tpu.memory_space<vmem>>, vector<16xi32>,
      tpu.vector_store %arg8[%swap3A_554], %add3A_553 {strides = array<i32>} : memref<640xi32, #tpu.memory_space<vmem>>, vector<16xi32>,
      %reduce_sum3A_556 = arith.constant true
      %reduce_sum3A_557 = vector.broadcast %reduce_sum3A_556 : i1 to vector<16xi1>
      %reduce_sum3A_558 = tpu.scan <sum>, %get3A_547 masked %reduce_sum3A_557 : vector<16xi32>, vector<16xi1> -> vector<16xi32>
      %reduce_sum3A_559 = vector.extract %reduce_sum3A_558[15] : i32 from vector<16xi32>
      %add3A_560 = arith.addi %add3A_545, %reduce_sum3A_559 : i32
      %get3A_561 = arith.constant 368 : index
      %get3A_562 = tpu.vector_load %arg8[%get3A_561] {strides = array<i32>} : memref<640xi32, #tpu.memory_space<vmem>>, vector<16xi32>,
      %broadcast_in_dim3A_563 = arith.constant true
      %broadcast_in_dim3A_564 = vector.broadcast %broadcast_in_dim3A_563 : i1 to vector<16xi1>
      %masked_cumsum3A_565 = tpu.scan <sum>, %get3A_562 masked %broadcast_in_dim3A_564 : vector<16xi32>, vector<16xi1> -> vector<16xi32>
      %sub3A_566 = arith.subi %masked_cumsum3A_565, %get3A_562 : vector<16xi32>
      %add3A_567 = vector.broadcast %add3A_560 : i32 to vector<16xi32>
      %add3A_568 = arith.addi %sub3A_566, %add3A_567 : vector<16xi32>
      %swap3A_569 = arith.constant 368 : index
      %swap3A_570 = tpu.vector_load %arg8[%swap3A_569] {strides = array<i32>} : memref<640xi32, #tpu.memory_space<vmem>>, vector<16xi32>,
      tpu.vector_store %arg8[%swap3A_569], %add3A_568 {strides = array<i32>} : memref<640xi32, #tpu.memory_space<vmem>>, vector<16xi32>,
      %reduce_sum3A_571 = arith.constant true
      %reduce_sum3A_572 = vector.broadcast %reduce_sum3A_571 : i1 to vector<16xi1>
      %reduce_sum3A_573 = tpu.scan <sum>, %get3A_562 masked %reduce_sum3A_572 : vector<16xi32>, vector<16xi1> -> vector<16xi32>
      %reduce_sum3A_574 = vector.extract %reduce_sum3A_573[15] : i32 from vector<16xi32>
      %add3A_575 = arith.addi %add3A_560, %reduce_sum3A_574 : i32
      %get3A_576 = arith.constant 384 : index
      %get3A_577 = tpu.vector_load %arg8[%get3A_576] {strides = array<i32>} : memref<640xi32, #tpu.memory_space<vmem>>, vector<16xi32>,
      %broadcast_in_dim3A_578 = arith.constant true
      %broadcast_in_dim3A_579 = vector.broadcast %broadcast_in_dim3A_578 : i1 to vector<16xi1>
      %masked_cumsum3A_580 = tpu.scan <sum>, %get3A_577 masked %broadcast_in_dim3A_579 : vector<16xi32>, vector<16xi1> -> vector<16xi32>
      %sub3A_581 = arith.subi %masked_cumsum3A_580, %get3A_577 : vector<16xi32>
      %add3A_582 = vector.broadcast %add3A_575 : i32 to vector<16xi32>
      %add3A_583 = arith.addi %sub3A_581, %add3A_582 : vector<16xi32>
      %swap3A_584 = arith.constant 384 : index
      %swap3A_585 = tpu.vector_load %arg8[%swap3A_584] {strides = array<i32>} : memref<640xi32, #tpu.memory_space<vmem>>, vector<16xi32>,
      tpu.vector_store %arg8[%swap3A_584], %add3A_583 {strides = array<i32>} : memref<640xi32, #tpu.memory_space<vmem>>, vector<16xi32>,
      %reduce_sum3A_586 = arith.constant true
      %reduce_sum3A_587 = vector.broadcast %reduce_sum3A_586 : i1 to vector<16xi1>
      %reduce_sum3A_588 = tpu.scan <sum>, %get3A_577 masked %reduce_sum3A_587 : vector<16xi32>, vector<16xi1> -> vector<16xi32>
      %reduce_sum3A_589 = vector.extract %reduce_sum3A_588[15] : i32 from vector<16xi32>
      %add3A_590 = arith.addi %add3A_575, %reduce_sum3A_589 : i32
      %get3A_591 = arith.constant 400 : index
      %get3A_592 = tpu.vector_load %arg8[%get3A_591] {strides = array<i32>} : memref<640xi32, #tpu.memory_space<vmem>>, vector<16xi32>,
      %broadcast_in_dim3A_593 = arith.constant true
      %broadcast_in_dim3A_594 = vector.broadcast %broadcast_in_dim3A_593 : i1 to vector<16xi1>
      %masked_cumsum3A_595 = tpu.scan <sum>, %get3A_592 masked %broadcast_in_dim3A_594 : vector<16xi32>, vector<16xi1> -> vector<16xi32>
      %sub3A_596 = arith.subi %masked_cumsum3A_595, %get3A_592 : vector<16xi32>
      %add3A_597 = vector.broadcast %add3A_590 : i32 to vector<16xi32>
      %add3A_598 = arith.addi %sub3A_596, %add3A_597 : vector<16xi32>
      %swap3A_599 = arith.constant 400 : index
      %swap3A_600 = tpu.vector_load %arg8[%swap3A_599] {strides = array<i32>} : memref<640xi32, #tpu.memory_space<vmem>>, vector<16xi32>,
      tpu.vector_store %arg8[%swap3A_599], %add3A_598 {strides = array<i32>} : memref<640xi32, #tpu.memory_space<vmem>>, vector<16xi32>,
      %reduce_sum3A_601 = arith.constant true
      %reduce_sum3A_602 = vector.broadcast %reduce_sum3A_601 : i1 to vector<16xi1>
      %reduce_sum3A_603 = tpu.scan <sum>, %get3A_592 masked %reduce_sum3A_602 : vector<16xi32>, vector<16xi1> -> vector<16xi32>
      %reduce_sum3A_604 = vector.extract %reduce_sum3A_603[15] : i32 from vector<16xi32>
      %add3A_605 = arith.addi %add3A_590, %reduce_sum3A_604 : i32
      %get3A_606 = arith.constant 416 : index
      %get3A_607 = tpu.vector_load %arg8[%get3A_606] {strides = array<i32>} : memref<640xi32, #tpu.memory_space<vmem>>, vector<16xi32>,
      %broadcast_in_dim3A_608 = arith.constant true
      %broadcast_in_dim3A_609 = vector.broadcast %broadcast_in_dim3A_608 : i1 to vector<16xi1>
      %masked_cumsum3A_610 = tpu.scan <sum>, %get3A_607 masked %broadcast_in_dim3A_609 : vector<16xi32>, vector<16xi1> -> vector<16xi32>
      %sub3A_611 = arith.subi %masked_cumsum3A_610, %get3A_607 : vector<16xi32>
      %add3A_612 = vector.broadcast %add3A_605 : i32 to vector<16xi32>
      %add3A_613 = arith.addi %sub3A_611, %add3A_612 : vector<16xi32>
      %swap3A_614 = arith.constant 416 : index
      %swap3A_615 = tpu.vector_load %arg8[%swap3A_614] {strides = array<i32>} : memref<640xi32, #tpu.memory_space<vmem>>, vector<16xi32>,
      tpu.vector_store %arg8[%swap3A_614], %add3A_613 {strides = array<i32>} : memref<640xi32, #tpu.memory_space<vmem>>, vector<16xi32>,
      %reduce_sum3A_616 = arith.constant true
      %reduce_sum3A_617 = vector.broadcast %reduce_sum3A_616 : i1 to vector<16xi1>
      %reduce_sum3A_618 = tpu.scan <sum>, %get3A_607 masked %reduce_sum3A_617 : vector<16xi32>, vector<16xi1> -> vector<16xi32>
      %reduce_sum3A_619 = vector.extract %reduce_sum3A_618[15] : i32 from vector<16xi32>
      %add3A_620 = arith.addi %add3A_605, %reduce_sum3A_619 : i32
      %get3A_621 = arith.constant 432 : index
      %get3A_622 = tpu.vector_load %arg8[%get3A_621] {strides = array<i32>} : memref<640xi32, #tpu.memory_space<vmem>>, vector<16xi32>,
      %broadcast_in_dim3A_623 = arith.constant true
      %broadcast_in_dim3A_624 = vector.broadcast %broadcast_in_dim3A_623 : i1 to vector<16xi1>
      %masked_cumsum3A_625 = tpu.scan <sum>, %get3A_622 masked %broadcast_in_dim3A_624 : vector<16xi32>, vector<16xi1> -> vector<16xi32>
      %sub3A_626 = arith.subi %masked_cumsum3A_625, %get3A_622 : vector<16xi32>
      %add3A_627 = vector.broadcast %add3A_620 : i32 to vector<16xi32>
      %add3A_628 = arith.addi %sub3A_626, %add3A_627 : vector<16xi32>
      %swap3A_629 = arith.constant 432 : index
      %swap3A_630 = tpu.vector_load %arg8[%swap3A_629] {strides = array<i32>} : memref<640xi32, #tpu.memory_space<vmem>>, vector<16xi32>,
      tpu.vector_store %arg8[%swap3A_629], %add3A_628 {strides = array<i32>} : memref<640xi32, #tpu.memory_space<vmem>>, vector<16xi32>,
      %reduce_sum3A_631 = arith.constant true
      %reduce_sum3A_632 = vector.broadcast %reduce_sum3A_631 : i1 to vector<16xi1>
      %reduce_sum3A_633 = tpu.scan <sum>, %get3A_622 masked %reduce_sum3A_632 : vector<16xi32>, vector<16xi1> -> vector<16xi32>
      %reduce_sum3A_634 = vector.extract %reduce_sum3A_633[15] : i32 from vector<16xi32>
      %add3A_635 = arith.addi %add3A_620, %reduce_sum3A_634 : i32
      %get3A_636 = arith.constant 448 : index
      %get3A_637 = tpu.vector_load %arg8[%get3A_636] {strides = array<i32>} : memref<640xi32, #tpu.memory_space<vmem>>, vector<16xi32>,
      %broadcast_in_dim3A_638 = arith.constant true
      %broadcast_in_dim3A_639 = vector.broadcast %broadcast_in_dim3A_638 : i1 to vector<16xi1>
      %masked_cumsum3A_640 = tpu.scan <sum>, %get3A_637 masked %broadcast_in_dim3A_639 : vector<16xi32>, vector<16xi1> -> vector<16xi32>
      %sub3A_641 = arith.subi %masked_cumsum3A_640, %get3A_637 : vector<16xi32>
      %add3A_642 = vector.broadcast %add3A_635 : i32 to vector<16xi32>
      %add3A_643 = arith.addi %sub3A_641, %add3A_642 : vector<16xi32>
      %swap3A_644 = arith.constant 448 : index
      %swap3A_645 = tpu.vector_load %arg8[%swap3A_644] {strides = array<i32>} : memref<640xi32, #tpu.memory_space<vmem>>, vector<16xi32>,
      tpu.vector_store %arg8[%swap3A_644], %add3A_643 {strides = array<i32>} : memref<640xi32, #tpu.memory_space<vmem>>, vector<16xi32>,
      %reduce_sum3A_646 = arith.constant true
      %reduce_sum3A_647 = vector.broadcast %reduce_sum3A_646 : i1 to vector<16xi1>
      %reduce_sum3A_648 = tpu.scan <sum>, %get3A_637 masked %reduce_sum3A_647 : vector<16xi32>, vector<16xi1> -> vector<16xi32>
      %reduce_sum3A_649 = vector.extract %reduce_sum3A_648[15] : i32 from vector<16xi32>
      %add3A_650 = arith.addi %add3A_635, %reduce_sum3A_649 : i32
      %get3A_651 = arith.constant 464 : index
      %get3A_652 = tpu.vector_load %arg8[%get3A_651] {strides = array<i32>} : memref<640xi32, #tpu.memory_space<vmem>>, vector<16xi32>,
      %broadcast_in_dim3A_653 = arith.constant true
      %broadcast_in_dim3A_654 = vector.broadcast %broadcast_in_dim3A_653 : i1 to vector<16xi1>
      %masked_cumsum3A_655 = tpu.scan <sum>, %get3A_652 masked %broadcast_in_dim3A_654 : vector<16xi32>, vector<16xi1> -> vector<16xi32>
      %sub3A_656 = arith.subi %masked_cumsum3A_655, %get3A_652 : vector<16xi32>
      %add3A_657 = vector.broadcast %add3A_650 : i32 to vector<16xi32>
      %add3A_658 = arith.addi %sub3A_656, %add3A_657 : vector<16xi32>
      %swap3A_659 = arith.constant 464 : index
      %swap3A_660 = tpu.vector_load %arg8[%swap3A_659] {strides = array<i32>} : memref<640xi32, #tpu.memory_space<vmem>>, vector<16xi32>,
      tpu.vector_store %arg8[%swap3A_659], %add3A_658 {strides = array<i32>} : memref<640xi32, #tpu.memory_space<vmem>>, vector<16xi32>,
      %reduce_sum3A_661 = arith.constant true
      %reduce_sum3A_662 = vector.broadcast %reduce_sum3A_661 : i1 to vector<16xi1>
      %reduce_sum3A_663 = tpu.scan <sum>, %get3A_652 masked %reduce_sum3A_662 : vector<16xi32>, vector<16xi1> -> vector<16xi32>
      %reduce_sum3A_664 = vector.extract %reduce_sum3A_663[15] : i32 from vector<16xi32>
      %add3A_665 = arith.addi %add3A_650, %reduce_sum3A_664 : i32
      %get3A_666 = arith.constant 480 : index
      %get3A_667 = tpu.vector_load %arg8[%get3A_666] {strides = array<i32>} : memref<640xi32, #tpu.memory_space<vmem>>, vector<16xi32>,
      %broadcast_in_dim3A_668 = arith.constant true
      %broadcast_in_dim3A_669 = vector.broadcast %broadcast_in_dim3A_668 : i1 to vector<16xi1>
      %masked_cumsum3A_670 = tpu.scan <sum>, %get3A_667 masked %broadcast_in_dim3A_669 : vector<16xi32>, vector<16xi1> -> vector<16xi32>
      %sub3A_671 = arith.subi %masked_cumsum3A_670, %get3A_667 : vector<16xi32>
      %add3A_672 = vector.broadcast %add3A_665 : i32 to vector<16xi32>
      %add3A_673 = arith.addi %sub3A_671, %add3A_672 : vector<16xi32>
      %swap3A_674 = arith.constant 480 : index
      %swap3A_675 = tpu.vector_load %arg8[%swap3A_674] {strides = array<i32>} : memref<640xi32, #tpu.memory_space<vmem>>, vector<16xi32>,
      tpu.vector_store %arg8[%swap3A_674], %add3A_673 {strides = array<i32>} : memref<640xi32, #tpu.memory_space<vmem>>, vector<16xi32>,
      %reduce_sum3A_676 = arith.constant true
      %reduce_sum3A_677 = vector.broadcast %reduce_sum3A_676 : i1 to vector<16xi1>
      %reduce_sum3A_678 = tpu.scan <sum>, %get3A_667 masked %reduce_sum3A_677 : vector<16xi32>, vector<16xi1> -> vector<16xi32>
      %reduce_sum3A_679 = vector.extract %reduce_sum3A_678[15] : i32 from vector<16xi32>
      %add3A_680 = arith.addi %add3A_665, %reduce_sum3A_679 : i32
      %get3A_681 = arith.constant 496 : index
      %get3A_682 = tpu.vector_load %arg8[%get3A_681] {strides = array<i32>} : memref<640xi32, #tpu.memory_space<vmem>>, vector<16xi32>,
      %broadcast_in_dim3A_683 = arith.constant true
      %broadcast_in_dim3A_684 = vector.broadcast %broadcast_in_dim3A_683 : i1 to vector<16xi1>
      %masked_cumsum3A_685 = tpu.scan <sum>, %get3A_682 masked %broadcast_in_dim3A_684 : vector<16xi32>, vector<16xi1> -> vector<16xi32>
      %sub3A_686 = arith.subi %masked_cumsum3A_685, %get3A_682 : vector<16xi32>
      %add3A_687 = vector.broadcast %add3A_680 : i32 to vector<16xi32>
      %add3A_688 = arith.addi %sub3A_686, %add3A_687 : vector<16xi32>
      %swap3A_689 = arith.constant 496 : index
      %swap3A_690 = tpu.vector_load %arg8[%swap3A_689] {strides = array<i32>} : memref<640xi32, #tpu.memory_space<vmem>>, vector<16xi32>,
      tpu.vector_store %arg8[%swap3A_689], %add3A_688 {strides = array<i32>} : memref<640xi32, #tpu.memory_space<vmem>>, vector<16xi32>,
      %reduce_sum3A_691 = arith.constant true
      %reduce_sum3A_692 = vector.broadcast %reduce_sum3A_691 : i1 to vector<16xi1>
      %reduce_sum3A_693 = tpu.scan <sum>, %get3A_682 masked %reduce_sum3A_692 : vector<16xi32>, vector<16xi1> -> vector<16xi32>
      %reduce_sum3A_694 = vector.extract %reduce_sum3A_693[15] : i32 from vector<16xi32>
      %add3A_695 = arith.addi %add3A_680, %reduce_sum3A_694 : i32
      %get3A_696 = arith.constant 512 : index
      %get3A_697 = tpu.vector_load %arg8[%get3A_696] {strides = array<i32>} : memref<640xi32, #tpu.memory_space<vmem>>, vector<16xi32>,
      %broadcast_in_dim3A_698 = arith.constant true
      %broadcast_in_dim3A_699 = vector.broadcast %broadcast_in_dim3A_698 : i1 to vector<16xi1>
      %masked_cumsum3A_700 = tpu.scan <sum>, %get3A_697 masked %broadcast_in_dim3A_699 : vector<16xi32>, vector<16xi1> -> vector<16xi32>
      %sub3A_701 = arith.subi %masked_cumsum3A_700, %get3A_697 : vector<16xi32>
      %add3A_702 = vector.broadcast %add3A_695 : i32 to vector<16xi32>
      %add3A_703 = arith.addi %sub3A_701, %add3A_702 : vector<16xi32>
      %swap3A_704 = arith.constant 512 : index
      %swap3A_705 = tpu.vector_load %arg8[%swap3A_704] {strides = array<i32>} : memref<640xi32, #tpu.memory_space<vmem>>, vector<16xi32>,
      tpu.vector_store %arg8[%swap3A_704], %add3A_703 {strides = array<i32>} : memref<640xi32, #tpu.memory_space<vmem>>, vector<16xi32>,
      %reduce_sum3A_706 = arith.constant true
      %reduce_sum3A_707 = vector.broadcast %reduce_sum3A_706 : i1 to vector<16xi1>
      %reduce_sum3A_708 = tpu.scan <sum>, %get3A_697 masked %reduce_sum3A_707 : vector<16xi32>, vector<16xi1> -> vector<16xi32>
      %reduce_sum3A_709 = vector.extract %reduce_sum3A_708[15] : i32 from vector<16xi32>
      %add3A_710 = arith.addi %add3A_695, %reduce_sum3A_709 : i32
      %get3A_711 = arith.constant 528 : index
      %get3A_712 = tpu.vector_load %arg8[%get3A_711] {strides = array<i32>} : memref<640xi32, #tpu.memory_space<vmem>>, vector<16xi32>,
      %broadcast_in_dim3A_713 = arith.constant true
      %broadcast_in_dim3A_714 = vector.broadcast %broadcast_in_dim3A_713 : i1 to vector<16xi1>
      %masked_cumsum3A_715 = tpu.scan <sum>, %get3A_712 masked %broadcast_in_dim3A_714 : vector<16xi32>, vector<16xi1> -> vector<16xi32>
      %sub3A_716 = arith.subi %masked_cumsum3A_715, %get3A_712 : vector<16xi32>
      %add3A_717 = vector.broadcast %add3A_710 : i32 to vector<16xi32>
      %add3A_718 = arith.addi %sub3A_716, %add3A_717 : vector<16xi32>
      %swap3A_719 = arith.constant 528 : index
      %swap3A_720 = tpu.vector_load %arg8[%swap3A_719] {strides = array<i32>} : memref<640xi32, #tpu.memory_space<vmem>>, vector<16xi32>,
      tpu.vector_store %arg8[%swap3A_719], %add3A_718 {strides = array<i32>} : memref<640xi32, #tpu.memory_space<vmem>>, vector<16xi32>,
      %reduce_sum3A_721 = arith.constant true
      %reduce_sum3A_722 = vector.broadcast %reduce_sum3A_721 : i1 to vector<16xi1>
      %reduce_sum3A_723 = tpu.scan <sum>, %get3A_712 masked %reduce_sum3A_722 : vector<16xi32>, vector<16xi1> -> vector<16xi32>
      %reduce_sum3A_724 = vector.extract %reduce_sum3A_723[15] : i32 from vector<16xi32>
      %add3A_725 = arith.addi %add3A_710, %reduce_sum3A_724 : i32
      %get3A_726 = arith.constant 544 : index
      %get3A_727 = tpu.vector_load %arg8[%get3A_726] {strides = array<i32>} : memref<640xi32, #tpu.memory_space<vmem>>, vector<16xi32>,
      %broadcast_in_dim3A_728 = arith.constant true
      %broadcast_in_dim3A_729 = vector.broadcast %broadcast_in_dim3A_728 : i1 to vector<16xi1>
      %masked_cumsum3A_730 = tpu.scan <sum>, %get3A_727 masked %broadcast_in_dim3A_729 : vector<16xi32>, vector<16xi1> -> vector<16xi32>
      %sub3A_731 = arith.subi %masked_cumsum3A_730, %get3A_727 : vector<16xi32>
      %add3A_732 = vector.broadcast %add3A_725 : i32 to vector<16xi32>
      %add3A_733 = arith.addi %sub3A_731, %add3A_732 : vector<16xi32>
      %swap3A_734 = arith.constant 544 : index
      %swap3A_735 = tpu.vector_load %arg8[%swap3A_734] {strides = array<i32>} : memref<640xi32, #tpu.memory_space<vmem>>, vector<16xi32>,
      tpu.vector_store %arg8[%swap3A_734], %add3A_733 {strides = array<i32>} : memref<640xi32, #tpu.memory_space<vmem>>, vector<16xi32>,
      %reduce_sum3A_736 = arith.constant true
      %reduce_sum3A_737 = vector.broadcast %reduce_sum3A_736 : i1 to vector<16xi1>
      %reduce_sum3A_738 = tpu.scan <sum>, %get3A_727 masked %reduce_sum3A_737 : vector<16xi32>, vector<16xi1> -> vector<16xi32>
      %reduce_sum3A_739 = vector.extract %reduce_sum3A_738[15] : i32 from vector<16xi32>
      %add3A_740 = arith.addi %add3A_725, %reduce_sum3A_739 : i32
      %get3A_741 = arith.constant 560 : index
      %get3A_742 = tpu.vector_load %arg8[%get3A_741] {strides = array<i32>} : memref<640xi32, #tpu.memory_space<vmem>>, vector<16xi32>,
      %broadcast_in_dim3A_743 = arith.constant true
      %broadcast_in_dim3A_744 = vector.broadcast %broadcast_in_dim3A_743 : i1 to vector<16xi1>
      %masked_cumsum3A_745 = tpu.scan <sum>, %get3A_742 masked %broadcast_in_dim3A_744 : vector<16xi32>, vector<16xi1> -> vector<16xi32>
      %sub3A_746 = arith.subi %masked_cumsum3A_745, %get3A_742 : vector<16xi32>
      %add3A_747 = vector.broadcast %add3A_740 : i32 to vector<16xi32>
      %add3A_748 = arith.addi %sub3A_746, %add3A_747 : vector<16xi32>
      %swap3A_749 = arith.constant 560 : index
      %swap3A_750 = tpu.vector_load %arg8[%swap3A_749] {strides = array<i32>} : memref<640xi32, #tpu.memory_space<vmem>>, vector<16xi32>,
      tpu.vector_store %arg8[%swap3A_749], %add3A_748 {strides = array<i32>} : memref<640xi32, #tpu.memory_space<vmem>>, vector<16xi32>,
      %reduce_sum3A_751 = arith.constant true
      %reduce_sum3A_752 = vector.broadcast %reduce_sum3A_751 : i1 to vector<16xi1>
      %reduce_sum3A_753 = tpu.scan <sum>, %get3A_742 masked %reduce_sum3A_752 : vector<16xi32>, vector<16xi1> -> vector<16xi32>
      %reduce_sum3A_754 = vector.extract %reduce_sum3A_753[15] : i32 from vector<16xi32>
      %add3A_755 = arith.addi %add3A_740, %reduce_sum3A_754 : i32
      %get3A_756 = arith.constant 576 : index
      %get3A_757 = tpu.vector_load %arg8[%get3A_756] {strides = array<i32>} : memref<640xi32, #tpu.memory_space<vmem>>, vector<16xi32>,
      %broadcast_in_dim3A_758 = arith.constant true
      %broadcast_in_dim3A_759 = vector.broadcast %broadcast_in_dim3A_758 : i1 to vector<16xi1>
      %masked_cumsum3A_760 = tpu.scan <sum>, %get3A_757 masked %broadcast_in_dim3A_759 : vector<16xi32>, vector<16xi1> -> vector<16xi32>
      %sub3A_761 = arith.subi %masked_cumsum3A_760, %get3A_757 : vector<16xi32>
      %add3A_762 = vector.broadcast %add3A_755 : i32 to vector<16xi32>
      %add3A_763 = arith.addi %sub3A_761, %add3A_762 : vector<16xi32>
      %swap3A_764 = arith.constant 576 : index
      %swap3A_765 = tpu.vector_load %arg8[%swap3A_764] {strides = array<i32>} : memref<640xi32, #tpu.memory_space<vmem>>, vector<16xi32>,
      tpu.vector_store %arg8[%swap3A_764], %add3A_763 {strides = array<i32>} : memref<640xi32, #tpu.memory_space<vmem>>, vector<16xi32>,
      %reduce_sum3A_766 = arith.constant true
      %reduce_sum3A_767 = vector.broadcast %reduce_sum3A_766 : i1 to vector<16xi1>
      %reduce_sum3A_768 = tpu.scan <sum>, %get3A_757 masked %reduce_sum3A_767 : vector<16xi32>, vector<16xi1> -> vector<16xi32>
      %reduce_sum3A_769 = vector.extract %reduce_sum3A_768[15] : i32 from vector<16xi32>
      %add3A_770 = arith.addi %add3A_755, %reduce_sum3A_769 : i32
      %get3A_771 = arith.constant 592 : index
      %get3A_772 = tpu.vector_load %arg8[%get3A_771] {strides = array<i32>} : memref<640xi32, #tpu.memory_space<vmem>>, vector<16xi32>,
      %broadcast_in_dim3A_773 = arith.constant true
      %broadcast_in_dim3A_774 = vector.broadcast %broadcast_in_dim3A_773 : i1 to vector<16xi1>
      %masked_cumsum3A_775 = tpu.scan <sum>, %get3A_772 masked %broadcast_in_dim3A_774 : vector<16xi32>, vector<16xi1> -> vector<16xi32>
      %sub3A_776 = arith.subi %masked_cumsum3A_775, %get3A_772 : vector<16xi32>
      %add3A_777 = vector.broadcast %add3A_770 : i32 to vector<16xi32>
      %add3A_778 = arith.addi %sub3A_776, %add3A_777 : vector<16xi32>
      %swap3A_779 = arith.constant 592 : index
      %swap3A_780 = tpu.vector_load %arg8[%swap3A_779] {strides = array<i32>} : memref<640xi32, #tpu.memory_space<vmem>>, vector<16xi32>,
      tpu.vector_store %arg8[%swap3A_779], %add3A_778 {strides = array<i32>} : memref<640xi32, #tpu.memory_space<vmem>>, vector<16xi32>,
      %reduce_sum3A_781 = arith.constant true
      %reduce_sum3A_782 = vector.broadcast %reduce_sum3A_781 : i1 to vector<16xi1>
      %reduce_sum3A_783 = tpu.scan <sum>, %get3A_772 masked %reduce_sum3A_782 : vector<16xi32>, vector<16xi1> -> vector<16xi32>
      %reduce_sum3A_784 = vector.extract %reduce_sum3A_783[15] : i32 from vector<16xi32>
      %add3A_785 = arith.addi %add3A_770, %reduce_sum3A_784 : i32
      %get3A_786 = arith.constant 608 : index
      %get3A_787 = tpu.vector_load %arg8[%get3A_786] {strides = array<i32>} : memref<640xi32, #tpu.memory_space<vmem>>, vector<16xi32>,
      %broadcast_in_dim3A_788 = arith.constant true
      %broadcast_in_dim3A_789 = vector.broadcast %broadcast_in_dim3A_788 : i1 to vector<16xi1>
      %masked_cumsum3A_790 = tpu.scan <sum>, %get3A_787 masked %broadcast_in_dim3A_789 : vector<16xi32>, vector<16xi1> -> vector<16xi32>
      %sub3A_791 = arith.subi %masked_cumsum3A_790, %get3A_787 : vector<16xi32>
      %add3A_792 = vector.broadcast %add3A_785 : i32 to vector<16xi32>
      %add3A_793 = arith.addi %sub3A_791, %add3A_792 : vector<16xi32>
      %swap3A_794 = arith.constant 608 : index
      %swap3A_795 = tpu.vector_load %arg8[%swap3A_794] {strides = array<i32>} : memref<640xi32, #tpu.memory_space<vmem>>, vector<16xi32>,
      tpu.vector_store %arg8[%swap3A_794], %add3A_793 {strides = array<i32>} : memref<640xi32, #tpu.memory_space<vmem>>, vector<16xi32>,
      %reduce_sum3A_796 = arith.constant true
      %reduce_sum3A_797 = vector.broadcast %reduce_sum3A_796 : i1 to vector<16xi1>
      %reduce_sum3A_798 = tpu.scan <sum>, %get3A_787 masked %reduce_sum3A_797 : vector<16xi32>, vector<16xi1> -> vector<16xi32>
      %reduce_sum3A_799 = vector.extract %reduce_sum3A_798[15] : i32 from vector<16xi32>
      %add3A_800 = arith.addi %add3A_785, %reduce_sum3A_799 : i32
      %get3A_801 = arith.constant 624 : index
      %get3A_802 = tpu.vector_load %arg8[%get3A_801] {strides = array<i32>} : memref<640xi32, #tpu.memory_space<vmem>>, vector<16xi32>,
      %broadcast_in_dim3A_803 = arith.constant true
      %broadcast_in_dim3A_804 = vector.broadcast %broadcast_in_dim3A_803 : i1 to vector<16xi1>
      %masked_cumsum3A_805 = tpu.scan <sum>, %get3A_802 masked %broadcast_in_dim3A_804 : vector<16xi32>, vector<16xi1> -> vector<16xi32>
      %sub3A_806 = arith.subi %masked_cumsum3A_805, %get3A_802 : vector<16xi32>
      %add3A_807 = vector.broadcast %add3A_800 : i32 to vector<16xi32>
      %add3A_808 = arith.addi %sub3A_806, %add3A_807 : vector<16xi32>
      %swap3A_809 = arith.constant 624 : index
      %swap3A_810 = tpu.vector_load %arg8[%swap3A_809] {strides = array<i32>} : memref<640xi32, #tpu.memory_space<vmem>>, vector<16xi32>,
      tpu.vector_store %arg8[%swap3A_809], %add3A_808 {strides = array<i32>} : memref<640xi32, #tpu.memory_space<vmem>>, vector<16xi32>,
      %reduce_sum3A_811 = arith.constant true
      %reduce_sum3A_812 = vector.broadcast %reduce_sum3A_811 : i1 to vector<16xi1>
      %reduce_sum3A_813 = tpu.scan <sum>, %get3A_802 masked %reduce_sum3A_812 : vector<16xi32>, vector<16xi1> -> vector<16xi32>
      %reduce_sum3A_814 = vector.extract %reduce_sum3A_813[15] : i32 from vector<16xi32>
      %add3A_815 = arith.addi %add3A_800, %reduce_sum3A_814 : i32
      %scan3A_816 = arith.constant 0 : i32
      %scan3A_817 = arith.constant 128 : i32
      %scan3A_818 = arith.addi %scan3A_816, %scan3A_817 : i32
      %scan3A_819 = arith.constant 1 : i32
      scf.for %scan3A_882 = %scan3A_816 to %scan3A_818 step %scan3A_819  : i32 {
        %get3A_883 = arith.index_cast %scan3A_882 : i32 to index
        %get3A_884 = arith.constant 0 : index
        %get3A_885 = tpu.vector_load %arg6[%get3A_883, %get3A_884] {strides = array<i32>} : memref<128x32xi32, #tpu.memory_space<vmem>>, vector<16xi32>,
        %and3A_886 = arith.constant 16383 : i32
        %and3A_887 = vector.broadcast %and3A_886 : i32 to vector<16xi32>
        %and3A_888 = arith.andi %get3A_885, %and3A_887 : vector<16xi32>
        %shift_right_arithmetic3A = arith.constant 8 : i32
        %shift_right_arithmetic3A_889 = vector.broadcast %shift_right_arithmetic3A : i32 to vector<16xi32>
        %shift_right_arithmetic3A_890 = arith.shrsi %and3A_888, %shift_right_arithmetic3A_889 : vector<16xi32>
        %mul3A_891 = arith.constant 16 : i32
        %mul3A_892 = vector.broadcast %mul3A_891 : i32 to vector<16xi32>
        %mul3A_893 = arith.muli %shift_right_arithmetic3A_890, %mul3A_892 : vector<16xi32>
        %add3A_894 = arith.addi %mul3A_893, %iota3A : vector<16xi32>
        %gather3A = tpu.vector_load_idx %arg8[%add3A_894] : memref<640xi32, #tpu.memory_space<vmem>>[vector<16xi32>], vector<16xi32>,
        %shift_right_arithmetic3A_895 = arith.constant 5 : i32
        %shift_right_arithmetic3A_896 = vector.broadcast %shift_right_arithmetic3A_895 : i32 to vector<16xi32>
        %shift_right_arithmetic3A_897 = arith.shrsi %gather3A, %shift_right_arithmetic3A_896 : vector<16xi32>
        %and3A_898 = arith.constant 31 : i32
        %and3A_899 = vector.broadcast %and3A_898 : i32 to vector<16xi32>
        %and3A_900 = arith.andi %gather3A, %and3A_899 : vector<16xi32>
        tpu.vector_store_idx %arg7[%shift_right_arithmetic3A_897, %and3A_900], %get3A_885 : memref<128x32xi32, #tpu.memory_space<vmem>>[vector<16xi32>, vector<16xi32>], vector<16xi32>,
        %add3A_901 = arith.constant 1 : i32
        %add3A_902 = vector.broadcast %add3A_901 : i32 to vector<16xi32>
        %add3A_903 = arith.addi %gather3A, %add3A_902 : vector<16xi32>
        tpu.vector_store_idx %arg8[%add3A_894], %add3A_903 : memref<640xi32, #tpu.memory_space<vmem>>[vector<16xi32>], vector<16xi32>,
        %get3A_904 = arith.index_cast %scan3A_882 : i32 to index
        %get3A_905 = arith.constant 16 : index
        %get3A_906 = tpu.vector_load %arg6[%get3A_904, %get3A_905] {strides = array<i32>} : memref<128x32xi32, #tpu.memory_space<vmem>>, vector<16xi32>,
        %and3A_907 = arith.constant 16383 : i32
        %and3A_908 = vector.broadcast %and3A_907 : i32 to vector<16xi32>
        %and3A_909 = arith.andi %get3A_906, %and3A_908 : vector<16xi32>
        %shift_right_arithmetic3A_910 = arith.constant 8 : i32
        %shift_right_arithmetic3A_911 = vector.broadcast %shift_right_arithmetic3A_910 : i32 to vector<16xi32>
        %shift_right_arithmetic3A_912 = arith.shrsi %and3A_909, %shift_right_arithmetic3A_911 : vector<16xi32>
        %mul3A_913 = arith.constant 16 : i32
        %mul3A_914 = vector.broadcast %mul3A_913 : i32 to vector<16xi32>
        %mul3A_915 = arith.muli %shift_right_arithmetic3A_912, %mul3A_914 : vector<16xi32>
        %add3A_916 = arith.addi %mul3A_915, %iota3A : vector<16xi32>
        %gather3A_917 = tpu.vector_load_idx %arg8[%add3A_916] : memref<640xi32, #tpu.memory_space<vmem>>[vector<16xi32>], vector<16xi32>,
        %shift_right_arithmetic3A_918 = arith.constant 5 : i32
        %shift_right_arithmetic3A_919 = vector.broadcast %shift_right_arithmetic3A_918 : i32 to vector<16xi32>
        %shift_right_arithmetic3A_920 = arith.shrsi %gather3A_917, %shift_right_arithmetic3A_919 : vector<16xi32>
        %and3A_921 = arith.constant 31 : i32
        %and3A_922 = vector.broadcast %and3A_921 : i32 to vector<16xi32>
        %and3A_923 = arith.andi %gather3A_917, %and3A_922 : vector<16xi32>
        tpu.vector_store_idx %arg7[%shift_right_arithmetic3A_920, %and3A_923], %get3A_906 : memref<128x32xi32, #tpu.memory_space<vmem>>[vector<16xi32>, vector<16xi32>], vector<16xi32>,
        %add3A_924 = arith.constant 1 : i32
        %add3A_925 = vector.broadcast %add3A_924 : i32 to vector<16xi32>
        %add3A_926 = arith.addi %gather3A_917, %add3A_925 : vector<16xi32>
        tpu.vector_store_idx %arg8[%add3A_916], %add3A_926 : memref<640xi32, #tpu.memory_space<vmem>>[vector<16xi32>], vector<16xi32>,
      }
      %scan3A_820 = arith.constant 128 : i32
      %get3A_821 = arith.constant 0 : i32
      %get3A_822 = arith.index_cast %get3A_821 : i32 to index
      %get3A_823 = arith.constant 0 : index
      %get3A_824 = tpu.vector_load %arg7[%get3A_822, %get3A_823] {strides = array<i32>} : memref<128x32xi32, #tpu.memory_space<vmem>>, vector<16xi32>,
      %and3A = arith.constant 16383 : i32
      %and3A_825 = vector.broadcast %and3A : i32 to vector<16xi32>
      %and3A_826 = arith.andi %get3A_824, %and3A_825 : vector<16xi32>
      %swap3A_827 = arith.constant 0 : i32
      %swap3A_828 = arith.index_cast %swap3A_827 : i32 to index
      %swap3A_829 = arith.constant 0 : index
      %swap3A_830 = tpu.vector_load %arg10[%swap3A_828, %swap3A_829] {strides = array<i32>} : memref<4x32xi32, #tpu.memory_space<vmem>>, vector<16xi32>,
      tpu.vector_store %arg10[%swap3A_828, %swap3A_829], %and3A_826 {strides = array<i32>} : memref<4x32xi32, #tpu.memory_space<vmem>>, vector<16xi32>,
      %get3A_831 = arith.constant 0 : i32
      %get3A_832 = arith.index_cast %get3A_831 : i32 to index
      %get3A_833 = arith.constant 16 : index
      %get3A_834 = tpu.vector_load %arg7[%get3A_832, %get3A_833] {strides = array<i32>} : memref<128x32xi32, #tpu.memory_space<vmem>>, vector<16xi32>,
      %and3A_835 = arith.constant 16383 : i32
      %and3A_836 = vector.broadcast %and3A_835 : i32 to vector<16xi32>
      %and3A_837 = arith.andi %get3A_834, %and3A_836 : vector<16xi32>
      %swap3A_838 = arith.constant 0 : i32
      %swap3A_839 = arith.index_cast %swap3A_838 : i32 to index
      %swap3A_840 = arith.constant 16 : index
      %swap3A_841 = tpu.vector_load %arg10[%swap3A_839, %swap3A_840] {strides = array<i32>} : memref<4x32xi32, #tpu.memory_space<vmem>>, vector<16xi32>,
      tpu.vector_store %arg10[%swap3A_839, %swap3A_840], %and3A_837 {strides = array<i32>} : memref<4x32xi32, #tpu.memory_space<vmem>>, vector<16xi32>,
      %dma_start3A = arith.constant 0 : i32
      %dma_start3A_842 = arith.constant 0 : i32
      %dma_start3A_843 = tpu.memref_slice %arg10[%dma_start3A, %dma_start3A_842] : memref<4x32xi32, #tpu.memory_space<vmem>> -> memref<1x32xi32, #tpu.memory_space<vmem>>
      %dma_start3A_844 = tpu.memref_squeeze %dma_start3A_843 : memref<1x32xi32, #tpu.memory_space<vmem>> -> memref<32xi32, #tpu.memory_space<vmem>>
      %dma_start3A_845 = arith.constant 0 : i32
      %dma_start3A_846 = arith.constant 0 : i32
      %dma_start3A_847 = tpu.memref_slice %arg2[%dma_start3A_845, %dma_start3A_846] : memref<10000x144xf32, #tpu.memory_space<hbm>> -> memref<10000x144xf32, #tpu.memory_space<hbm>>
      tpu.enqueue_indirect_dma source(%dma_start3A_847 : memref<10000x144xf32, #tpu.memory_space<hbm>>) target(%arg12 : memref<32x144xf32, #tpu.memory_space<vmem>>) offsets(%dma_start3A_844 : memref<32xi32, #tpu.memory_space<vmem>>) semaphore(%arg17 : memref<!tpu.dma_semaphore, #tpu.memory_space<semaphore_mem>>)
      %get3A_848 = arith.constant 1 : i32
      %get3A_849 = arith.index_cast %get3A_848 : i32 to index
      %get3A_850 = arith.constant 0 : index
      %get3A_851 = tpu.vector_load %arg7[%get3A_849, %get3A_850] {strides = array<i32>} : memref<128x32xi32, #tpu.memory_space<vmem>>, vector<16xi32>,
      %and3A_852 = arith.constant 16383 : i32
      %and3A_853 = vector.broadcast %and3A_852 : i32 to vector<16xi32>
      %and3A_854 = arith.andi %get3A_851, %and3A_853 : vector<16xi32>
      %swap3A_855 = arith.constant 1 : i32
      %swap3A_856 = arith.index_cast %swap3A_855 : i32 to index
      %swap3A_857 = arith.constant 0 : index
      %swap3A_858 = tpu.vector_load %arg10[%swap3A_856, %swap3A_857] {strides = array<i32>} : memref<4x32xi32, #tpu.memory_space<vmem>>, vector<16xi32>,
      tpu.vector_store %arg10[%swap3A_856, %swap3A_857], %and3A_854 {strides = array<i32>} : memref<4x32xi32, #tpu.memory_space<vmem>>, vector<16xi32>,
      %get3A_859 = arith.constant 1 : i32
      %get3A_860 = arith.index_cast %get3A_859 : i32 to index
      %get3A_861 = arith.constant 16 : index
      %get3A_862 = tpu.vector_load %arg7[%get3A_860, %get3A_861] {strides = array<i32>} : memref<128x32xi32, #tpu.memory_space<vmem>>, vector<16xi32>,
      %and3A_863 = arith.constant 16383 : i32
      %and3A_864 = vector.broadcast %and3A_863 : i32 to vector<16xi32>
      %and3A_865 = arith.andi %get3A_862, %and3A_864 : vector<16xi32>
      %swap3A_866 = arith.constant 1 : i32
      %swap3A_867 = arith.index_cast %swap3A_866 : i32 to index
      %swap3A_868 = arith.constant 16 : index
      %swap3A_869 = tpu.vector_load %arg10[%swap3A_867, %swap3A_868] {strides = array<i32>} : memref<4x32xi32, #tpu.memory_space<vmem>>, vector<16xi32>,
      tpu.vector_store %arg10[%swap3A_867, %swap3A_868], %and3A_865 {strides = array<i32>} : memref<4x32xi32, #tpu.memory_space<vmem>>, vector<16xi32>,
      %dma_start3A_870 = arith.constant 1 : i32
      %dma_start3A_871 = arith.constant 0 : i32
      %dma_start3A_872 = tpu.memref_slice %arg10[%dma_start3A_870, %dma_start3A_871] : memref<4x32xi32, #tpu.memory_space<vmem>> -> memref<1x32xi32, #tpu.memory_space<vmem>>
      %dma_start3A_873 = tpu.memref_squeeze %dma_start3A_872 : memref<1x32xi32, #tpu.memory_space<vmem>> -> memref<32xi32, #tpu.memory_space<vmem>>
      %dma_start3A_874 = arith.constant 0 : i32
      %dma_start3A_875 = arith.constant 0 : i32
      %dma_start3A_876 = tpu.memref_slice %arg2[%dma_start3A_874, %dma_start3A_875] : memref<10000x144xf32, #tpu.memory_space<hbm>> -> memref<10000x144xf32, #tpu.memory_space<hbm>>
      tpu.enqueue_indirect_dma source(%dma_start3A_876 : memref<10000x144xf32, #tpu.memory_space<hbm>>) target(%arg13 : memref<32x144xf32, #tpu.memory_space<vmem>>) offsets(%dma_start3A_873 : memref<32xi32, #tpu.memory_space<vmem>>) semaphore(%arg18 : memref<!tpu.dma_semaphore, #tpu.memory_space<semaphore_mem>>)
      %scan3A_877 = arith.constant 0 : i32
      %scan3A_878 = arith.constant 32 : i32
      %scan3A_879 = arith.addi %scan3A_877, %scan3A_878 : i32
      %scan3A_880 = arith.constant 1 : i32
      scf.for %scan3A_882 = %scan3A_877 to %scan3A_879 step %scan3A_880  : i32 {
        %mul3A_883 = arith.constant 4 : i32
        %mul3A_884 = arith.muli %scan3A_882, %mul3A_883 : i32
        %add3A_885 = arith.constant 0 : i32
        %add3A_886 = arith.addi %mul3A_884, %add3A_885 : i32
        %get3A_887 = arith.index_cast %add3A_886 : i32 to index
        %get3A_888 = arith.constant 0 : index
        %get3A_889 = tpu.vector_load %arg7[%get3A_887, %get3A_888] {strides = array<i32>} : memref<128x32xi32, #tpu.memory_space<vmem>>, vector<16xi32>,
        %shift_right_arithmetic3A = arith.constant 14 : i32
        %shift_right_arithmetic3A_890 = vector.broadcast %shift_right_arithmetic3A : i32 to vector<16xi32>
        %shift_right_arithmetic3A_891 = arith.shrsi %get3A_889, %shift_right_arithmetic3A_890 : vector<16xi32>
        %swap3A_892 = arith.constant 0 : i32
        %swap3A_893 = arith.index_cast %swap3A_892 : i32 to index
        %swap3A_894 = arith.constant 0 : index
        %swap3A_895 = tpu.vector_load %arg11[%swap3A_893, %swap3A_894] {strides = array<i32>} : memref<4x32xi32, #tpu.memory_space<vmem>>, vector<16xi32>,
        tpu.vector_store %arg11[%swap3A_893, %swap3A_894], %shift_right_arithmetic3A_891 {strides = array<i32>} : memref<4x32xi32, #tpu.memory_space<vmem>>, vector<16xi32>,
        %get3A_896 = arith.index_cast %add3A_886 : i32 to index
        %get3A_897 = arith.constant 16 : index
        %get3A_898 = tpu.vector_load %arg7[%get3A_896, %get3A_897] {strides = array<i32>} : memref<128x32xi32, #tpu.memory_space<vmem>>, vector<16xi32>,
        %shift_right_arithmetic3A_899 = arith.constant 14 : i32
        %shift_right_arithmetic3A_900 = vector.broadcast %shift_right_arithmetic3A_899 : i32 to vector<16xi32>
        %shift_right_arithmetic3A_901 = arith.shrsi %get3A_898, %shift_right_arithmetic3A_900 : vector<16xi32>
        %swap3A_902 = arith.constant 0 : i32
        %swap3A_903 = arith.index_cast %swap3A_902 : i32 to index
        %swap3A_904 = arith.constant 16 : index
        %swap3A_905 = tpu.vector_load %arg11[%swap3A_903, %swap3A_904] {strides = array<i32>} : memref<4x32xi32, #tpu.memory_space<vmem>>, vector<16xi32>,
        tpu.vector_store %arg11[%swap3A_903, %swap3A_904], %shift_right_arithmetic3A_901 {strides = array<i32>} : memref<4x32xi32, #tpu.memory_space<vmem>>, vector<16xi32>,
        %dma_wait3A = arith.constant 0 : i32
        %dma_wait3A_906 = arith.constant 0 : i32
        %dma_wait3A_907 = tpu.memref_slice %arg10[%dma_wait3A, %dma_wait3A_906] : memref<4x32xi32, #tpu.memory_space<vmem>> -> memref<1x32xi32, #tpu.memory_space<vmem>>
        %dma_wait3A_908 = tpu.memref_squeeze %dma_wait3A_907 : memref<1x32xi32, #tpu.memory_space<vmem>> -> memref<32xi32, #tpu.memory_space<vmem>>
        %dma_wait3A_909 = arith.constant 0 : i32
        %dma_wait3A_910 = arith.constant 0 : i32
        %dma_wait3A_911 = tpu.memref_slice %arg2[%dma_wait3A_909, %dma_wait3A_910] : memref<10000x144xf32, #tpu.memory_space<hbm>> -> memref<10000x144xf32, #tpu.memory_space<hbm>>
        tpu.wait_indirect_dma semaphore(%arg17 : memref<!tpu.dma_semaphore, #tpu.memory_space<semaphore_mem>>) src(%dma_wait3A_911 : memref<10000x144xf32, #tpu.memory_space<hbm>>) dst(%arg12 : memref<32x144xf32, #tpu.memory_space<vmem>>)
        %add3A_912 = arith.constant 2 : i32
        %add3A_913 = arith.addi %add3A_886, %add3A_912 : i32
        %lt3A = arith.constant 128 : i32
        %lt3A_914 = arith.cmpi slt, %add3A_913, %lt3A : i32
        %convert_element_type3A = arith.extui %lt3A_914 : i1 to i32
        %cond3A = arith.constant 0 : i32
        %cond3A_915 = arith.cmpi ne, %convert_element_type3A, %cond3A : i32
        scf.if %cond3A_915 {
          %add3A_1033 = arith.constant 2 : i32
          %add3A_1034 = arith.addi %add3A_886, %add3A_1033 : i32
          %get3A_1035 = arith.index_cast %add3A_1034 : i32 to index
          %get3A_1036 = arith.constant 0 : index
          %get3A_1037 = tpu.vector_load %arg7[%get3A_1035, %get3A_1036] {strides = array<i32>} : memref<128x32xi32, #tpu.memory_space<vmem>>, vector<16xi32>,
          %and3A_1038 = arith.constant 16383 : i32
          %and3A_1039 = vector.broadcast %and3A_1038 : i32 to vector<16xi32>
          %and3A_1040 = arith.andi %get3A_1037, %and3A_1039 : vector<16xi32>
          %swap3A_1041 = arith.constant 2 : i32
          %swap3A_1042 = arith.index_cast %swap3A_1041 : i32 to index
          %swap3A_1043 = arith.constant 0 : index
          %swap3A_1044 = tpu.vector_load %arg10[%swap3A_1042, %swap3A_1043] {strides = array<i32>} : memref<4x32xi32, #tpu.memory_space<vmem>>, vector<16xi32>,
          tpu.vector_store %arg10[%swap3A_1042, %swap3A_1043], %and3A_1040 {strides = array<i32>} : memref<4x32xi32, #tpu.memory_space<vmem>>, vector<16xi32>,
          %get3A_1045 = arith.index_cast %add3A_1034 : i32 to index
          %get3A_1046 = arith.constant 16 : index
          %get3A_1047 = tpu.vector_load %arg7[%get3A_1045, %get3A_1046] {strides = array<i32>} : memref<128x32xi32, #tpu.memory_space<vmem>>, vector<16xi32>,
          %and3A_1048 = arith.constant 16383 : i32
          %and3A_1049 = vector.broadcast %and3A_1048 : i32 to vector<16xi32>
          %and3A_1050 = arith.andi %get3A_1047, %and3A_1049 : vector<16xi32>
          %swap3A_1051 = arith.constant 2 : i32
          %swap3A_1052 = arith.index_cast %swap3A_1051 : i32 to index
          %swap3A_1053 = arith.constant 16 : index
          %swap3A_1054 = tpu.vector_load %arg10[%swap3A_1052, %swap3A_1053] {strides = array<i32>} : memref<4x32xi32, #tpu.memory_space<vmem>>, vector<16xi32>,
          tpu.vector_store %arg10[%swap3A_1052, %swap3A_1053], %and3A_1050 {strides = array<i32>} : memref<4x32xi32, #tpu.memory_space<vmem>>, vector<16xi32>,
          %dma_start3A_1055 = arith.constant 2 : i32
          %dma_start3A_1056 = arith.constant 0 : i32
          %dma_start3A_1057 = tpu.memref_slice %arg10[%dma_start3A_1055, %dma_start3A_1056] : memref<4x32xi32, #tpu.memory_space<vmem>> -> memref<1x32xi32, #tpu.memory_space<vmem>>
          %dma_start3A_1058 = tpu.memref_squeeze %dma_start3A_1057 : memref<1x32xi32, #tpu.memory_space<vmem>> -> memref<32xi32, #tpu.memory_space<vmem>>
          %dma_start3A_1059 = arith.constant 0 : i32
          %dma_start3A_1060 = arith.constant 0 : i32
          %dma_start3A_1061 = tpu.memref_slice %arg2[%dma_start3A_1059, %dma_start3A_1060] : memref<10000x144xf32, #tpu.memory_space<hbm>> -> memref<10000x144xf32, #tpu.memory_space<hbm>>
          tpu.enqueue_indirect_dma source(%dma_start3A_1061 : memref<10000x144xf32, #tpu.memory_space<hbm>>) target(%arg14 : memref<32x144xf32, #tpu.memory_space<vmem>>) offsets(%dma_start3A_1058 : memref<32xi32, #tpu.memory_space<vmem>>) semaphore(%arg19 : memref<!tpu.dma_semaphore, #tpu.memory_space<semaphore_mem>>)
        } else {
        }
        %run_scoped3A = arith.constant 0 : i32
        "tpu.region"() ({
          %run_scoped3A_1033 = tpu.sem_alloc : memref<!tpu.dma_semaphore, #tpu.memory_space<semaphore_mem>>
          %dma_start3A_1034 = arith.constant 0 : i32
          %dma_start3A_1035 = tpu.memref_slice %arg11[%run_scoped3A, %dma_start3A_1034] : memref<4x32xi32, #tpu.memory_space<vmem>> -> memref<1x32xi32, #tpu.memory_space<vmem>>
          %dma_start3A_1036 = tpu.memref_squeeze %dma_start3A_1035 : memref<1x32xi32, #tpu.memory_space<vmem>> -> memref<32xi32, #tpu.memory_space<vmem>>
          %dma_start3A_1037 = arith.constant 0 : i32
          %dma_start3A_1038 = arith.constant 0 : i32
          %dma_start3A_1039 = tpu.memref_slice %arg16[%dma_start3A_1037, %dma_start3A_1038] : memref<10112x144xf32, #tpu.memory_space<vmem_shared>> -> memref<10112x144xf32, #tpu.memory_space<vmem_shared>>
          tpu.enqueue_indirect_dma source(%arg12 : memref<32x144xf32, #tpu.memory_space<vmem>>) target(%dma_start3A_1039 : memref<10112x144xf32, #tpu.memory_space<vmem_shared>>) offsets(%dma_start3A_1036 : memref<32xi32, #tpu.memory_space<vmem>>) semaphore(%run_scoped3A_1033 : memref<!tpu.dma_semaphore, #tpu.memory_space<semaphore_mem>>) {add = true}
          %dma_wait3A_1040 = arith.constant 0 : i32
          %dma_wait3A_1041 = tpu.memref_slice %arg11[%run_scoped3A, %dma_wait3A_1040] : memref<4x32xi32, #tpu.memory_space<vmem>> -> memref<1x32xi32, #tpu.memory_space<vmem>>
          %dma_wait3A_1042 = tpu.memref_squeeze %dma_wait3A_1041 : memref<1x32xi32, #tpu.memory_space<vmem>> -> memref<32xi32, #tpu.memory_space<vmem>>
          %dma_wait3A_1043 = arith.constant 0 : i32
          %dma_wait3A_1044 = arith.constant 0 : i32
          %dma_wait3A_1045 = tpu.memref_slice %arg16[%dma_wait3A_1043, %dma_wait3A_1044] : memref<10112x144xf32, #tpu.memory_space<vmem_shared>> -> memref<10112x144xf32, #tpu.memory_space<vmem_shared>>
          tpu.wait_indirect_dma semaphore(%run_scoped3A_1033 : memref<!tpu.dma_semaphore, #tpu.memory_space<semaphore_mem>>) src(%arg12 : memref<32x144xf32, #tpu.memory_space<vmem>>) dst(%dma_wait3A_1045 : memref<10112x144xf32, #tpu.memory_space<vmem_shared>>)
          tpu.yield
        }) : () -> ()
        %mul3A_916 = arith.constant 4 : i32
        %mul3A_917 = arith.muli %scan3A_882, %mul3A_916 : i32
        %add3A_918 = arith.constant 1 : i32
        %add3A_919 = arith.addi %mul3A_917, %add3A_918 : i32
        %get3A_920 = arith.index_cast %add3A_919 : i32 to index
        %get3A_921 = arith.constant 0 : index
        %get3A_922 = tpu.vector_load %arg7[%get3A_920, %get3A_921] {strides = array<i32>} : memref<128x32xi32, #tpu.memory_space<vmem>>, vector<16xi32>,
        %shift_right_arithmetic3A_923 = arith.constant 14 : i32
        %shift_right_arithmetic3A_924 = vector.broadcast %shift_right_arithmetic3A_923 : i32 to vector<16xi32>
        %shift_right_arithmetic3A_925 = arith.shrsi %get3A_922, %shift_right_arithmetic3A_924 : vector<16xi32>
        %swap3A_926 = arith.constant 1 : i32
        %swap3A_927 = arith.index_cast %swap3A_926 : i32 to index
        %swap3A_928 = arith.constant 0 : index
        %swap3A_929 = tpu.vector_load %arg11[%swap3A_927, %swap3A_928] {strides = array<i32>} : memref<4x32xi32, #tpu.memory_space<vmem>>, vector<16xi32>,
        tpu.vector_store %arg11[%swap3A_927, %swap3A_928], %shift_right_arithmetic3A_925 {strides = array<i32>} : memref<4x32xi32, #tpu.memory_space<vmem>>, vector<16xi32>,
        %get3A_930 = arith.index_cast %add3A_919 : i32 to index
        %get3A_931 = arith.constant 16 : index
        %get3A_932 = tpu.vector_load %arg7[%get3A_930, %get3A_931] {strides = array<i32>} : memref<128x32xi32, #tpu.memory_space<vmem>>, vector<16xi32>,
        %shift_right_arithmetic3A_933 = arith.constant 14 : i32
        %shift_right_arithmetic3A_934 = vector.broadcast %shift_right_arithmetic3A_933 : i32 to vector<16xi32>
        %shift_right_arithmetic3A_935 = arith.shrsi %get3A_932, %shift_right_arithmetic3A_934 : vector<16xi32>
        %swap3A_936 = arith.constant 1 : i32
        %swap3A_937 = arith.index_cast %swap3A_936 : i32 to index
        %swap3A_938 = arith.constant 16 : index
        %swap3A_939 = tpu.vector_load %arg11[%swap3A_937, %swap3A_938] {strides = array<i32>} : memref<4x32xi32, #tpu.memory_space<vmem>>, vector<16xi32>,
        tpu.vector_store %arg11[%swap3A_937, %swap3A_938], %shift_right_arithmetic3A_935 {strides = array<i32>} : memref<4x32xi32, #tpu.memory_space<vmem>>, vector<16xi32>,
        %dma_wait3A_940 = arith.constant 1 : i32
        %dma_wait3A_941 = arith.constant 0 : i32
        %dma_wait3A_942 = tpu.memref_slice %arg10[%dma_wait3A_940, %dma_wait3A_941] : memref<4x32xi32, #tpu.memory_space<vmem>> -> memref<1x32xi32, #tpu.memory_space<vmem>>
        %dma_wait3A_943 = tpu.memref_squeeze %dma_wait3A_942 : memref<1x32xi32, #tpu.memory_space<vmem>> -> memref<32xi32, #tpu.memory_space<vmem>>
        %dma_wait3A_944 = arith.constant 0 : i32
        %dma_wait3A_945 = arith.constant 0 : i32
        %dma_wait3A_946 = tpu.memref_slice %arg2[%dma_wait3A_944, %dma_wait3A_945] : memref<10000x144xf32, #tpu.memory_space<hbm>> -> memref<10000x144xf32, #tpu.memory_space<hbm>>
        tpu.wait_indirect_dma semaphore(%arg18 : memref<!tpu.dma_semaphore, #tpu.memory_space<semaphore_mem>>) src(%dma_wait3A_946 : memref<10000x144xf32, #tpu.memory_space<hbm>>) dst(%arg13 : memref<32x144xf32, #tpu.memory_space<vmem>>)
        %add3A_947 = arith.constant 2 : i32
        %add3A_948 = arith.addi %add3A_919, %add3A_947 : i32
        %lt3A_949 = arith.constant 128 : i32
        %lt3A_950 = arith.cmpi slt, %add3A_948, %lt3A_949 : i32
        %convert_element_type3A_951 = arith.extui %lt3A_950 : i1 to i32
        %cond3A_952 = arith.constant 0 : i32
        %cond3A_953 = arith.cmpi ne, %convert_element_type3A_951, %cond3A_952 : i32
        scf.if %cond3A_953 {
          %add3A_1033 = arith.constant 2 : i32
          %add3A_1034 = arith.addi %add3A_919, %add3A_1033 : i32
          %get3A_1035 = arith.index_cast %add3A_1034 : i32 to index
          %get3A_1036 = arith.constant 0 : index
          %get3A_1037 = tpu.vector_load %arg7[%get3A_1035, %get3A_1036] {strides = array<i32>} : memref<128x32xi32, #tpu.memory_space<vmem>>, vector<16xi32>,
          %and3A_1038 = arith.constant 16383 : i32
          %and3A_1039 = vector.broadcast %and3A_1038 : i32 to vector<16xi32>
          %and3A_1040 = arith.andi %get3A_1037, %and3A_1039 : vector<16xi32>
          %swap3A_1041 = arith.constant 3 : i32
          %swap3A_1042 = arith.index_cast %swap3A_1041 : i32 to index
          %swap3A_1043 = arith.constant 0 : index
          %swap3A_1044 = tpu.vector_load %arg10[%swap3A_1042, %swap3A_1043] {strides = array<i32>} : memref<4x32xi32, #tpu.memory_space<vmem>>, vector<16xi32>,
          tpu.vector_store %arg10[%swap3A_1042, %swap3A_1043], %and3A_1040 {strides = array<i32>} : memref<4x32xi32, #tpu.memory_space<vmem>>, vector<16xi32>,
          %get3A_1045 = arith.index_cast %add3A_1034 : i32 to index
          %get3A_1046 = arith.constant 16 : index
          %get3A_1047 = tpu.vector_load %arg7[%get3A_1045, %get3A_1046] {strides = array<i32>} : memref<128x32xi32, #tpu.memory_space<vmem>>, vector<16xi32>,
          %and3A_1048 = arith.constant 16383 : i32
          %and3A_1049 = vector.broadcast %and3A_1048 : i32 to vector<16xi32>
          %and3A_1050 = arith.andi %get3A_1047, %and3A_1049 : vector<16xi32>
          %swap3A_1051 = arith.constant 3 : i32
          %swap3A_1052 = arith.index_cast %swap3A_1051 : i32 to index
          %swap3A_1053 = arith.constant 16 : index
          %swap3A_1054 = tpu.vector_load %arg10[%swap3A_1052, %swap3A_1053] {strides = array<i32>} : memref<4x32xi32, #tpu.memory_space<vmem>>, vector<16xi32>,
          tpu.vector_store %arg10[%swap3A_1052, %swap3A_1053], %and3A_1050 {strides = array<i32>} : memref<4x32xi32, #tpu.memory_space<vmem>>, vector<16xi32>,
          %dma_start3A_1055 = arith.constant 3 : i32
          %dma_start3A_1056 = arith.constant 0 : i32
          %dma_start3A_1057 = tpu.memref_slice %arg10[%dma_start3A_1055, %dma_start3A_1056] : memref<4x32xi32, #tpu.memory_space<vmem>> -> memref<1x32xi32, #tpu.memory_space<vmem>>
          %dma_start3A_1058 = tpu.memref_squeeze %dma_start3A_1057 : memref<1x32xi32, #tpu.memory_space<vmem>> -> memref<32xi32, #tpu.memory_space<vmem>>
          %dma_start3A_1059 = arith.constant 0 : i32
          %dma_start3A_1060 = arith.constant 0 : i32
          %dma_start3A_1061 = tpu.memref_slice %arg2[%dma_start3A_1059, %dma_start3A_1060] : memref<10000x144xf32, #tpu.memory_space<hbm>> -> memref<10000x144xf32, #tpu.memory_space<hbm>>
          tpu.enqueue_indirect_dma source(%dma_start3A_1061 : memref<10000x144xf32, #tpu.memory_space<hbm>>) target(%arg15 : memref<32x144xf32, #tpu.memory_space<vmem>>) offsets(%dma_start3A_1058 : memref<32xi32, #tpu.memory_space<vmem>>) semaphore(%arg20 : memref<!tpu.dma_semaphore, #tpu.memory_space<semaphore_mem>>)
        } else {
        }
        %run_scoped3A_954 = arith.constant 1 : i32
        "tpu.region"() ({
          %run_scoped3A_1033 = tpu.sem_alloc : memref<!tpu.dma_semaphore, #tpu.memory_space<semaphore_mem>>
          %dma_start3A_1034 = arith.constant 0 : i32
          %dma_start3A_1035 = tpu.memref_slice %arg11[%run_scoped3A_954, %dma_start3A_1034] : memref<4x32xi32, #tpu.memory_space<vmem>> -> memref<1x32xi32, #tpu.memory_space<vmem>>
          %dma_start3A_1036 = tpu.memref_squeeze %dma_start3A_1035 : memref<1x32xi32, #tpu.memory_space<vmem>> -> memref<32xi32, #tpu.memory_space<vmem>>
          %dma_start3A_1037 = arith.constant 0 : i32
          %dma_start3A_1038 = arith.constant 0 : i32
          %dma_start3A_1039 = tpu.memref_slice %arg16[%dma_start3A_1037, %dma_start3A_1038] : memref<10112x144xf32, #tpu.memory_space<vmem_shared>> -> memref<10112x144xf32, #tpu.memory_space<vmem_shared>>
          tpu.enqueue_indirect_dma source(%arg13 : memref<32x144xf32, #tpu.memory_space<vmem>>) target(%dma_start3A_1039 : memref<10112x144xf32, #tpu.memory_space<vmem_shared>>) offsets(%dma_start3A_1036 : memref<32xi32, #tpu.memory_space<vmem>>) semaphore(%run_scoped3A_1033 : memref<!tpu.dma_semaphore, #tpu.memory_space<semaphore_mem>>) {add = true}
          %dma_wait3A_1040 = arith.constant 0 : i32
          %dma_wait3A_1041 = tpu.memref_slice %arg11[%run_scoped3A_954, %dma_wait3A_1040] : memref<4x32xi32, #tpu.memory_space<vmem>> -> memref<1x32xi32, #tpu.memory_space<vmem>>
          %dma_wait3A_1042 = tpu.memref_squeeze %dma_wait3A_1041 : memref<1x32xi32, #tpu.memory_space<vmem>> -> memref<32xi32, #tpu.memory_space<vmem>>
          %dma_wait3A_1043 = arith.constant 0 : i32
          %dma_wait3A_1044 = arith.constant 0 : i32
          %dma_wait3A_1045 = tpu.memref_slice %arg16[%dma_wait3A_1043, %dma_wait3A_1044] : memref<10112x144xf32, #tpu.memory_space<vmem_shared>> -> memref<10112x144xf32, #tpu.memory_space<vmem_shared>>
          tpu.wait_indirect_dma semaphore(%run_scoped3A_1033 : memref<!tpu.dma_semaphore, #tpu.memory_space<semaphore_mem>>) src(%arg13 : memref<32x144xf32, #tpu.memory_space<vmem>>) dst(%dma_wait3A_1045 : memref<10112x144xf32, #tpu.memory_space<vmem_shared>>)
          tpu.yield
        }) : () -> ()
        %mul3A_955 = arith.constant 4 : i32
        %mul3A_956 = arith.muli %scan3A_882, %mul3A_955 : i32
        %add3A_957 = arith.constant 2 : i32
        %add3A_958 = arith.addi %mul3A_956, %add3A_957 : i32
        %get3A_959 = arith.index_cast %add3A_958 : i32 to index
        %get3A_960 = arith.constant 0 : index
        %get3A_961 = tpu.vector_load %arg7[%get3A_959, %get3A_960] {strides = array<i32>} : memref<128x32xi32, #tpu.memory_space<vmem>>, vector<16xi32>,
        %shift_right_arithmetic3A_962 = arith.constant 14 : i32
        %shift_right_arithmetic3A_963 = vector.broadcast %shift_right_arithmetic3A_962 : i32 to vector<16xi32>
        %shift_right_arithmetic3A_964 = arith.shrsi %get3A_961, %shift_right_arithmetic3A_963 : vector<16xi32>
        %swap3A_965 = arith.constant 2 : i32
        %swap3A_966 = arith.index_cast %swap3A_965 : i32 to index
        %swap3A_967 = arith.constant 0 : index
        %swap3A_968 = tpu.vector_load %arg11[%swap3A_966, %swap3A_967] {strides = array<i32>} : memref<4x32xi32, #tpu.memory_space<vmem>>, vector<16xi32>,
        tpu.vector_store %arg11[%swap3A_966, %swap3A_967], %shift_right_arithmetic3A_964 {strides = array<i32>} : memref<4x32xi32, #tpu.memory_space<vmem>>, vector<16xi32>,
        %get3A_969 = arith.index_cast %add3A_958 : i32 to index
        %get3A_970 = arith.constant 16 : index
        %get3A_971 = tpu.vector_load %arg7[%get3A_969, %get3A_970] {strides = array<i32>} : memref<128x32xi32, #tpu.memory_space<vmem>>, vector<16xi32>,
        %shift_right_arithmetic3A_972 = arith.constant 14 : i32
        %shift_right_arithmetic3A_973 = vector.broadcast %shift_right_arithmetic3A_972 : i32 to vector<16xi32>
        %shift_right_arithmetic3A_974 = arith.shrsi %get3A_971, %shift_right_arithmetic3A_973 : vector<16xi32>
        %swap3A_975 = arith.constant 2 : i32
        %swap3A_976 = arith.index_cast %swap3A_975 : i32 to index
        %swap3A_977 = arith.constant 16 : index
        %swap3A_978 = tpu.vector_load %arg11[%swap3A_976, %swap3A_977] {strides = array<i32>} : memref<4x32xi32, #tpu.memory_space<vmem>>, vector<16xi32>,
        tpu.vector_store %arg11[%swap3A_976, %swap3A_977], %shift_right_arithmetic3A_974 {strides = array<i32>} : memref<4x32xi32, #tpu.memory_space<vmem>>, vector<16xi32>,
        %dma_wait3A_979 = arith.constant 2 : i32
        %dma_wait3A_980 = arith.constant 0 : i32
        %dma_wait3A_981 = tpu.memref_slice %arg10[%dma_wait3A_979, %dma_wait3A_980] : memref<4x32xi32, #tpu.memory_space<vmem>> -> memref<1x32xi32, #tpu.memory_space<vmem>>
        %dma_wait3A_982 = tpu.memref_squeeze %dma_wait3A_981 : memref<1x32xi32, #tpu.memory_space<vmem>> -> memref<32xi32, #tpu.memory_space<vmem>>
        %dma_wait3A_983 = arith.constant 0 : i32
        %dma_wait3A_984 = arith.constant 0 : i32
        %dma_wait3A_985 = tpu.memref_slice %arg2[%dma_wait3A_983, %dma_wait3A_984] : memref<10000x144xf32, #tpu.memory_space<hbm>> -> memref<10000x144xf32, #tpu.memory_space<hbm>>
        tpu.wait_indirect_dma semaphore(%arg19 : memref<!tpu.dma_semaphore, #tpu.memory_space<semaphore_mem>>) src(%dma_wait3A_985 : memref<10000x144xf32, #tpu.memory_space<hbm>>) dst(%arg14 : memref<32x144xf32, #tpu.memory_space<vmem>>)
        %add3A_986 = arith.constant 2 : i32
        %add3A_987 = arith.addi %add3A_958, %add3A_986 : i32
        %lt3A_988 = arith.constant 128 : i32
        %lt3A_989 = arith.cmpi slt, %add3A_987, %lt3A_988 : i32
        %convert_element_type3A_990 = arith.extui %lt3A_989 : i1 to i32
        %cond3A_991 = arith.constant 0 : i32
        %cond3A_992 = arith.cmpi ne, %convert_element_type3A_990, %cond3A_991 : i32
        scf.if %cond3A_992 {
          %add3A_1033 = arith.constant 2 : i32
          %add3A_1034 = arith.addi %add3A_958, %add3A_1033 : i32
          %get3A_1035 = arith.index_cast %add3A_1034 : i32 to index
          %get3A_1036 = arith.constant 0 : index
          %get3A_1037 = tpu.vector_load %arg7[%get3A_1035, %get3A_1036] {strides = array<i32>} : memref<128x32xi32, #tpu.memory_space<vmem>>, vector<16xi32>,
          %and3A_1038 = arith.constant 16383 : i32
          %and3A_1039 = vector.broadcast %and3A_1038 : i32 to vector<16xi32>
          %and3A_1040 = arith.andi %get3A_1037, %and3A_1039 : vector<16xi32>
          %swap3A_1041 = arith.constant 0 : i32
          %swap3A_1042 = arith.index_cast %swap3A_1041 : i32 to index
          %swap3A_1043 = arith.constant 0 : index
          %swap3A_1044 = tpu.vector_load %arg10[%swap3A_1042, %swap3A_1043] {strides = array<i32>} : memref<4x32xi32, #tpu.memory_space<vmem>>, vector<16xi32>,
          tpu.vector_store %arg10[%swap3A_1042, %swap3A_1043], %and3A_1040 {strides = array<i32>} : memref<4x32xi32, #tpu.memory_space<vmem>>, vector<16xi32>,
          %get3A_1045 = arith.index_cast %add3A_1034 : i32 to index
          %get3A_1046 = arith.constant 16 : index
          %get3A_1047 = tpu.vector_load %arg7[%get3A_1045, %get3A_1046] {strides = array<i32>} : memref<128x32xi32, #tpu.memory_space<vmem>>, vector<16xi32>,
          %and3A_1048 = arith.constant 16383 : i32
          %and3A_1049 = vector.broadcast %and3A_1048 : i32 to vector<16xi32>
          %and3A_1050 = arith.andi %get3A_1047, %and3A_1049 : vector<16xi32>
          %swap3A_1051 = arith.constant 0 : i32
          %swap3A_1052 = arith.index_cast %swap3A_1051 : i32 to index
          %swap3A_1053 = arith.constant 16 : index
          %swap3A_1054 = tpu.vector_load %arg10[%swap3A_1052, %swap3A_1053] {strides = array<i32>} : memref<4x32xi32, #tpu.memory_space<vmem>>, vector<16xi32>,
          tpu.vector_store %arg10[%swap3A_1052, %swap3A_1053], %and3A_1050 {strides = array<i32>} : memref<4x32xi32, #tpu.memory_space<vmem>>, vector<16xi32>,
          %dma_start3A_1055 = arith.constant 0 : i32
          %dma_start3A_1056 = arith.constant 0 : i32
          %dma_start3A_1057 = tpu.memref_slice %arg10[%dma_start3A_1055, %dma_start3A_1056] : memref<4x32xi32, #tpu.memory_space<vmem>> -> memref<1x32xi32, #tpu.memory_space<vmem>>
          %dma_start3A_1058 = tpu.memref_squeeze %dma_start3A_1057 : memref<1x32xi32, #tpu.memory_space<vmem>> -> memref<32xi32, #tpu.memory_space<vmem>>
          %dma_start3A_1059 = arith.constant 0 : i32
          %dma_start3A_1060 = arith.constant 0 : i32
          %dma_start3A_1061 = tpu.memref_slice %arg2[%dma_start3A_1059, %dma_start3A_1060] : memref<10000x144xf32, #tpu.memory_space<hbm>> -> memref<10000x144xf32, #tpu.memory_space<hbm>>
          tpu.enqueue_indirect_dma source(%dma_start3A_1061 : memref<10000x144xf32, #tpu.memory_space<hbm>>) target(%arg12 : memref<32x144xf32, #tpu.memory_space<vmem>>) offsets(%dma_start3A_1058 : memref<32xi32, #tpu.memory_space<vmem>>) semaphore(%arg17 : memref<!tpu.dma_semaphore, #tpu.memory_space<semaphore_mem>>)
        } else {
        }
        %run_scoped3A_993 = arith.constant 2 : i32
        "tpu.region"() ({
          %run_scoped3A_1033 = tpu.sem_alloc : memref<!tpu.dma_semaphore, #tpu.memory_space<semaphore_mem>>
          %dma_start3A_1034 = arith.constant 0 : i32
          %dma_start3A_1035 = tpu.memref_slice %arg11[%run_scoped3A_993, %dma_start3A_1034] : memref<4x32xi32, #tpu.memory_space<vmem>> -> memref<1x32xi32, #tpu.memory_space<vmem>>
          %dma_start3A_1036 = tpu.memref_squeeze %dma_start3A_1035 : memref<1x32xi32, #tpu.memory_space<vmem>> -> memref<32xi32, #tpu.memory_space<vmem>>
          %dma_start3A_1037 = arith.constant 0 : i32
          %dma_start3A_1038 = arith.constant 0 : i32
          %dma_start3A_1039 = tpu.memref_slice %arg16[%dma_start3A_1037, %dma_start3A_1038] : memref<10112x144xf32, #tpu.memory_space<vmem_shared>> -> memref<10112x144xf32, #tpu.memory_space<vmem_shared>>
          tpu.enqueue_indirect_dma source(%arg14 : memref<32x144xf32, #tpu.memory_space<vmem>>) target(%dma_start3A_1039 : memref<10112x144xf32, #tpu.memory_space<vmem_shared>>) offsets(%dma_start3A_1036 : memref<32xi32, #tpu.memory_space<vmem>>) semaphore(%run_scoped3A_1033 : memref<!tpu.dma_semaphore, #tpu.memory_space<semaphore_mem>>) {add = true}
          %dma_wait3A_1040 = arith.constant 0 : i32
          %dma_wait3A_1041 = tpu.memref_slice %arg11[%run_scoped3A_993, %dma_wait3A_1040] : memref<4x32xi32, #tpu.memory_space<vmem>> -> memref<1x32xi32, #tpu.memory_space<vmem>>
          %dma_wait3A_1042 = tpu.memref_squeeze %dma_wait3A_1041 : memref<1x32xi32, #tpu.memory_space<vmem>> -> memref<32xi32, #tpu.memory_space<vmem>>
          %dma_wait3A_1043 = arith.constant 0 : i32
          %dma_wait3A_1044 = arith.constant 0 : i32
          %dma_wait3A_1045 = tpu.memref_slice %arg16[%dma_wait3A_1043, %dma_wait3A_1044] : memref<10112x144xf32, #tpu.memory_space<vmem_shared>> -> memref<10112x144xf32, #tpu.memory_space<vmem_shared>>
          tpu.wait_indirect_dma semaphore(%run_scoped3A_1033 : memref<!tpu.dma_semaphore, #tpu.memory_space<semaphore_mem>>) src(%arg14 : memref<32x144xf32, #tpu.memory_space<vmem>>) dst(%dma_wait3A_1045 : memref<10112x144xf32, #tpu.memory_space<vmem_shared>>)
          tpu.yield
        }) : () -> ()
        %mul3A_994 = arith.constant 4 : i32
        %mul3A_995 = arith.muli %scan3A_882, %mul3A_994 : i32
        %add3A_996 = arith.constant 3 : i32
        %add3A_997 = arith.addi %mul3A_995, %add3A_996 : i32
        %get3A_998 = arith.index_cast %add3A_997 : i32 to index
        %get3A_999 = arith.constant 0 : index
        %get3A_1000 = tpu.vector_load %arg7[%get3A_998, %get3A_999] {strides = array<i32>} : memref<128x32xi32, #tpu.memory_space<vmem>>, vector<16xi32>,
        %shift_right_arithmetic3A_1001 = arith.constant 14 : i32
        %shift_right_arithmetic3A_1002 = vector.broadcast %shift_right_arithmetic3A_1001 : i32 to vector<16xi32>
        %shift_right_arithmetic3A_1003 = arith.shrsi %get3A_1000, %shift_right_arithmetic3A_1002 : vector<16xi32>
        %swap3A_1004 = arith.constant 3 : i32
        %swap3A_1005 = arith.index_cast %swap3A_1004 : i32 to index
        %swap3A_1006 = arith.constant 0 : index
        %swap3A_1007 = tpu.vector_load %arg11[%swap3A_1005, %swap3A_1006] {strides = array<i32>} : memref<4x32xi32, #tpu.memory_space<vmem>>, vector<16xi32>,
        tpu.vector_store %arg11[%swap3A_1005, %swap3A_1006], %shift_right_arithmetic3A_1003 {strides = array<i32>} : memref<4x32xi32, #tpu.memory_space<vmem>>, vector<16xi32>,
        %get3A_1008 = arith.index_cast %add3A_997 : i32 to index
        %get3A_1009 = arith.constant 16 : index
        %get3A_1010 = tpu.vector_load %arg7[%get3A_1008, %get3A_1009] {strides = array<i32>} : memref<128x32xi32, #tpu.memory_space<vmem>>, vector<16xi32>,
        %shift_right_arithmetic3A_1011 = arith.constant 14 : i32
        %shift_right_arithmetic3A_1012 = vector.broadcast %shift_right_arithmetic3A_1011 : i32 to vector<16xi32>
        %shift_right_arithmetic3A_1013 = arith.shrsi %get3A_1010, %shift_right_arithmetic3A_1012 : vector<16xi32>
        %swap3A_1014 = arith.constant 3 : i32
        %swap3A_1015 = arith.index_cast %swap3A_1014 : i32 to index
        %swap3A_1016 = arith.constant 16 : index
        %swap3A_1017 = tpu.vector_load %arg11[%swap3A_1015, %swap3A_1016] {strides = array<i32>} : memref<4x32xi32, #tpu.memory_space<vmem>>, vector<16xi32>,
        tpu.vector_store %arg11[%swap3A_1015, %swap3A_1016], %shift_right_arithmetic3A_1013 {strides = array<i32>} : memref<4x32xi32, #tpu.memory_space<vmem>>, vector<16xi32>,
        %dma_wait3A_1018 = arith.constant 3 : i32
        %dma_wait3A_1019 = arith.constant 0 : i32
        %dma_wait3A_1020 = tpu.memref_slice %arg10[%dma_wait3A_1018, %dma_wait3A_1019] : memref<4x32xi32, #tpu.memory_space<vmem>> -> memref<1x32xi32, #tpu.memory_space<vmem>>
        %dma_wait3A_1021 = tpu.memref_squeeze %dma_wait3A_1020 : memref<1x32xi32, #tpu.memory_space<vmem>> -> memref<32xi32, #tpu.memory_space<vmem>>
        %dma_wait3A_1022 = arith.constant 0 : i32
        %dma_wait3A_1023 = arith.constant 0 : i32
        %dma_wait3A_1024 = tpu.memref_slice %arg2[%dma_wait3A_1022, %dma_wait3A_1023] : memref<10000x144xf32, #tpu.memory_space<hbm>> -> memref<10000x144xf32, #tpu.memory_space<hbm>>
        tpu.wait_indirect_dma semaphore(%arg20 : memref<!tpu.dma_semaphore, #tpu.memory_space<semaphore_mem>>) src(%dma_wait3A_1024 : memref<10000x144xf32, #tpu.memory_space<hbm>>) dst(%arg15 : memref<32x144xf32, #tpu.memory_space<vmem>>)
        %add3A_1025 = arith.constant 2 : i32
        %add3A_1026 = arith.addi %add3A_997, %add3A_1025 : i32
        %lt3A_1027 = arith.constant 128 : i32
        %lt3A_1028 = arith.cmpi slt, %add3A_1026, %lt3A_1027 : i32
        %convert_element_type3A_1029 = arith.extui %lt3A_1028 : i1 to i32
        %cond3A_1030 = arith.constant 0 : i32
        %cond3A_1031 = arith.cmpi ne, %convert_element_type3A_1029, %cond3A_1030 : i32
        scf.if %cond3A_1031 {
          %add3A_1033 = arith.constant 2 : i32
          %add3A_1034 = arith.addi %add3A_997, %add3A_1033 : i32
          %get3A_1035 = arith.index_cast %add3A_1034 : i32 to index
          %get3A_1036 = arith.constant 0 : index
          %get3A_1037 = tpu.vector_load %arg7[%get3A_1035, %get3A_1036] {strides = array<i32>} : memref<128x32xi32, #tpu.memory_space<vmem>>, vector<16xi32>,
          %and3A_1038 = arith.constant 16383 : i32
          %and3A_1039 = vector.broadcast %and3A_1038 : i32 to vector<16xi32>
          %and3A_1040 = arith.andi %get3A_1037, %and3A_1039 : vector<16xi32>
          %swap3A_1041 = arith.constant 1 : i32
          %swap3A_1042 = arith.index_cast %swap3A_1041 : i32 to index
          %swap3A_1043 = arith.constant 0 : index
          %swap3A_1044 = tpu.vector_load %arg10[%swap3A_1042, %swap3A_1043] {strides = array<i32>} : memref<4x32xi32, #tpu.memory_space<vmem>>, vector<16xi32>,
          tpu.vector_store %arg10[%swap3A_1042, %swap3A_1043], %and3A_1040 {strides = array<i32>} : memref<4x32xi32, #tpu.memory_space<vmem>>, vector<16xi32>,
          %get3A_1045 = arith.index_cast %add3A_1034 : i32 to index
          %get3A_1046 = arith.constant 16 : index
          %get3A_1047 = tpu.vector_load %arg7[%get3A_1045, %get3A_1046] {strides = array<i32>} : memref<128x32xi32, #tpu.memory_space<vmem>>, vector<16xi32>,
          %and3A_1048 = arith.constant 16383 : i32
          %and3A_1049 = vector.broadcast %and3A_1048 : i32 to vector<16xi32>
          %and3A_1050 = arith.andi %get3A_1047, %and3A_1049 : vector<16xi32>
          %swap3A_1051 = arith.constant 1 : i32
          %swap3A_1052 = arith.index_cast %swap3A_1051 : i32 to index
          %swap3A_1053 = arith.constant 16 : index
          %swap3A_1054 = tpu.vector_load %arg10[%swap3A_1052, %swap3A_1053] {strides = array<i32>} : memref<4x32xi32, #tpu.memory_space<vmem>>, vector<16xi32>,
          tpu.vector_store %arg10[%swap3A_1052, %swap3A_1053], %and3A_1050 {strides = array<i32>} : memref<4x32xi32, #tpu.memory_space<vmem>>, vector<16xi32>,
          %dma_start3A_1055 = arith.constant 1 : i32
          %dma_start3A_1056 = arith.constant 0 : i32
          %dma_start3A_1057 = tpu.memref_slice %arg10[%dma_start3A_1055, %dma_start3A_1056] : memref<4x32xi32, #tpu.memory_space<vmem>> -> memref<1x32xi32, #tpu.memory_space<vmem>>
          %dma_start3A_1058 = tpu.memref_squeeze %dma_start3A_1057 : memref<1x32xi32, #tpu.memory_space<vmem>> -> memref<32xi32, #tpu.memory_space<vmem>>
          %dma_start3A_1059 = arith.constant 0 : i32
          %dma_start3A_1060 = arith.constant 0 : i32
          %dma_start3A_1061 = tpu.memref_slice %arg2[%dma_start3A_1059, %dma_start3A_1060] : memref<10000x144xf32, #tpu.memory_space<hbm>> -> memref<10000x144xf32, #tpu.memory_space<hbm>>
          tpu.enqueue_indirect_dma source(%dma_start3A_1061 : memref<10000x144xf32, #tpu.memory_space<hbm>>) target(%arg13 : memref<32x144xf32, #tpu.memory_space<vmem>>) offsets(%dma_start3A_1058 : memref<32xi32, #tpu.memory_space<vmem>>) semaphore(%arg18 : memref<!tpu.dma_semaphore, #tpu.memory_space<semaphore_mem>>)
        } else {
        }
        %run_scoped3A_1032 = arith.constant 3 : i32
        "tpu.region"() ({
          %run_scoped3A_1033 = tpu.sem_alloc : memref<!tpu.dma_semaphore, #tpu.memory_space<semaphore_mem>>
          %dma_start3A_1034 = arith.constant 0 : i32
          %dma_start3A_1035 = tpu.memref_slice %arg11[%run_scoped3A_1032, %dma_start3A_1034] : memref<4x32xi32, #tpu.memory_space<vmem>> -> memref<1x32xi32, #tpu.memory_space<vmem>>
          %dma_start3A_1036 = tpu.memref_squeeze %dma_start3A_1035 : memref<1x32xi32, #tpu.memory_space<vmem>> -> memref<32xi32, #tpu.memory_space<vmem>>
          %dma_start3A_1037 = arith.constant 0 : i32
          %dma_start3A_1038 = arith.constant 0 : i32
          %dma_start3A_1039 = tpu.memref_slice %arg16[%dma_start3A_1037, %dma_start3A_1038] : memref<10112x144xf32, #tpu.memory_space<vmem_shared>> -> memref<10112x144xf32, #tpu.memory_space<vmem_shared>>
          tpu.enqueue_indirect_dma source(%arg15 : memref<32x144xf32, #tpu.memory_space<vmem>>) target(%dma_start3A_1039 : memref<10112x144xf32, #tpu.memory_space<vmem_shared>>) offsets(%dma_start3A_1036 : memref<32xi32, #tpu.memory_space<vmem>>) semaphore(%run_scoped3A_1033 : memref<!tpu.dma_semaphore, #tpu.memory_space<semaphore_mem>>) {add = true}
          %dma_wait3A_1040 = arith.constant 0 : i32
          %dma_wait3A_1041 = tpu.memref_slice %arg11[%run_scoped3A_1032, %dma_wait3A_1040] : memref<4x32xi32, #tpu.memory_space<vmem>> -> memref<1x32xi32, #tpu.memory_space<vmem>>
          %dma_wait3A_1042 = tpu.memref_squeeze %dma_wait3A_1041 : memref<1x32xi32, #tpu.memory_space<vmem>> -> memref<32xi32, #tpu.memory_space<vmem>>
          %dma_wait3A_1043 = arith.constant 0 : i32
          %dma_wait3A_1044 = arith.constant 0 : i32
          %dma_wait3A_1045 = tpu.memref_slice %arg16[%dma_wait3A_1043, %dma_wait3A_1044] : memref<10112x144xf32, #tpu.memory_space<vmem_shared>> -> memref<10112x144xf32, #tpu.memory_space<vmem_shared>>
          tpu.wait_indirect_dma semaphore(%run_scoped3A_1033 : memref<!tpu.dma_semaphore, #tpu.memory_space<semaphore_mem>>) src(%arg15 : memref<32x144xf32, #tpu.memory_space<vmem>>) dst(%dma_wait3A_1045 : memref<10112x144xf32, #tpu.memory_space<vmem_shared>>)
          tpu.yield
        }) : () -> ()
      }
      %scan3A_881 = arith.constant 32 : i32
    }
    %scan3A_51 = arith.constant 5 : i32
    %barrier3A_52 = arith.constant 0 : index
    tpu.barrier barrier_id(%barrier3A_52)
    "tpu.region"() ({
      %run_scoped3A = tpu.sem_alloc : memref<!tpu.dma_semaphore, #tpu.memory_space<semaphore_mem>>
      %dma_start3A = arith.constant 0 : i32
      %dma_start3A_53 = tpu.memref_slice %arg5[%arg0, %mul3A_5, %dma_start3A] : memref<2x10112x144xf32, #tpu.memory_space<hbm>> -> memref<1x632x144xf32, #tpu.memory_space<hbm>>
      %dma_start3A_54 = tpu.memref_squeeze %dma_start3A_53 : memref<1x632x144xf32, #tpu.memory_space<hbm>> -> memref<632x144xf32, #tpu.memory_space<hbm>>
      %dma_start3A_55 = arith.constant 0 : i32
      %dma_start3A_56 = tpu.memref_slice %arg16[%mul3A_5, %dma_start3A_55] : memref<10112x144xf32, #tpu.memory_space<vmem_shared>> -> memref<632x144xf32, #tpu.memory_space<vmem_shared>>
      tpu.enqueue_dma source(%dma_start3A_56 : memref<632x144xf32, #tpu.memory_space<vmem_shared>>) target(%dma_start3A_54 : memref<632x144xf32, #tpu.memory_space<hbm>>) target_semaphore(%run_scoped3A : memref<!tpu.dma_semaphore, #tpu.memory_space<semaphore_mem>>)
      %dma_wait3A = arith.constant 0 : i32
      %dma_wait3A_57 = tpu.memref_slice %arg5[%arg0, %mul3A_5, %dma_wait3A] : memref<2x10112x144xf32, #tpu.memory_space<hbm>> -> memref<1x632x144xf32, #tpu.memory_space<hbm>>
      %dma_wait3A_58 = tpu.memref_squeeze %dma_wait3A_57 : memref<1x632x144xf32, #tpu.memory_space<hbm>> -> memref<632x144xf32, #tpu.memory_space<hbm>>
      %dma_wait3A_59 = arith.constant 0 : i32
      %dma_wait3A_60 = tpu.memref_slice %arg16[%mul3A_5, %dma_wait3A_59] : memref<10112x144xf32, #tpu.memory_space<vmem_shared>> -> memref<632x144xf32, #tpu.memory_space<vmem_shared>>
      tpu.wait_dma2 semaphore(%run_scoped3A : memref<!tpu.dma_semaphore, #tpu.memory_space<semaphore_mem>>) src(%dma_wait3A_60 : memref<632x144xf32, #tpu.memory_space<vmem_shared>>) dst(%dma_wait3A_58 : memref<632x144xf32, #tpu.memory_space<hbm>>)
      tpu.yield
    }) : () -> ()
    return
  }
}

module attributes {stable_mosaic.version = 14 : i64} {
  func.func @_tc_loss_body(%arg0: i32, %arg1: i32, %arg2: memref<2x1000x144xf32, #tpu.memory_space<vmem>>, %arg3: memref<128x128xf32, #tpu.memory_space<vmem>>, %arg4: memref<1x128xf32, #tpu.memory_space<vmem>>, %arg5: memref<128x128xf32, #tpu.memory_space<vmem>>, %arg6: memref<1x1xf32, #tpu.memory_space<smem>>, %arg7: memref<1x128xf32, #tpu.memory_space<vmem>>, %arg8: memref<1x128xf32, #tpu.memory_space<vmem>>) attributes {dimension_semantics = [#tpu.dimension_semantics<arbitrary>, #tpu.dimension_semantics<arbitrary>], iteration_bounds = array<i64: 2, 10>, scalar_prefetch = 0 : i64, scratch_operands = 2 : i64, tpu.core_type = #tpu.core_type<tc>, window_params = [{transform_indices = @transform_0, window_bounds = array<i64: 2, 1000, 144>}, {pipeline_mode = #tpu.pipeline_mode<synchronous>, transform_indices = @transform_1, window_bounds = array<i64: 128, 128>}, {pipeline_mode = #tpu.pipeline_mode<synchronous>, transform_indices = @transform_2, window_bounds = array<i64: 1, 128>}, {pipeline_mode = #tpu.pipeline_mode<synchronous>, transform_indices = @transform_3, window_bounds = array<i64: 128, 128>}, {transform_indices = @transform_4, window_bounds = array<i64: 1, 1>}]} {
    %get3A = arith.constant 0 : index
    %get3A_0 = arith.constant 0 : index
    %get3A_1 = arith.constant 128 : index
    %get3A_2 = vector.load %arg2[%get3A, %get3A_0, %get3A_1] : memref<2x1000x144xf32, #tpu.memory_space<vmem>>, vector<1x1000x1xf32>
    %get3A_3 = vector.shape_cast %get3A_2 : vector<1x1000x1xf32> to vector<1000x1xf32>
    %jit3A = arith.constant 1.000000e+00 : f32
    %max3A = vector.broadcast %jit3A : f32 to vector<1000x1xf32>
    %max3A_4 = arith.maximumf %max3A, %get3A_3 : vector<1000x1xf32>
    %div3A = arith.constant 1.000000e+00 : f32
    %div3A_5 = vector.broadcast %div3A : f32 to vector<1000x1xf32>
    %div3A_6 = arith.divf %div3A_5, %max3A_4 : vector<1000x1xf32>
    %eq3A = arith.constant 0 : i32
    %eq3A_7 = arith.cmpi eq, %arg0, %eq3A : i32
    %convert_element_type3A = arith.extui %eq3A_7 : i1 to i32
    %cond3A = arith.constant 0 : i32
    %cond3A_8 = arith.cmpi ne, %convert_element_type3A, %cond3A : i32
    scf.if %cond3A_8 {
      %eq3A_14 = arith.constant 0 : i32
      %eq3A_15 = arith.cmpi eq, %arg1, %eq3A_14 : i32
      %convert_element_type3A_16 = arith.extui %eq3A_15 : i1 to i32
      %cond3A_17 = arith.constant 0 : i32
      %cond3A_18 = arith.cmpi ne, %convert_element_type3A_16, %cond3A_17 : i32
      scf.if %cond3A_18 {
        %broadcast_in_dim3A_43 = arith.constant 0.000000e+00 : f32
        %broadcast_in_dim3A_44 = vector.broadcast %broadcast_in_dim3A_43 : f32 to vector<1x128xf32>
        %swap3A_45 = arith.constant 0 : index
        %swap3A_46 = arith.constant 0 : index
        %swap3A_47 = vector.load %arg7[%swap3A_45, %swap3A_46] : memref<1x128xf32, #tpu.memory_space<vmem>>, vector<1x128xf32>
        tpu.vector_store %arg7[%swap3A_45, %swap3A_46], %broadcast_in_dim3A_44 {strides = array<i32>} : memref<1x128xf32, #tpu.memory_space<vmem>>, vector<1x128xf32>,
      } else {
      }
      %get3A_19 = arith.constant 0 : index
      %get3A_20 = arith.constant 0 : index
      %get3A_21 = arith.constant 0 : index
      %get3A_22 = vector.load %arg2[%get3A_19, %get3A_20, %get3A_21] : memref<2x1000x144xf32, #tpu.memory_space<vmem>>, vector<1x1000x128xf32>
      %get3A_23 = vector.shape_cast %get3A_22 : vector<1x1000x128xf32> to vector<1000x128xf32>
      %mul3A = vector.broadcast %div3A_6 : vector<1000x1xf32> to vector<1000x128xf32>
      %mul3A_24 = arith.mulf %get3A_23, %mul3A : vector<1000x128xf32>
      %get3A_25 = arith.constant 0 : index
      %get3A_26 = arith.constant 0 : index
      %get3A_27 = vector.load %arg3[%get3A_25, %get3A_26] : memref<128x128xf32, #tpu.memory_space<vmem>>, vector<128x128xf32>
      %dot_general3A = arith.constant dense<0.000000e+00> : vector<1000x128xf32>
      %dot_general3A_28 = tpu.matmul %mul3A_24, %get3A_27, %dot_general3A {dimension_numbers = #tpu.dot_dimension_numbers<[1], [0], [0], [1], [0, 0, 1, 1], [], []>, transpose_lhs_hint = false} : vector<1000x128xf32>, vector<128x128xf32>, vector<1000x128xf32> -> vector<1000x128xf32>
      %get3A_29 = arith.constant 0 : index
      %get3A_30 = arith.constant 0 : index
      %get3A_31 = vector.load %arg4[%get3A_29, %get3A_30] : memref<1x128xf32, #tpu.memory_space<vmem>>, vector<1x128xf32>
      %add3A = vector.broadcast %get3A_31 : vector<1x128xf32> to vector<1000x128xf32>
      %add3A_32 = arith.addf %dot_general3A_28, %add3A : vector<1000x128xf32>
      %max3A_33 = arith.constant 0.000000e+00 : f32
      %max3A_34 = vector.broadcast %max3A_33 : f32 to vector<1000x128xf32>
      %max3A_35 = arith.maximumf %add3A_32, %max3A_34 : vector<1000x128xf32>
      %get3A_36 = arith.constant 0 : index
      %get3A_37 = arith.constant 0 : index
      %get3A_38 = vector.load %arg7[%get3A_36, %get3A_37] : memref<1x128xf32, #tpu.memory_space<vmem>>, vector<1x128xf32>
      %reduce_sum3A = arith.constant dense<0.000000e+00> : vector<128xf32>
      %reduce_sum3A_39 = vector.multi_reduction <add>, %max3A_35, %reduce_sum3A [0] : vector<1000x128xf32> to vector<128xf32>
      %broadcast_in_dim3A = vector.shape_cast %reduce_sum3A_39 : vector<128xf32> to vector<1x128xf32>
      %add3A_40 = arith.addf %get3A_38, %broadcast_in_dim3A : vector<1x128xf32>
      %swap3A = arith.constant 0 : index
      %swap3A_41 = arith.constant 0 : index
      %swap3A_42 = vector.load %arg7[%swap3A, %swap3A_41] : memref<1x128xf32, #tpu.memory_space<vmem>>, vector<1x128xf32>
      tpu.vector_store %arg7[%swap3A, %swap3A_41], %add3A_40 {strides = array<i32>} : memref<1x128xf32, #tpu.memory_space<vmem>>, vector<1x128xf32>,
    } else {
    }
    %eq3A_9 = arith.constant 1 : i32
    %eq3A_10 = arith.cmpi eq, %arg0, %eq3A_9 : i32
    %convert_element_type3A_11 = arith.extui %eq3A_10 : i1 to i32
    %cond3A_12 = arith.constant 0 : i32
    %cond3A_13 = arith.cmpi ne, %convert_element_type3A_11, %cond3A_12 : i32
    scf.if %cond3A_13 {
      %eq3A_14 = arith.constant 0 : i32
      %eq3A_15 = arith.cmpi eq, %arg1, %eq3A_14 : i32
      %convert_element_type3A_16 = arith.extui %eq3A_15 : i1 to i32
      %cond3A_17 = arith.constant 0 : i32
      %cond3A_18 = arith.cmpi ne, %convert_element_type3A_16, %cond3A_17 : i32
      scf.if %cond3A_18 {
        %get3A_101 = arith.constant 0 : index
        %get3A_102 = arith.constant 0 : index
        %get3A_103 = vector.load %arg7[%get3A_101, %get3A_102] : memref<1x128xf32, #tpu.memory_space<vmem>>, vector<1x128xf32>
        %mul3A_104 = arith.constant 9.99999974E-5 : f32
        %mul3A_105 = vector.broadcast %mul3A_104 : f32 to vector<1x128xf32>
        %mul3A_106 = arith.mulf %get3A_103, %mul3A_105 : vector<1x128xf32>
        %get3A_107 = arith.constant 0 : index
        %get3A_108 = arith.constant 0 : index
        %get3A_109 = vector.load %arg5[%get3A_107, %get3A_108] : memref<128x128xf32, #tpu.memory_space<vmem>>, vector<128x128xf32>
        %dot_general3A_110 = arith.constant dense<0.000000e+00> : vector<1x128xf32>
        %dot_general3A_111 = tpu.matmul %mul3A_106, %get3A_109, %dot_general3A_110 {dimension_numbers = #tpu.dot_dimension_numbers<[1], [0], [0], [1], [0, 0, 1, 1], [], []>, transpose_lhs_hint = false} : vector<1x128xf32>, vector<128x128xf32>, vector<1x128xf32> -> vector<1x128xf32>
        %swap3A_112 = arith.constant 0 : index
        %swap3A_113 = arith.constant 0 : index
        %swap3A_114 = vector.load %arg8[%swap3A_112, %swap3A_113] : memref<1x128xf32, #tpu.memory_space<vmem>>, vector<1x128xf32>
        tpu.vector_store %arg8[%swap3A_112, %swap3A_113], %dot_general3A_111 {strides = array<i32>} : memref<1x128xf32, #tpu.memory_space<vmem>>, vector<1x128xf32>,
        %swap3A_115 = arith.constant 0.000000e+00 : f32
        %swap3A_116 = arith.constant 0 : index
        %swap3A_117 = arith.constant 0 : index
        %swap3A_118 = memref.load %arg6[%swap3A_116, %swap3A_117] : memref<1x1xf32, #tpu.memory_space<smem>>
        memref.store %swap3A_115, %arg6[%swap3A_116, %swap3A_117] : memref<1x1xf32, #tpu.memory_space<smem>>
      } else {
      }
      %get3A_19 = arith.constant 0 : index
      %get3A_20 = arith.constant 0 : index
      %get3A_21 = vector.load %arg8[%get3A_19, %get3A_20] : memref<1x128xf32, #tpu.memory_space<vmem>>, vector<1x128xf32>
      %get3A_22 = arith.constant 0 : index
      %get3A_23 = arith.constant 0 : index
      %get3A_24 = arith.constant 0 : index
      %get3A_25 = vector.load %arg2[%get3A_22, %get3A_23, %get3A_24] : memref<2x1000x144xf32, #tpu.memory_space<vmem>>, vector<1x1000x128xf32>
      %get3A_26 = vector.shape_cast %get3A_25 : vector<1x1000x128xf32> to vector<1000x128xf32>
      %mul3A = vector.broadcast %div3A_6 : vector<1000x1xf32> to vector<1000x128xf32>
      %mul3A_27 = arith.mulf %get3A_26, %mul3A : vector<1000x128xf32>
      %get3A_28 = arith.constant 0 : index
      %get3A_29 = arith.constant 0 : index
      %get3A_30 = vector.load %arg3[%get3A_28, %get3A_29] : memref<128x128xf32, #tpu.memory_space<vmem>>, vector<128x128xf32>
      %dot_general3A = arith.constant dense<0.000000e+00> : vector<1000x128xf32>
      %dot_general3A_31 = tpu.matmul %mul3A_27, %get3A_30, %dot_general3A {dimension_numbers = #tpu.dot_dimension_numbers<[1], [0], [0], [1], [0, 0, 1, 1], [], []>, transpose_lhs_hint = false} : vector<1000x128xf32>, vector<128x128xf32>, vector<1000x128xf32> -> vector<1000x128xf32>
      %get3A_32 = arith.constant 0 : index
      %get3A_33 = arith.constant 0 : index
      %get3A_34 = vector.load %arg4[%get3A_32, %get3A_33] : memref<1x128xf32, #tpu.memory_space<vmem>>, vector<1x128xf32>
      %add3A = vector.broadcast %get3A_34 : vector<1x128xf32> to vector<1000x128xf32>
      %add3A_35 = arith.addf %dot_general3A_31, %add3A : vector<1000x128xf32>
      %max3A_36 = arith.constant 0.000000e+00 : f32
      %max3A_37 = vector.broadcast %max3A_36 : f32 to vector<1000x128xf32>
      %max3A_38 = arith.maximumf %add3A_35, %max3A_37 : vector<1000x128xf32>
      %get3A_39 = arith.constant 1 : index
      %get3A_40 = arith.constant 0 : index
      %get3A_41 = arith.constant 0 : index
      %get3A_42 = vector.load %arg2[%get3A_39, %get3A_40, %get3A_41] : memref<2x1000x144xf32, #tpu.memory_space<vmem>>, vector<1x1000x128xf32>
      %get3A_43 = vector.shape_cast %get3A_42 : vector<1x1000x128xf32> to vector<1000x128xf32>
      %mul3A_44 = vector.broadcast %div3A_6 : vector<1000x1xf32> to vector<1000x128xf32>
      %mul3A_45 = arith.mulf %get3A_43, %mul3A_44 : vector<1000x128xf32>
      %get3A_46 = arith.constant 0 : index
      %get3A_47 = arith.constant 0 : index
      %get3A_48 = vector.load %arg3[%get3A_46, %get3A_47] : memref<128x128xf32, #tpu.memory_space<vmem>>, vector<128x128xf32>
      %dot_general3A_49 = arith.constant dense<0.000000e+00> : vector<1000x128xf32>
      %dot_general3A_50 = tpu.matmul %mul3A_45, %get3A_48, %dot_general3A_49 {dimension_numbers = #tpu.dot_dimension_numbers<[1], [0], [0], [1], [0, 0, 1, 1], [], []>, transpose_lhs_hint = false} : vector<1000x128xf32>, vector<128x128xf32>, vector<1000x128xf32> -> vector<1000x128xf32>
      %get3A_51 = arith.constant 0 : index
      %get3A_52 = arith.constant 0 : index
      %get3A_53 = vector.load %arg4[%get3A_51, %get3A_52] : memref<1x128xf32, #tpu.memory_space<vmem>>, vector<1x128xf32>
      %add3A_54 = vector.broadcast %get3A_53 : vector<1x128xf32> to vector<1000x128xf32>
      %add3A_55 = arith.addf %dot_general3A_50, %add3A_54 : vector<1000x128xf32>
      %max3A_56 = arith.constant 0.000000e+00 : f32
      %max3A_57 = vector.broadcast %max3A_56 : f32 to vector<1000x128xf32>
      %max3A_58 = arith.maximumf %add3A_55, %max3A_57 : vector<1000x128xf32>
      %mul3A_59 = vector.broadcast %get3A_21 : vector<1x128xf32> to vector<1000x128xf32>
      %mul3A_60 = arith.mulf %max3A_38, %mul3A_59 : vector<1000x128xf32>
      %reduce_sum3A = arith.constant dense<0.000000e+00> : vector<1000xf32>
      %reduce_sum3A_61 = vector.multi_reduction <add>, %mul3A_60, %reduce_sum3A [1] : vector<1000x128xf32> to vector<1000xf32>
      %mul3A_62 = vector.broadcast %get3A_21 : vector<1x128xf32> to vector<1000x128xf32>
      %mul3A_63 = arith.mulf %max3A_58, %mul3A_62 : vector<1000x128xf32>
      %reduce_sum3A_64 = arith.constant dense<0.000000e+00> : vector<1000xf32>
      %reduce_sum3A_65 = vector.multi_reduction <add>, %mul3A_63, %reduce_sum3A_64 [1] : vector<1000x128xf32> to vector<1000xf32>
      %max3A_66 = arith.constant 0.000000e+00 : f32
      %max3A_67 = vector.broadcast %max3A_66 : f32 to vector<1000xf32>
      %max3A_68 = arith.maximumf %reduce_sum3A_61, %max3A_67 : vector<1000xf32>
      %sub3A = arith.subf %max3A_68, %reduce_sum3A_61 : vector<1000xf32>
      %abs3A = math.absf %reduce_sum3A_61 : vector<1000xf32>
      %neg3A = arith.constant 0.000000e+00 : f32
      %neg3A_69 = vector.broadcast %neg3A : f32 to vector<1000xf32>
      %neg3A_70 = arith.subf %neg3A_69, %abs3A : vector<1000xf32>
      %exp3A = math.exp %neg3A_70 : vector<1000xf32>
      %log1p3A = math.log1p %exp3A : vector<1000xf32>
      %add3A_71 = arith.addf %sub3A, %log1p3A : vector<1000xf32>
      %max3A_72 = arith.constant 0.000000e+00 : f32
      %max3A_73 = vector.broadcast %max3A_72 : f32 to vector<1000xf32>
      %max3A_74 = arith.maximumf %reduce_sum3A_65, %max3A_73 : vector<1000xf32>
      %abs3A_75 = math.absf %reduce_sum3A_65 : vector<1000xf32>
      %neg3A_76 = arith.constant 0.000000e+00 : f32
      %neg3A_77 = vector.broadcast %neg3A_76 : f32 to vector<1000xf32>
      %neg3A_78 = arith.subf %neg3A_77, %abs3A_75 : vector<1000xf32>
      %exp3A_79 = math.exp %neg3A_78 : vector<1000xf32>
      %log1p3A_80 = math.log1p %exp3A_79 : vector<1000xf32>
      %add3A_81 = arith.addf %max3A_74, %log1p3A_80 : vector<1000xf32>
      %get3A_82 = arith.constant 0 : index
      %get3A_83 = arith.constant 0 : index
      %get3A_84 = memref.load %arg6[%get3A_82, %get3A_83] : memref<1x1xf32, #tpu.memory_space<smem>>
      %reduce_sum3A_85 = vector.shape_cast %add3A_71 : vector<1000xf32> to vector<1x1000xf32>
      %reduce_sum3A_86 = arith.constant dense<0.000000e+00> : vector<1xf32>
      %reduce_sum3A_87 = vector.multi_reduction <add>, %reduce_sum3A_85, %reduce_sum3A_86 [1] : vector<1x1000xf32> to vector<1xf32>
      %reduce_sum3A_88 = vector.shape_cast %reduce_sum3A_87 : vector<1xf32> to vector<1x1xf32>
      %reduce_sum3A_89 = vector.extract %reduce_sum3A_88[0, 0] : f32 from vector<1x1xf32>
      %reduce_sum3A_90 = vector.shape_cast %add3A_81 : vector<1000xf32> to vector<1x1000xf32>
      %reduce_sum3A_91 = arith.constant dense<0.000000e+00> : vector<1xf32>
      %reduce_sum3A_92 = vector.multi_reduction <add>, %reduce_sum3A_90, %reduce_sum3A_91 [1] : vector<1x1000xf32> to vector<1xf32>
      %reduce_sum3A_93 = vector.shape_cast %reduce_sum3A_92 : vector<1xf32> to vector<1x1xf32>
      %reduce_sum3A_94 = vector.extract %reduce_sum3A_93[0, 0] : f32 from vector<1x1xf32>
      %add3A_95 = arith.addf %reduce_sum3A_89, %reduce_sum3A_94 : f32
      %mul3A_96 = arith.constant 9.99999974E-5 : f32
      %mul3A_97 = arith.mulf %add3A_95, %mul3A_96 : f32
      %add3A_98 = arith.addf %get3A_84, %mul3A_97 : f32
      %swap3A = arith.constant 0 : index
      %swap3A_99 = arith.constant 0 : index
      %swap3A_100 = memref.load %arg6[%swap3A, %swap3A_99] : memref<1x1xf32, #tpu.memory_space<smem>>
      memref.store %add3A_98, %arg6[%swap3A, %swap3A_99] : memref<1x1xf32, #tpu.memory_space<smem>>
    } else {
    }
    return
  }
  func.func @transform_0(%arg0: i32, %arg1: i32) -> (i32, i32, i32) {
    %c0_i32 = arith.constant 0 : i32
    %c0_i32_0 = arith.constant 0 : i32
    %c0_i32_1 = arith.constant 0 : i32
    return %c0_i32, %arg1, %c0_i32_0 : i32, i32, i32
  }
  func.func @transform_1(%arg0: i32, %arg1: i32) -> (i32, i32) {
    %c0_i32 = arith.constant 0 : i32
    %c0_i32_0 = arith.constant 0 : i32
    %c0_i32_1 = arith.constant 0 : i32
    return %c0_i32, %c0_i32_0 : i32, i32
  }
  func.func @transform_2(%arg0: i32, %arg1: i32) -> (i32, i32) {
    %c0_i32 = arith.constant 0 : i32
    %c0_i32_0 = arith.constant 0 : i32
    %c0_i32_1 = arith.constant 0 : i32
    return %c0_i32, %c0_i32_0 : i32, i32
  }
  func.func @transform_3(%arg0: i32, %arg1: i32) -> (i32, i32) {
    %c0_i32 = arith.constant 0 : i32
    %c0_i32_0 = arith.constant 0 : i32
    %c0_i32_1 = arith.constant 0 : i32
    return %c0_i32, %c0_i32_0 : i32, i32
  }
  func.func @transform_4(%arg0: i32, %arg1: i32) -> (i32, i32) {
    %c0_i32 = arith.constant 0 : i32
    %c0_i32_0 = arith.constant 0 : i32
    %c0_i32_1 = arith.constant 0 : i32
    return %c0_i32, %c0_i32_0 : i32, i32
  }
}

</mosaic_0001>

<sc_bundles>
// kernel: kernel.4.cloned.1.call-start
scs
__scs_entry_jumppad:
0x0: {  	(pc) =	sbr.rel $0x88, $3  }
0x1: {  	(tag) =	ssettag $0x0;
	lr =	simm.s32 $0x1  }
0x2: {  	[smem:$0x3F9B] =	sst lr;
	_ =	strace $0xD0000000  }
0x3: {  	_ = 	snop  }
0x4: {  	_ = 	snop  }
0x5: {  	_ = 	snop  }
0x6: {  	_ = 	snop  }
0x7: {  	_ = 	snop  }
__scs_overlays_trampoline_lowered:
0x8: {  	[smem:$0x3FAA] =	sst s0  }
0x9: {  	[smem:$0x3FAB] =	sst s1  }
0xa: {  	[smem:$0x3FAC] =	sst s2  }
0xb: {  	[smem:$0x3FAD] =	sst s3  }
0xc: {  	[smem:$0x3FAE] =	sst s4  }
0xd: {  	[smem:$0x3FAF] =	sst s5  }
0xe: {  	[smem:$0x3FB0] =	sst s6  }
0xf: {  	[smem:$0x3FB1] =	sst s7  }
0x10: {  	[smem:$0x3FB2] =	sst s8  }
0x11: {  	[smem:$0x3FB3] =	sst s9;
	s0 =	simm.s32 @!p0 $0x0  }
0x12: {  	s1 =	sld [smem:$0x3F99];
	s0 =	simm.s32 @p0 $0x1  }
0x13: {  	[smem:$0x3FB4] =	sst s0;
	s0 =	simm.s32 @!p1 $0x0  }
0x14: {  	s2 =	sld [smem:$0x3F98];
	s0 =	simm.s32 @p1 $0x1  }
0x15: {  	[smem:$0x3FB5] =	sst s0;
	s0 =	simm.s32 @!p2 $0x0  }
0x16: {  	s3 =	sld [smem:$0x3FDB];
	s0 =	simm.s32 @p2 $0x1  }
0x17: {  	s4 =	simm.s32 $0x1BF5;
	[smem:$0x3FB7] =	sst s0  }
0x18: {  	s0 =	sld [smem:$0x3F9A];
	_ =	swait.ge [sflag:s4], $0x0  }
0x19: {  	s7 =	sld [smem:$0x3F9B]  }
0x1a: {  	s8 =	sadd.s32 $0xFFFFE003, lr  }
0x1b: {  	s9 =	sadd.s32 $0xFFFFFEF7, lr;
	s5 =	simm.s32 $0xFFFFFFFF;
	p2 =	slt.u32 s8, $0xFFFFF086  }
0x1c: {  	p1 =	slt.u32 s9, $0xF7A;
	s5 =	simm.s32 @!p2 $0x0  }
0x1d: {  	s5 =	simm.s32 @p1 $0x1;
	p0 =	seq.s32 s7, s2  }
0x1e: {  	s7 =	smul.u32 @!p0 $0xF7A, s2;
	p2 =	seq.s32 @!p0 s5, $0x0  }
0x1f: {  	s9 =	smul.u32 $0xF7A, s1;
	s8 =	simm.s32 @!p0 $0x1BF5;
	p2 =	por !p2, p0  }
0x20: {  	[sflag:s8] =	ssyncset.s32 @!p0 $0xFFFFF086;
	s6 =	sadd.s32 @!p0 s3, s7;
	s7 =	simm.s32 @!p0 $0x108  }
0x21: {  	s3 =	sadd.s32 s3, s9;
	s6 =	sadd.s32 @!p0 $0x88, s6;
	s7 =	simm.s32 @p2 $0x1082  }
0x22: {  	[simem:s7], [sflag:s8] =	dma.local @!p0 [hbm:s6], $0xF7A  }
0x23: {  	s9 =	sor.u32 $0xD0000000, s2;
	s6 =	simm.s32 $0x108;
	_ =	swait.ge @!p0 [sflag:s8], $0x0  }
0x24: {  	s3 =	sadd.s32 $0x88, s3;
	s6 =	simm.s32 @!p1 $0x1082;
	[sflag:s4] =	ssyncset.s32 $0xFFFFF086  }
0x25: {  	[simem:s6], [sflag:s4] =	dma.local [hbm:s3], $0xF7A  }
0x26: {  	[smem:$0x3F9B] =	sst s1;
	(tag) =	ssettag s2;
	_ =	strace s9  }
0x27: {  	s1 =	sld [smem:$0x3FAB]  }
0x28: {  	s2 =	sld [smem:$0x3FAC]  }
0x29: {  	s4 =	sld [smem:$0x3FAE]  }
0x2a: {  	p0 =	seq.s32 s5, $0x0;
	s5 =	sld [smem:$0x3FAF]  }
0x2b: {  	s6 =	sld [smem:$0x3FB0]  }
0x2c: {  	s7 =	sld [smem:$0x3FB1]  }
0x2d: {  	s3 =	simm.s32 $0x108;
	s8 =	sld [smem:$0x3FB2]  }
0x2e: {  	s3 =	simm.s32 @!p0 $0x1082;
	s9 =	sld [smem:$0x3FB3]  }
0x2f: {  	lr =	sadd.s32 s0, s3;
	s0 =	sld [smem:$0x3FAA]  }
0x30: {  	s3 =	sld [smem:$0x3FAD]  }
0x31: {  	[smem:$0x3FB6] =	sst s10  }
0x32: {  	s10 =	sld [smem:$0x3FB4];
	_ =	sdelay $0x3  }
0x33: {  	p0 =	seq.s32 s10, $0x1;
	s10 =	sld [smem:$0x3FB6];
	_ =	sdelay $0x3  }
0x34: {  	[smem:$0x3FB6] =	sst s10  }
0x35: {  	s10 =	sld [smem:$0x3FB5];
	_ =	sdelay $0x3  }
0x36: {  	p1 =	seq.s32 s10, $0x1;
	s10 =	sld [smem:$0x3FB6];
	_ =	sdelay $0x3  }
0x37: {  	[smem:$0x3FB6] =	sst s10  }
0x38: {  	s10 =	sld [smem:$0x3FB7]  }
0x39: {  	_ = 	snop;
	(pc) =	sbr.ind lr, $3  }
0x3a: {  	_ = 	snop  }
0x3b: {  	_ = 	snop  }
0x3c: {  	p2 =	seq.s32 s10, $0x1;
	s10 =	sld [smem:$0x3FB6]  }
0x3d: {  	_ =	shalt  }
0x3e: {  	_ =	shalt  }
0x3f: {  	_ =	shalt  }
0x40: {  	_ =	shalt  }
0x41: {  	_ =	shalt  }
0x42: {  	_ =	shalt  }
0x43: {  	_ =	shalt  }
0x44: {  	_ =	shalt  }
0x45: {  	_ =	shalt  }
0x46: {  	_ =	shalt  }
0x47: {  	_ =	shalt  }
0x48: {  	_ =	shalt  }
0x49: {  	_ =	shalt  }
0x4a: {  	_ =	shalt  }
0x4b: {  	_ =	shalt  }
0x4c: {  	_ =	shalt  }
0x4d: {  	_ =	shalt  }
0x4e: {  	_ =	shalt  }
0x4f: {  	_ =	shalt  }
0x50: {  	_ =	shalt  }
0x51: {  	_ =	shalt  }
0x52: {  	_ =	shalt  }
0x53: {  	_ =	shalt  }
0x54: {  	_ =	shalt  }
0x55: {  	_ =	shalt  }
0x56: {  	_ =	shalt  }
0x57: {  	_ =	shalt  }
0x58: {  	_ =	shalt  }
0x59: {  	_ =	shalt  }
0x5a: {  	_ =	shalt  }
0x5b: {  	_ =	shalt  }
0x5c: {  	_ =	shalt  }
0x5d: {  	_ =	shalt  }
0x5e: {  	_ =	shalt  }
0x5f: {  	_ =	shalt  }
0x60: {  	_ =	shalt  }
0x61: {  	_ =	shalt  }
0x62: {  	_ =	shalt  }
0x63: {  	_ =	shalt  }
0x64: {  	_ =	shalt  }
0x65: {  	_ =	shalt  }
0x66: {  	_ =	shalt  }
0x67: {  	_ =	shalt  }
0x68: {  	_ =	shalt  }
0x69: {  	_ =	shalt  }
0x6a: {  	_ =	shalt  }
0x6b: {  	_ =	shalt  }
0x6c: {  	_ =	shalt  }
0x6d: {  	_ =	shalt  }
0x6e: {  	_ =	shalt  }
0x6f: {  	_ =	shalt  }
0x70: {  	_ =	shalt  }
0x71: {  	_ =	shalt  }
0x72: {  	_ =	shalt  }
0x73: {  	_ =	shalt  }
0x74: {  	_ =	shalt  }
0x75: {  	_ =	shalt  }
0x76: {  	_ =	shalt  }
0x77: {  	_ =	shalt  }
0x78: {  	_ =	shalt  }
0x79: {  	_ =	shalt  }
0x7a: {  	_ =	shalt  }
0x7b: {  	_ =	shalt  }
0x7c: {  	_ =	shalt  }
0x7d: {  	_ =	shalt  }
0x7e: {  	_ =	shalt  }
0x7f: {  	_ =	shalt  }
0x80: {  	_ =	shalt  }
0x81: {  	_ =	shalt  }
0x82: {  	_ =	shalt  }
0x83: {  	_ =	shalt  }
0x84: {  	_ =	shalt  }
0x85: {  	_ =	shalt  }
0x86: {  	_ =	shalt  }
0x87: {  	_ =	shalt  }
.Lfunc_end0:
.L_simem_size_0:
called_computation_lowered:
.L_overlay_start_0:
0x88: {  	s2 =	sld [smem:$0x3FD9]  }
0x89: {  	s3 =	sld [smem:$0x3FFE];
	_ =	sdelay $0x1  }
0x8a: {  	s1 =	srdreg.scid  }
0x8b: {  	s0 =	sand.u32 $0x1, s1  }
0x8c: {  	s16 =	sshll.u32 s0, $0xA;
	s2 =	sadd.s32 s3, s2  }
0x8d: {  	s2 =	sadd.s32 s2, s16  }
0x8e: {  	[smem:$0x3FC2] =	sst s2  }
0x8f: {  	_ = 	snop  }
0x90: {  	(tm) =	ssettm $0x1  }
0x91: {  	s17 =	sld [smem:$0x3FFB];
	_ =	sdelay $0x3  }
0x92: {  	_ =	strace s17  }
0x93: {  	s2 =	sld [smem:$0x3FFC];
	_ =	sdelay $0x3  }
0x94: {  	_ =	strace s2  }
0x95: {  	s2 =	sld [smem:$0x3FFD];
	_ =	sdelay $0x3  }
0x96: {  	_ =	strace s2  }
0x97: {  	_ =	strace $0x8FFFFFFF  }
0x98: {  	s18 =	sld [smem:$0x3FDB];
	_ =	sdelay $0x1  }
0x99: {  	s19 =	simm.s32 $_scs_section_size  }
0x9a: {  	s4 =	simm.s32 $_size__tile_overlayer_lowered;
	s5 =	simm.s32 $_tile_overlayer_lowered  }
0x9b: {  	s22 =	simm.s32 $0x1BFF;
	s21 =	sshll.u32 s5, $0x1;
	s2 =	sadd.s32 s19, s18  }
0x9c: {  	s6 =	simm.s32 $0x0;
	s20 =	sshll.u32 s4, $0x1;
	s4 =	sadd.s32 s21, s2  }
0x9d: {  	[timem:s6], [sflag:s22] =	dma.local [hbm:s4], s20  }
0x9e: {  	_ =	swait.ge [sflag:s22], s20  }
0x9f: {  	s3 =	ssub.s32 $0x0, s20;
	[sflag:s22] =	ssyncset.done $0x0  }
0xa0: {  	[sflag:s22] =	ssyncadd.s32 s3;
	_ =	sdelay $0x1  }
0xa1: {  	s23 =	simm.s32 $0x1B8B  }
0xa2: {  	_ =	swait.ge [sflag:s23], $0x1  }
0xa3: {  	[sflag:s23] =	ssyncset.done $0x0  }
0xa4: {  	s25 =	simm.s32 $0x1B8E;
	s24 =	sld [smem:$0x3FFE];
	[sflag:s23] =	ssyncadd.s32 $0xFFFFFFFF  }
0xa5: {  	s26 =	simm.s32 $execute0_lowered;
	[smem:$0x3FD2] =	sst s25  }
0xa6: {  	s4 =	sshll.u32 s26, $0x1;
	_ =	strace $0x80000046;
	[dreg:$0x1] =	wrdreg $0xFFFFFFFF  }
0xa7: {  	s28 =	simm.s32 $_size_execute0_lowered;
	s2 =	sadd.s32 s2, s4;
	[dreg:$0x0] =	wrdreg $0x0  }
0xa8: {  	s4 =	sshll.u32 s28, $0x1;
	[dreg:$0x2] =	wrdreg s2  }
0xa9: {  	[dreg:$0x3] =	wrdreg s4  }
0xaa: {  	[dreg:$0x4] =	wrdreg $0xC0  }
0xab: {  	_ =	task [dreg:s6], $0x5FFFF  }
0xac: {  	[dreg:$0x1] =	wrdreg $0xFFFFFFFF  }
0xad: {  	[dreg:$0x0] =	wrdreg $0x60  }
0xae: {  	[dreg:$0x2] =	wrdreg s24  }
0xaf: {  	[dreg:$0x3] =	wrdreg $0x7F080  }
0xb0: {  	[dreg:$0x4] =	wrdreg $0x9  }
0xb1: {  	_ =	task.clear_ibuf [dreg:s6], $0x5FFFF;
	_ =	strace $0x90000046  }
0xb2: {  	s29 =	simm.s32 $0x9;
	_ =	strace $0x80000048  }
0xb3: {  	_ =	swait.ge [sflag:s29], $0x1  }
0xb4: {  	[sflag:s29] =	ssyncadd.s32 $0xFFFFFFFF  }
0xb5: {  	_ =	strace $0x90000048  }
0xb6: {  	_ =	sfence  }
0xb7: {  	s30 =	sld [smem:$0x0];
	_ =	sdelay $0x2  }
0xb8: {  	s31 =	sshll.u32 s1, $0xD;
	s1 =	sshrl.u32 s1, $0x2  }
0xb9: {  	s3 =	sand.u32 $0x4000, s31;
	s1 =	sadd.s32 s1, s30  }
0xba: {  	s0 =	sor.u32 s3, s0;
	s1 =	sshll.u32 s1, $0x11  }
0xbb: {  	s0 =	sor.u32 s1, s0  }
0xbc: {  	s0 =	sadd.s32 $0x8F2B, s0  }
0xbd: {  	[sflag:s0] =	ssyncadd.remote.s32 $0x1  }
0xbe: {  	_ =	sfence.sel $0xFFFF  }
0xbf: {  	[dreg:$0x0] =	wrdreg $0xFFFFFFFF;
	(pc) =	sbr.abs _section_cstart, $3  }
0xc0: {  	[dreg:$0x1] =	wrdreg $0xFFFFFFFF  }
0xc1: {  	_ =	task.clear_ibuf [dreg:s6], $0x2FFFF;
	_ =	strace $0x9FFFFFFF  }
0xc2: {  	(tm) =	ssettm $0x7FFFFFFF  }
0xc3: {  	_ =	shalt  }
tec
execute0_lowered:
.L_overlay_start_1:
0x0: {  	(tag) =	ssettag $0x1  }
0x1: {  	s0 =	rddreg [dreg:$0x0]  }
0x2: {  	s1 =	srdreg.scid;
	s9 =	stileid.u32  }
0x3: {  	s2 =	rddreg [dreg:$0x1];
	s6 =	smul.u32 $0x16380, s9  }
0x4: {  	s4 =	simm.s32 $0x0;
	s1 =	sand.u32 $0x1, s1;
	s8 =	smul.u32 $0x58E00, s9  }
0x5: {  	[smem:$0x7FF] =	sst s4;
	s3 =	smul.u32 $0x271, s1  }
0x6: {  	s4 =	sadd.s32 $0xA00, s0;
	s5 =	smul.u32 $0x163800, s1;
	s1 =	ssub.s32 $0x2, s1  }
0x7: {  	_ =	strace $0x80000047;
	s29 =	sshrl.u32 s1, $0x1;
	s8 =	sshrl.u32 s8, $0x2  }
0x8: {  	s10 =	sadd.s32 s6, s2;
	s3 =	sadd.s32 s3, s0;
	s7 =	sadd.s32 s6, s5  }
0x9: {  	s5 =	sadd.s32 $0x2CA00, s0;
	s1 =	ssub.s32 s1, s29;
	[dreg:$0x4] =	wrdreg s10  }
0xa: {  	s7 =	sshrl.u32 s7, $0x3;
	s3 =	sadd.s32 $0x400, s3;
	s29 =	smax.u32 s1, $0x1  }
0xb: {  	s0 =	sadd.s32 s7, s0;
	[dreg:$0x3] =	wrdreg s3;
	s7 =	sadd.s32 s8, s2  }
0xc: {  	[dreg:$0x19] =	wrdreg s29;
	s8 =	sadd.s32 $0x1200, s7  }
0xd: {  	s11 =	sadd.s32 $0x2400, s7;
	[dreg:$0x5] =	wrdreg s8  }
0xe: {  	s12 =	sadd.s32 $0x3600, s7;
	[dreg:$0x6] =	wrdreg s11  }
0xf: {  	s13 =	sadd.s32 $0x4800, s7;
	[dreg:$0x7] =	wrdreg s12  }
0x10: {  	s14 =	sadd.s32 $0x5A00, s7;
	[dreg:$0x8] =	wrdreg s13  }
0x11: {  	s15 =	sadd.s32 $0x6C00, s7;
	[dreg:$0x9] =	wrdreg s14  }
0x12: {  	s16 =	sadd.s32 $0x7E00, s7;
	[dreg:$0xa] =	wrdreg s15  }
0x13: {  	s17 =	sadd.s32 $0x9000, s7;
	[dreg:$0xb] =	wrdreg s16  }
0x14: {  	s18 =	sadd.s32 $0xA200, s7;
	[dreg:$0xc] =	wrdreg s17  }
0x15: {  	s19 =	sadd.s32 $0xB400, s7;
	[dreg:$0xd] =	wrdreg s18  }
0x16: {  	s20 =	sadd.s32 $0xC600, s7;
	[dreg:$0xe] =	wrdreg s19  }
0x17: {  	s21 =	sadd.s32 $0xD800, s7;
	[dreg:$0xf] =	wrdreg s20  }
0x18: {  	s22 =	sadd.s32 $0xEA00, s7;
	[dreg:$0x10] =	wrdreg s21  }
0x19: {  	s23 =	sadd.s32 $0xFC00, s7;
	[dreg:$0x11] =	wrdreg s22  }
0x1a: {  	s24 =	sadd.s32 $0x10E00, s7;
	[dreg:$0x12] =	wrdreg s23  }
0x1b: {  	s31 =	simm.s32 $0x2280;
	s25 =	sadd.s32 $0x12000, s7;
	[dreg:$0x13] =	wrdreg s24  }
0x1c: {  	s30 =	smul.u32 $0x5000, s9;
	s26 =	sadd.s32 $0x13200, s7;
	[dreg:$0x14] =	wrdreg s25  }
0x1d: {  	s9 =	simm.s32 $0x0;
	s28 =	sadd.s32 $0x14400, s7;
	[dreg:$0x15] =	wrdreg s26  }
0x1e: {  	s6 =	simm.s32 $0x1000;
	s3 =	sadd.s32 $0x15600, s7;
	[dreg:$0x16] =	wrdreg s28  }
0x1f: {  	s1 =	simm.s32 $0x2000;
	s0 =	sadd.s32 $0x36A00, s0;
	[dreg:$0x17] =	wrdreg s3  }
0x20: {  	[dreg:$0x18] =	wrdreg s0;
	s0 =	simm.s32 $0x5;
	s3 =	simm.s32 $0x3708  }
0x21: {  	s8 =	simm.s32 $0x20;
	s11 =	simm.s32 $0x4908;
	s12 =	simm.s32 $0x1  }
0x22: {  	s13 =	simm.s32 $0x3648;
	s14 =	simm.s32 $0x5B08;
	s15 =	simm.s32 $0x3688  }
0x23: {  	s16 =	simm.s32 $0x2;
	s17 =	simm.s32 $0x3668;
	s18 =	simm.s32 $0x6D08  }
0x24: {  	v0 =	vimm.f32 $0.0e+00;
	s19 =	simm.s32 $0x36A8;
	s20 =	simm.s32 $0x3;
	s21 =	simm.s32 $0x36C8  }
0x25: {  	v1 =	vimm.s32 $0x0;
	v2 =	vimm.s32 $0x1;
	v3 =	vlaneseq.u32;
	s22 =	simm.s32 $0x4;
	s23 =	simm.s32 $0x36E8;
	s25 =	simm.s32 $0x0  }
.LBB2_1:
0x26: {  	[dreg:$0x1a] =	wrdreg s9  }
0x27: {  	s7 =	simm.s32 $0x0;
	s29 =	rddreg [dreg:$0x3]  }
0x28: {  	[tilespmem:s31], [sflag:$0x5] =	stream.linear.gather [hbm4b:s29+s7], $0x1388, $0x38;
	[tilespmem:$0x1E288] =	vst v63  }
0x29: {  	_ =	swait.ge [sflag:s0], $0x1388  }
0x2a: {  	[sflag:s0] =	ssyncset.done $0x0  }
0x2b: {  	s24 =	simm.s32 $0x240;
	s7 =	simm.s32 $0x0;
	[sflag:s0] =	ssyncadd.s32 $0xFFFFEC78  }
.LBB2_2:
0x2c: {  	p0 =	sne.s32 s24, $0x45C0;
	[tilespmem:s7+$0x3788] =	vst v0  }
0x2d: {  	[tilespmem:s7+$0x3708] =	vst v0  }
0x2e: {  	[tilespmem:s7+$0x3718] =	vst v0  }
0x2f: {  	[tilespmem:s7+$0x3728] =	vst v0  }
.Ltmp0:
0x30: {  	[tilespmem:s7+$0x3738] =	vst v0;
	(pc) =	sbr.rel @p0 .LBB2_2-.Ltmp0, $4  }
0x31: {  	[tilespmem:s7+$0x3748] =	vst v0  }
0x32: {  	[tilespmem:s7+$0x3758] =	vst v0  }
0x33: {  	[tilespmem:s7+$0x3768] =	vst v0  }
0x34: {  	[tilespmem:s7+$0x3778] =	vst v0;
	s7 =	sshra.s32 s24, $0x2;
	s24 =	sadd.s32 $0x240, s24  }
0x35: {  	[tilespmem:s7+$0x3788] =	vst v0  }
0x36: {  	[tilespmem:s7+$0x3708] =	vst v0  }
0x37: {  	[tilespmem:s7+$0x3718] =	vst v0  }
0x38: {  	[tilespmem:s7+$0x3728] =	vst v0  }
0x39: {  	[tilespmem:s7+$0x3738] =	vst v0  }
0x3a: {  	[tilespmem:s7+$0x3748] =	vst v0  }
0x3b: {  	[tilespmem:s7+$0x3758] =	vst v0  }
0x3c: {  	[tilespmem:s7+$0x3768] =	vst v0  }
0x3d: {  	[tilespmem:s7+$0x3778] =	vst v0  }
0x3e: {  	[spmem:s10] =	stream.linear.scatter [tilespmem:s3], [sflag:$0x5], $0x1200, $0x38;
	[tilespmem:$0x1E288] =	vst v63  }
0x3f: {  	_ =	swait.ge [sflag:s0], $0x1200  }
0x40: {  	[sflag:s0] =	ssyncset.done $0x0  }
0x41: {  	s29 =	rddreg [dreg:$0x5];
	[sflag:s0] =	ssyncadd.s32 $0xFFFFEE00  }
0x42: {  	[spmem:s29] =	stream.linear.scatter [tilespmem:s3], [sflag:$0x5], $0x1200, $0x38;
	[tilespmem:$0x1E288] =	vst v63  }
0x43: {  	_ =	swait.ge [sflag:s0], $0x1200  }
0x44: {  	[sflag:s0] =	ssyncset.done $0x0  }
0x45: {  	s9 =	rddreg [dreg:$0x6];
	[sflag:s0] =	ssyncadd.s32 $0xFFFFEE00  }
0x46: {  	[spmem:s9] =	stream.linear.scatter [tilespmem:s3], [sflag:$0x5], $0x1200, $0x38;
	[tilespmem:$0x1E288] =	vst v63  }
0x47: {  	_ =	swait.ge [sflag:s0], $0x1200  }
0x48: {  	[sflag:s0] =	ssyncset.done $0x0  }
0x49: {  	s10 =	rddreg [dreg:$0x7];
	[sflag:s0] =	ssyncadd.s32 $0xFFFFEE00  }
0x4a: {  	[spmem:s10] =	stream.linear.scatter [tilespmem:s3], [sflag:$0x5], $0x1200, $0x38;
	[tilespmem:$0x1E288] =	vst v63  }
0x4b: {  	_ =	swait.ge [sflag:s0], $0x1200  }
0x4c: {  	[sflag:s0] =	ssyncset.done $0x0  }
0x4d: {  	s24 =	rddreg [dreg:$0x8];
	[sflag:s0] =	ssyncadd.s32 $0xFFFFEE00  }
0x4e: {  	[spmem:s24] =	stream.linear.scatter [tilespmem:s3], [sflag:$0x5], $0x1200, $0x38;
	[tilespmem:$0x1E288] =	vst v63  }
0x4f: {  	_ =	swait.ge [sflag:s0], $0x1200  }
0x50: {  	[sflag:s0] =	ssyncset.done $0x0  }
0x51: {  	s26 =	rddreg [dreg:$0x9];
	[sflag:s0] =	ssyncadd.s32 $0xFFFFEE00  }
0x52: {  	[spmem:s26] =	stream.linear.scatter [tilespmem:s3], [sflag:$0x5], $0x1200, $0x38;
	[tilespmem:$0x1E288] =	vst v63  }
0x53: {  	_ =	swait.ge [sflag:s0], $0x1200  }
0x54: {  	[sflag:s0] =	ssyncset.done $0x0  }
0x55: {  	s28 =	rddreg [dreg:$0xa];
	[sflag:s0] =	ssyncadd.s32 $0xFFFFEE00  }
0x56: {  	[spmem:s28] =	stream.linear.scatter [tilespmem:s3], [sflag:$0x5], $0x1200, $0x38;
	[tilespmem:$0x1E288] =	vst v63  }
0x57: {  	_ =	swait.ge [sflag:s0], $0x1200  }
0x58: {  	[sflag:s0] =	ssyncset.done $0x0  }
0x59: {  	s29 =	rddreg [dreg:$0xb];
	[sflag:s0] =	ssyncadd.s32 $0xFFFFEE00  }
0x5a: {  	[spmem:s29] =	stream.linear.scatter [tilespmem:s3], [sflag:$0x5], $0x1200, $0x38;
	[tilespmem:$0x1E288] =	vst v63  }
0x5b: {  	_ =	swait.ge [sflag:s0], $0x1200  }
0x5c: {  	[sflag:s0] =	ssyncset.done $0x0  }
0x5d: {  	s9 =	rddreg [dreg:$0xc];
	[sflag:s0] =	ssyncadd.s32 $0xFFFFEE00  }
0x5e: {  	[spmem:s9] =	stream.linear.scatter [tilespmem:s3], [sflag:$0x5], $0x1200, $0x38;
	[tilespmem:$0x1E288] =	vst v63  }
0x5f: {  	_ =	swait.ge [sflag:s0], $0x1200  }
0x60: {  	[sflag:s0] =	ssyncset.done $0x0  }
0x61: {  	s10 =	rddreg [dreg:$0xd];
	[sflag:s0] =	ssyncadd.s32 $0xFFFFEE00  }
0x62: {  	[spmem:s10] =	stream.linear.scatter [tilespmem:s3], [sflag:$0x5], $0x1200, $0x38;
	[tilespmem:$0x1E288] =	vst v63  }
0x63: {  	_ =	swait.ge [sflag:s0], $0x1200  }
0x64: {  	[sflag:s0] =	ssyncset.done $0x0  }
0x65: {  	s24 =	rddreg [dreg:$0xe];
	[sflag:s0] =	ssyncadd.s32 $0xFFFFEE00  }
0x66: {  	[spmem:s24] =	stream.linear.scatter [tilespmem:s3], [sflag:$0x5], $0x1200, $0x38;
	[tilespmem:$0x1E288] =	vst v63  }
0x67: {  	_ =	swait.ge [sflag:s0], $0x1200  }
0x68: {  	[sflag:s0] =	ssyncset.done $0x0  }
0x69: {  	s26 =	rddreg [dreg:$0xf];
	[sflag:s0] =	ssyncadd.s32 $0xFFFFEE00  }
0x6a: {  	[spmem:s26] =	stream.linear.scatter [tilespmem:s3], [sflag:$0x5], $0x1200, $0x38;
	[tilespmem:$0x1E288] =	vst v63  }
0x6b: {  	_ =	swait.ge [sflag:s0], $0x1200  }
0x6c: {  	[sflag:s0] =	ssyncset.done $0x0  }
0x6d: {  	s28 =	rddreg [dreg:$0x10];
	[sflag:s0] =	ssyncadd.s32 $0xFFFFEE00  }
0x6e: {  	[spmem:s28] =	stream.linear.scatter [tilespmem:s3], [sflag:$0x5], $0x1200, $0x38;
	[tilespmem:$0x1E288] =	vst v63  }
0x6f: {  	_ =	swait.ge [sflag:s0], $0x1200  }
0x70: {  	[sflag:s0] =	ssyncset.done $0x0  }
0x71: {  	s29 =	rddreg [dreg:$0x11];
	[sflag:s0] =	ssyncadd.s32 $0xFFFFEE00  }
0x72: {  	[spmem:s29] =	stream.linear.scatter [tilespmem:s3], [sflag:$0x5], $0x1200, $0x38;
	[tilespmem:$0x1E288] =	vst v63  }
0x73: {  	_ =	swait.ge [sflag:s0], $0x1200  }
0x74: {  	[sflag:s0] =	ssyncset.done $0x0  }
0x75: {  	s9 =	rddreg [dreg:$0x12];
	[sflag:s0] =	ssyncadd.s32 $0xFFFFEE00  }
0x76: {  	[spmem:s9] =	stream.linear.scatter [tilespmem:s3], [sflag:$0x5], $0x1200, $0x38;
	[tilespmem:$0x1E288] =	vst v63  }
0x77: {  	_ =	swait.ge [sflag:s0], $0x1200  }
0x78: {  	[sflag:s0] =	ssyncset.done $0x0  }
0x79: {  	s10 =	rddreg [dreg:$0x13];
	[sflag:s0] =	ssyncadd.s32 $0xFFFFEE00  }
0x7a: {  	[spmem:s10] =	stream.linear.scatter [tilespmem:s3], [sflag:$0x5], $0x1200, $0x38;
	[tilespmem:$0x1E288] =	vst v63  }
0x7b: {  	_ =	swait.ge [sflag:s0], $0x1200  }
0x7c: {  	[sflag:s0] =	ssyncset.done $0x0  }
0x7d: {  	s24 =	rddreg [dreg:$0x14];
	[sflag:s0] =	ssyncadd.s32 $0xFFFFEE00  }
0x7e: {  	[spmem:s24] =	stream.linear.scatter [tilespmem:s3], [sflag:$0x5], $0x1200, $0x38;
	[tilespmem:$0x1E288] =	vst v63  }
0x7f: {  	_ =	swait.ge [sflag:s0], $0x1200  }
0x80: {  	[sflag:s0] =	ssyncset.done $0x0  }
0x81: {  	s26 =	rddreg [dreg:$0x15];
	[sflag:s0] =	ssyncadd.s32 $0xFFFFEE00  }
0x82: {  	[spmem:s26] =	stream.linear.scatter [tilespmem:s3], [sflag:$0x5], $0x1200, $0x38;
	[tilespmem:$0x1E288] =	vst v63  }
0x83: {  	_ =	swait.ge [sflag:s0], $0x1200  }
0x84: {  	[sflag:s0] =	ssyncset.done $0x0  }
0x85: {  	s28 =	rddreg [dreg:$0x16];
	[sflag:s0] =	ssyncadd.s32 $0xFFFFEE00  }
0x86: {  	[spmem:s28] =	stream.linear.scatter [tilespmem:s3], [sflag:$0x5], $0x1200, $0x38;
	[tilespmem:$0x1E288] =	vst v63  }
0x87: {  	_ =	swait.ge [sflag:s0], $0x1200  }
0x88: {  	[sflag:s0] =	ssyncset.done $0x0  }
0x89: {  	s29 =	rddreg [dreg:$0x17];
	[sflag:s0] =	ssyncadd.s32 $0xFFFFEE00  }
0x8a: {  	[spmem:s29] =	stream.linear.scatter [tilespmem:s3], [sflag:$0x5], $0xD80, $0x38;
	[tilespmem:$0x1E288] =	vst v63  }
0x8b: {  	_ =	swait.ge [sflag:s0], $0xD80  }
0x8c: {  	[sflag:s0] =	ssyncset.done $0x0  }
0x8d: {  	[sflag:s0] =	ssyncadd.s32 $0xFFFFF280  }
0x8e: {  	s26 =	simm.s32 $0x0;
	[bflag:$0x0] =	sbarrier.arrive $0xFFFF  }
.LBB2_4:
0x8f: {  	s7 =	sshll.u32 s26, $0xC  }
0x90: {  	s7 =	sadd.s32 s30, s7  }
0x91: {  	s7 =	sshrl.u32 s7, $0x3  }
0x92: {  	s7 =	sadd.s32 s5, s7  }
0x93: {  	[tilespmem:s25], [sflag:$0x5] =	stream.linear.gather [hbm4b:s7+s25], $0x1000, $0x38;
	[tilespmem:$0x1E288] =	vst v63  }
0x94: {  	_ =	swait.ge [sflag:s0], $0x1000  }
0x95: {  	[sflag:s0] =	ssyncset.done $0x0  }
0x96: {  	[sflag:s0] =	ssyncadd.s32 $0xFFFFF000  }
0x97: {  	[tilespmem:$0x2000] =	vst v1  }
0x98: {  	[tilespmem:$0x2010] =	vst v1  }
0x99: {  	[tilespmem:$0x2020] =	vst v1  }
0x9a: {  	[tilespmem:$0x2030] =	vst v1  }
0x9b: {  	[tilespmem:$0x2040] =	vst v1  }
0x9c: {  	[tilespmem:$0x2050] =	vst v1  }
0x9d: {  	[tilespmem:$0x2060] =	vst v1  }
0x9e: {  	[tilespmem:$0x2070] =	vst v1  }
0x9f: {  	[tilespmem:$0x2080] =	vst v1  }
0xa0: {  	[tilespmem:$0x2090] =	vst v1  }
0xa1: {  	[tilespmem:$0x20A0] =	vst v1  }
0xa2: {  	[tilespmem:$0x20B0] =	vst v1  }
0xa3: {  	[tilespmem:$0x20C0] =	vst v1  }
0xa4: {  	[tilespmem:$0x20D0] =	vst v1  }
0xa5: {  	[tilespmem:$0x20E0] =	vst v1  }
0xa6: {  	[tilespmem:$0x20F0] =	vst v1  }
0xa7: {  	[tilespmem:$0x2100] =	vst v1  }
0xa8: {  	[tilespmem:$0x2110] =	vst v1  }
0xa9: {  	[tilespmem:$0x2120] =	vst v1  }
0xaa: {  	[tilespmem:$0x2130] =	vst v1  }
0xab: {  	[tilespmem:$0x2140] =	vst v1  }
0xac: {  	[tilespmem:$0x2150] =	vst v1  }
0xad: {  	[tilespmem:$0x2160] =	vst v1  }
0xae: {  	[tilespmem:$0x2170] =	vst v1  }
0xaf: {  	[tilespmem:$0x2180] =	vst v1  }
0xb0: {  	[tilespmem:$0x2190] =	vst v1  }
0xb1: {  	[tilespmem:$0x21A0] =	vst v1  }
0xb2: {  	[tilespmem:$0x21B0] =	vst v1  }
0xb3: {  	[tilespmem:$0x21C0] =	vst v1  }
0xb4: {  	[tilespmem:$0x21D0] =	vst v1  }
0xb5: {  	[tilespmem:$0x21E0] =	vst v1  }
0xb6: {  	[tilespmem:$0x21F0] =	vst v1  }
0xb7: {  	[tilespmem:$0x2200] =	vst v1  }
0xb8: {  	[tilespmem:$0x2210] =	vst v1  }
0xb9: {  	[tilespmem:$0x2220] =	vst v1  }
0xba: {  	[tilespmem:$0x2230] =	vst v1  }
0xbb: {  	[tilespmem:$0x2240] =	vst v1  }
0xbc: {  	[tilespmem:$0x2250] =	vst v1  }
0xbd: {  	[tilespmem:$0x2260] =	vst v1  }
0xbe: {  	s7 =	simm.s32 $0x0;
	[tilespmem:$0x2270] =	vst v1  }
.LBB2_5:
0xbf: {  	s24 =	sshra.s32 s7, $0x2  }
0xc0: {  	v4 =	vld [tilespmem:s24+$0x0];
	_ =	sdelay $0x4  }
0xc1: {  	v5 =	vshrl.u32 v4, $0x1  }
0xc2: {  	v5 =	vand.u32 $0x1FFF, v5;
	_ =	sdelay $0x4  }
0xc3: {  	v5 =	vld.idx.msk [tilespmem:v5+s31+$0x0], $0xffff;
	_ =	sdelay $0x2  }
0xc4: {  	v6 =	vshll.u32 v4, $0x4  }
0xc5: {  	v6 =	vand.u32 $0x10, v6  }
0xc6: {  	v5 =	vshra.s32 v5, v6  }
0xc7: {  	v6 =	vshrl.u32 v5, $0x4  }
0xc8: {  	v6 =	vand.u32 $0xFF0, v6  }
0xc9: {  	v6 =	vor.u32 v3, v6;
	_ =	sdelay $0x1  }
0xca: {  	v4 =	vand.u32 $0xFFFFC000, v4;
	v5 =	vand.u32 $0xFFFF, v5  }
0xcb: {  	v4 =	vor.u32 v4, v5  }
0xcc: {  	[tilespmem:s24+$0x0] =	vst v4  }
0xcd: {  	[tilespmem:v6+s1+$0x0] =	vst.idx.add.s32.msk $0xffff, v2  }
0xce: {  	v4 =	vld [tilespmem:s24+$0x10];
	_ =	sdelay $0x4  }
0xcf: {  	v5 =	vshrl.u32 v4, $0x1  }
0xd0: {  	v5 =	vand.u32 $0x1FFF, v5;
	_ =	sdelay $0x4  }
0xd1: {  	v5 =	vld.idx.msk [tilespmem:v5+s31+$0x0], $0xffff;
	_ =	sdelay $0x2  }
0xd2: {  	v63 =	vshll.u32 v4, $0x4  }
0xd3: {  	v6 =	vand.u32 $0x10, v63  }
0xd4: {  	v5 =	vshra.s32 v5, v6  }
0xd5: {  	v6 =	vshrl.u32 v5, $0x4  }
0xd6: {  	v6 =	vand.u32 $0xFF0, v6  }
0xd7: {  	p0 =	sne.s32 s7, $0x3F80;
	v6 =	vor.u32 v3, v6  }
.Ltmp1:
0xd8: {  	_ = 	snop;
	(pc) =	sbr.rel @p0 .LBB2_5-.Ltmp1, $4  }
0xd9: {  	v4 =	vand.u32 $0xFFFFC000, v4;
	v5 =	vand.u32 $0xFFFF, v5  }
0xda: {  	v4 =	vor.u32 v4, v5  }
0xdb: {  	[tilespmem:s24+$0x10] =	vst v4  }
0xdc: {  	s7 =	sadd.s32 $0x80, s7;
	[tilespmem:v6+s1+$0x0] =	vst.idx.add.s32.msk $0xffff, v2  }
0xdd: {  	v4 =	vld [tilespmem:$0x2000]  }
0xde: {  	v6 =	vld [tilespmem:$0x2010]  }
0xdf: {  	v7 =	vld [tilespmem:$0x2020]  }
0xe0: {  	v9 =	vld [tilespmem:$0x2030];
	_ =	sdelay $0x1  }
0xe1: {  	v10 =	vld [tilespmem:$0x2040];
	(xrf0) =	vadd.scan.msk.s32 $0xffff, v4  }
0xe2: {  	v13 =	vld [tilespmem:$0x2050];
	(xrf0) =	vadd.scan.msk.s32 $0xffff, v6  }
0xe3: {  	(xrf0) =	vadd.scan.msk.s32 $0xffff, v7  }
0xe4: {  	v15 =	vld [tilespmem:$0x2060];
	(xrf0) =	vadd.scan.msk.s32 $0xffff, v9  }
0xe5: {  	v18 =	vld [tilespmem:$0x2070]  }
0xe6: {  	(xrf0) =	vadd.scan.msk.s32 $0xffff, v10  }
0xe7: {  	v19 =	vld [tilespmem:$0x2080];
	(xrf0) =	vadd.scan.msk.s32 $0xffff, v13;
	v12, _, _ =	vpop (xrf0)  }
0xe8: {  	v22 =	vld [tilespmem:$0x2090];
	v16, _, _ =	vpop (xrf0)  }
0xe9: {  	(v2sf) =	vpush v12, $0xF;
	v21, _, _ =	vpop (xrf0);
	(xrf0) =	vadd.scan.msk.s32 $0xffff, v15  }
0xea: {  	v23 =	vld [tilespmem:$0x20A0];
	(v2sf) =	vpush v16, $0xF;
	v24, _, _ =	vpop (xrf0);
	(xrf0) =	vadd.scan.msk.s32 $0xffff, v18  }
0xeb: {  	v25 =	vld [tilespmem:$0x20B0];
	(v2sf) =	vpush v21, $0xF  }
0xec: {  	(v2sf) =	vpush v24, $0xF;
	v29, _, _ =	vpop (xrf0);
	(xrf0) =	vadd.scan.msk.s32 $0xffff, v19  }
0xed: {  	v28 =	vld [tilespmem:$0x20C0];
	(v2sf) =	vpush v29, $0xF;
	v30, _, _ =	vpop (xrf0);
	(xrf0) =	vadd.scan.msk.s32 $0xffff, v22  }
0xee: {  	v27 =	vld [tilespmem:$0x20D0];
	(v2sf) =	vpush v30, $0xF  }
0xef: {  	(xrf0) =	vadd.scan.msk.s32 $0xffff, v23;
	v31, _, _ =	vpop (xrf0)  }
0xf0: {  	v26 =	vld [tilespmem:$0x20E0];
	(xrf0) =	vadd.scan.msk.s32 $0xffff, v25;
	(v2sf) =	vpush v31, $0xF;
	v32, _, _ =	vpop (xrf0)  }
0xf1: {  	v20 =	vld [tilespmem:$0x20F0];
	(v2sf) =	vpush v32, $0xF  }
0xf2: {  	v17 =	vld [tilespmem:$0x2100];
	v33, _, _ =	vpop (xrf0);
	(xrf0) =	vadd.scan.msk.s32 $0xffff, v28  }
0xf3: {  	v14 =	vld [tilespmem:$0x2110];
	(v2sf) =	vpush v33, $0xF;
	v34, _, _ =	vpop (xrf0);
	(xrf0) =	vadd.scan.msk.s32 $0xffff, v27  }
0xf4: {  	v11 =	vld [tilespmem:$0x2120];
	(v2sf) =	vpush v34, $0xF  }
0xf5: {  	v8 =	vld [tilespmem:$0x2130];
	v35 =	vbroadcast v12, $0xF;
	v36, _, _ =	vpop (xrf0);
	(xrf0) =	vadd.scan.msk.s32 $0xffff, v26  }
0xf6: {  	v5 =	vld [tilespmem:$0x2140];
	(v2sf) =	vpush v36, $0xF;
	(xrf0) =	vadd.scan.msk.s32 $0xffff, v20;
	v37, _, _ =	vpop (xrf0)  }
0xf7: {  	v4 =	vsub.s32 v12, v4;
	v48 =	vsub.s32 v35, v6;
	v6 =	vld [tilespmem:$0x2150];
	(xrf0) =	vadd.scan.msk.s32 $0xffff, v17;
	(v2sf) =	vpush v37, $0xF  }
0xf8: {  	[tilespmem:$0x2000] =	vst v4;
	v4 =	vld [tilespmem:$0x2160];
	v50 =	vsub.s32 v21, v7;
	(xrf0) =	vadd.scan.msk.s32 $0xffff, v14;
	s7 =	spop (v2sf);
	v49, _, _ =	vpop (xrf0)  }
0xf9: {  	v7 =	vld [tilespmem:$0x2170];
	v12 =	vadd.s32 v16, v48;
	v51 =	vsub.s32 v24, v9;
	(xrf0) =	vadd.scan.msk.s32 $0xffff, v11;
	s24 =	spop (v2sf);
	(v2sf) =	vpush v49, $0xF;
	v38, _, _ =	vpop (xrf0)  }
0xfa: {  	v9 =	vld [tilespmem:$0x2180];
	[tilespmem:$0x2010] =	vst v12;
	v53 =	vsub.s32 v29, v10;
	(xrf0) =	vadd.scan.msk.s32 $0xffff, v8;
	s7 =	sadd.s32 s7, s24;
	s29 =	spop (v2sf);
	(v2sf) =	vpush v38, $0xF  }
0xfb: {  	v10 =	vld [tilespmem:$0x2190];
	v54 =	vsub.s32 v30, v13;
	v56 =	vsub.s32 v31, v15;
	v39, _, _ =	vpop (xrf0);
	(xrf0) =	vadd.scan.msk.s32 $0xffff, v5;
	v12 =	vadd.s32 s7, v50;
	s7 =	sadd.s32 s7, s29;
	s9 =	spop (v2sf)  }
0xfc: {  	(v2sf) =	vpush v39, $0xF;
	v40, _, _ =	vpop (xrf0);
	(xrf0) =	vadd.scan.msk.s32 $0xffff, v6;
	[tilespmem:$0x2020] =	vst v12;
	v52 =	vadd.s32 s7, v51;
	s7 =	sadd.s32 s7, s9;
	s10 =	spop (v2sf);
	v12 =	vld [tilespmem:$0x21A0]  }
0xfd: {  	v13 =	vld [tilespmem:$0x21B0];
	v58 =	vsub.s32 v32, v18;
	v55, _, _ =	vpop (xrf0);
	(xrf0) =	vadd.scan.msk.s32 $0xffff, v4;
	v16 =	vadd.s32 s7, v53;
	s7 =	sadd.s32 s7, s10;
	s28 =	spop (v2sf);
	(v2sf) =	vpush v40, $0xF  }
0xfe: {  	v15 =	vld [tilespmem:$0x21C0];
	v57, _, _ =	vpop (xrf0);
	(xrf0) =	vadd.scan.msk.s32 $0xffff, v7;
	[tilespmem:$0x2040] =	vst v16;
	v16 =	vadd.s32 s7, v54;
	(v2sf) =	vpush v55, $0xF  }
0xff: {  	v59 =	vsub.s32 v33, v19;
	s7 =	sadd.s32 s7, s28;
	v41, _, _ =	vpop (xrf0);
	(xrf0) =	vadd.scan.msk.s32 $0xffff, v9;
	[tilespmem:$0x2050] =	vst v16;
	(v2sf) =	vpush v57, $0xF;
	v16 =	vld [tilespmem:$0x21D0];
	s29 =	spop (v2sf)  }
0x100: {  	v18 =	vld [tilespmem:$0x21E0];
	v60 =	vsub.s32 v34, v22;
	v21 =	vadd.s32 s7, v56;
	v32, _, _ =	vpop (xrf0);
	(xrf0) =	vadd.scan.msk.s32 $0xffff, v10;
	s7 =	sadd.s32 s7, s29;
	s9 =	spop (v2sf);
	(v2sf) =	vpush v41, $0xF  }
0x101: {  	v19 =	vld [tilespmem:$0x21F0];
	[tilespmem:$0x2060] =	vst v21;
	v33, _, _ =	vpop (xrf0);
	(xrf0) =	vadd.scan.msk.s32 $0xffff, v12;
	v21 =	vadd.s32 s7, v58;
	(v2sf) =	vpush v32, $0xF  }
0x102: {  	v61 =	vsub.s32 v36, v23;
	v42, _, _ =	vpop (xrf0);
	s7 =	sadd.s32 s7, s9;
	s10 =	spop (v2sf);
	(xrf0) =	vadd.scan.msk.s32 $0xffff, v13;
	[tilespmem:$0x2070] =	vst v21;
	(v2sf) =	vpush v33, $0xF;
	v21 =	vld [tilespmem:$0x2200]  }
0x103: {  	v22 =	vld [tilespmem:$0x2210];
	v62 =	vsub.s32 v37, v25;
	v34, _, _ =	vpop (xrf0);
	v24 =	vadd.s32 s7, v59;
	s7 =	sadd.s32 s7, s10;
	s28 =	spop (v2sf);
	(xrf0) =	vadd.scan.msk.s32 $0xffff, v15;
	(v2sf) =	vpush v42, $0xF  }
0x104: {  	v23 =	vld [tilespmem:$0x2220];
	v36, _, _ =	vpop (xrf0);
	[tilespmem:$0x2080] =	vst v24;
	v24 =	vadd.s32 s7, v60;
	(xrf0) =	vadd.scan.msk.s32 $0xffff, v16;
	(v2sf) =	vpush v34, $0xF  }
0x105: {  	v35 =	vsub.s32 v49, v28;
	s29 =	spop (v2sf);
	v43, _, _ =	vpop (xrf0);
	[tilespmem:$0x2090] =	vst v24;
	(xrf0) =	vadd.scan.msk.s32 $0xffff, v18;
	v24 =	vld [tilespmem:$0x2230];
	(v2sf) =	vpush v36, $0xF  }
0x106: {  	v48 =	vld [tilespmem:$0x2240];
	v27 =	vsub.s32 v38, v27;
	v26 =	vsub.s32 v39, v26;
	v63, _, _ =	vpop (xrf0);
	s9 =	spop (v2sf);
	(xrf0) =	vadd.scan.msk.s32 $0xffff, v19;
	(v2sf) =	vpush v43, $0xF  }
0x107: {  	v49 =	vld [tilespmem:$0x2250];
	v20 =	vsub.s32 v40, v20;
	[tilespmem:$0x2030] =	vst v52;
	s7 =	sadd.s32 s7, s28;
	v44, _, _ =	vpop (xrf0);
	(v2sf) =	vpush v63, $0xF;
	(xrf0) =	vadd.scan.msk.s32 $0xffff, v21  }
0x108: {  	v50 =	vld [tilespmem:$0x2260];
	v17 =	vsub.s32 v55, v17;
	v29 =	vadd.s32 s7, v61;
	s7 =	sadd.s32 s7, s29;
	s10 =	spop (v2sf);
	v45, _, _ =	vpop (xrf0);
	(v2sf) =	vpush v44, $0xF;
	(xrf0) =	vadd.scan.msk.s32 $0xffff, v22  }
0x109: {  	[tilespmem:$0x20A0] =	vst v29;
	v29 =	vadd.s32 s7, v62;
	s7 =	sadd.s32 s7, s9;
	s28 =	spop (v2sf);
	v51, _, _ =	vpop (xrf0);
	(v2sf) =	vpush v45, $0xF;
	(xrf0) =	vadd.scan.msk.s32 $0xffff, v23  }
0x10a: {  	[tilespmem:$0x20B0] =	vst v29;
	v35 =	vadd.s32 s7, v35;
	s7 =	sadd.s32 s7, s10;
	v52, _, _ =	vpop (xrf0);
	(v2sf) =	vpush v51, $0xF;
	(xrf0) =	vadd.scan.msk.s32 $0xffff, v24  }
0x10b: {  	[tilespmem:$0x20C0] =	vst v35;
	v27 =	vadd.s32 s7, v27;
	s7 =	sadd.s32 s7, s28;
	s29 =	spop (v2sf);
	v53, _, _ =	vpop (xrf0);
	(v2sf) =	vpush v52, $0xF;
	(xrf0) =	vadd.scan.msk.s32 $0xffff, v48  }
0x10c: {  	[tilespmem:$0x20D0] =	vst v27;
	v26 =	vadd.s32 s7, v26;
	s7 =	sadd.s32 s7, s29;
	s9 =	spop (v2sf);
	v54, _, _ =	vpop (xrf0);
	(v2sf) =	vpush v53, $0xF;
	(xrf0) =	vadd.scan.msk.s32 $0xffff, v49  }
0x10d: {  	[tilespmem:$0x20E0] =	vst v26;
	v20 =	vadd.s32 s7, v20;
	s7 =	sadd.s32 s7, s9;
	s10 =	spop (v2sf);
	(v2sf) =	vpush v54, $0xF;
	v55, _, _ =	vpop (xrf0);
	(xrf0) =	vadd.scan.msk.s32 $0xffff, v50  }
0x10e: {  	v14 =	vsub.s32 v57, v14;
	[tilespmem:$0x20F0] =	vst v20;
	v17 =	vadd.s32 s7, v17;
	s7 =	sadd.s32 s7, s10;
	s28 =	spop (v2sf);
	v56, _, _ =	vpop (xrf0);
	(v2sf) =	vpush v55, $0xF  }
0x10f: {  	v11 =	vsub.s32 v41, v11;
	[tilespmem:$0x2100] =	vst v17;
	v14 =	vadd.s32 s7, v14;
	s7 =	sadd.s32 s7, s28;
	v57, _, _ =	vpop (xrf0);
	s29 =	spop (v2sf);
	(v2sf) =	vpush v56, $0xF  }
0x110: {  	v8 =	vsub.s32 v32, v8;
	[tilespmem:$0x2110] =	vst v14;
	v11 =	vadd.s32 s7, v11;
	v58, _, _ =	vpop (xrf0);
	s7 =	sadd.s32 s7, s29;
	s9 =	spop (v2sf);
	(v2sf) =	vpush v57, $0xF  }
0x111: {  	v5 =	vsub.s32 v33, v5;
	[tilespmem:$0x2120] =	vst v11;
	v59, _, _ =	vpop (xrf0);
	v8 =	vadd.s32 s7, v8;
	s7 =	sadd.s32 s7, s9;
	s10 =	spop (v2sf);
	(v2sf) =	vpush v58, $0xF  }
0x112: {  	v6 =	vsub.s32 v42, v6;
	v60, _, _ =	vpop (xrf0);
	[tilespmem:$0x2130] =	vst v8;
	v5 =	vadd.s32 s7, v5;
	s7 =	sadd.s32 s7, s10;
	s28 =	spop (v2sf);
	(v2sf) =	vpush v59, $0xF  }
0x113: {  	v4 =	vsub.s32 v34, v4;
	[tilespmem:$0x2140] =	vst v5;
	v5 =	vadd.s32 s7, v6;
	s7 =	sadd.s32 s7, s28;
	s29 =	spop (v2sf);
	(v2sf) =	vpush v60, $0xF;
	v61, _, _ =	vpop (xrf0)  }
0x114: {  	[tilespmem:$0x2150] =	vst v5;
	v5 =	vsub.s32 v36, v7;
	v4 =	vadd.s32 s7, v4;
	s7 =	sadd.s32 s7, s29;
	s9 =	spop (v2sf);
	(v2sf) =	vpush v61, $0xF  }
0x115: {  	[tilespmem:$0x2160] =	vst v4;
	v4 =	vsub.s32 v43, v9;
	v5 =	vadd.s32 s7, v5;
	s7 =	sadd.s32 s7, s9;
	s10 =	spop (v2sf)  }
0x116: {  	[tilespmem:$0x2170] =	vst v5;
	v5 =	vsub.s32 v63, v10;
	v4 =	vadd.s32 s7, v4;
	s7 =	sadd.s32 s7, s10;
	s28 =	spop (v2sf)  }
0x117: {  	[tilespmem:$0x2180] =	vst v4;
	v4 =	vsub.s32 v44, v12;
	v5 =	vadd.s32 s7, v5;
	s7 =	sadd.s32 s7, s28;
	s29 =	spop (v2sf)  }
0x118: {  	v62 =	vld [tilespmem:$0x2270];
	[tilespmem:$0x2190] =	vst v5;
	v4 =	vadd.s32 s7, v4;
	s7 =	sadd.s32 s7, s29;
	s9 =	spop (v2sf);
	v5 =	vsub.s32 v45, v13  }
0x119: {  	[tilespmem:$0x21A0] =	vst v4;
	v4 =	vsub.s32 v51, v15;
	v5 =	vadd.s32 s7, v5;
	s7 =	sadd.s32 s7, s9;
	s10 =	spop (v2sf)  }
0x11a: {  	[tilespmem:$0x21B0] =	vst v5;
	v5 =	vsub.s32 v52, v16;
	v4 =	vadd.s32 s7, v4;
	s7 =	sadd.s32 s7, s10;
	s28 =	spop (v2sf)  }
0x11b: {  	[tilespmem:$0x21C0] =	vst v4;
	v4 =	vsub.s32 v53, v18;
	v5 =	vadd.s32 s7, v5;
	s7 =	sadd.s32 s7, s28;
	s29 =	spop (v2sf)  }
0x11c: {  	[tilespmem:$0x21D0] =	vst v5;
	v5 =	vsub.s32 v54, v19;
	v4 =	vadd.s32 s7, v4;
	s7 =	sadd.s32 s7, s29;
	s9 =	spop (v2sf)  }
0x11d: {  	(xrf0) =	vadd.scan.msk.s32 $0xffff, v62;
	[tilespmem:$0x21E0] =	vst v4;
	v4 =	vsub.s32 v55, v21;
	v5 =	vadd.s32 s7, v5;
	s7 =	sadd.s32 s7, s9;
	s10 =	spop (v2sf)  }
0x11e: {  	[tilespmem:$0x21F0] =	vst v5;
	v5 =	vsub.s32 v56, v22;
	v4 =	vadd.s32 s7, v4;
	s7 =	sadd.s32 s7, s10;
	s28 =	spop (v2sf)  }
0x11f: {  	[tilespmem:$0x2200] =	vst v4;
	v4 =	vsub.s32 v57, v23;
	v5 =	vadd.s32 s7, v5;
	s7 =	sadd.s32 s7, s28;
	s29 =	spop (v2sf)  }
0x120: {  	[tilespmem:$0x2210] =	vst v5;
	v5 =	vsub.s32 v58, v24;
	v4 =	vadd.s32 s7, v4;
	s7 =	sadd.s32 s7, s29;
	s9 =	spop (v2sf)  }
0x121: {  	[tilespmem:$0x2220] =	vst v4;
	v4 =	vsub.s32 v59, v48;
	v5 =	vadd.s32 s7, v5;
	s7 =	sadd.s32 s7, s9;
	s10 =	spop (v2sf)  }
0x122: {  	[tilespmem:$0x2230] =	vst v5;
	v5 =	vsub.s32 v60, v49;
	v4 =	vadd.s32 s7, v4;
	s7 =	sadd.s32 s7, s10;
	s28 =	spop (v2sf)  }
0x123: {  	v63, _, _ =	vpop (xrf0);
	[tilespmem:$0x2240] =	vst v4;
	v4 =	vadd.s32 s7, v5;
	s7 =	sadd.s32 s7, s28;
	v5 =	vsub.s32 v61, v50;
	s29 =	spop (v2sf)  }
0x124: {  	[tilespmem:$0x2250] =	vst v4;
	v4 =	vadd.s32 s7, v5;
	s7 =	sadd.s32 s7, s29;
	v5 =	vsub.s32 v63, v62  }
0x125: {  	[tilespmem:$0x2260] =	vst v4;
	v4 =	vadd.s32 s7, v5  }
0x126: {  	s7 =	simm.s32 $0x0;
	[tilespmem:$0x2270] =	vst v4  }
.LBB2_7:
0x127: {  	s24 =	sshra.s32 s7, $0x2  }
0x128: {  	v4 =	vld [tilespmem:s24+$0x0];
	_ =	sdelay $0x4  }
0x129: {  	v5 =	vshrl.u32 v4, $0x4  }
0x12a: {  	v5 =	vand.u32 $0x3F0, v5  }
0x12b: {  	v5 =	vor.u32 v3, v5;
	_ =	sdelay $0x4  }
0x12c: {  	v6 =	vld.idx.msk [tilespmem:v5+s1+$0x0], $0xffff;
	_ =	sdelay $0x7  }
0x12d: {  	[tilespmem:v6+s6+$0x0] =	vst.idx.msk $0xffff, v4;
	v4 =	vadd.s32 $0x1, v6  }
0x12e: {  	[tilespmem:v5+s1+$0x0] =	vst.idx.msk $0xffff, v4  }
0x12f: {  	v4 =	vld [tilespmem:s24+$0x10];
	_ =	sdelay $0x4  }
0x130: {  	v5 =	vshrl.u32 v4, $0x4  }
0x131: {  	v5 =	vand.u32 $0x3F0, v5  }
0x132: {  	v5 =	vor.u32 v3, v5;
	_ =	sdelay $0x4  }
0x133: {  	v63 =	vld.idx.msk [tilespmem:v5+s1+$0x0], $0xffff;
	_ =	sdelay $0x3  }
0x134: {  	p0 =	sne.s32 s7, $0x3F80  }
.Ltmp2:
0x135: {  	_ = 	snop;
	(pc) =	sbr.rel @p0 .LBB2_7-.Ltmp2, $3  }
0x136: {  	_ =	sdelay $0x1  }
0x137: {  	[tilespmem:v63+s6+$0x0] =	vst.idx.msk $0xffff, v4;
	v4 =	vadd.s32 $0x1, v63  }
0x138: {  	s7 =	sadd.s32 $0x80, s7;
	[tilespmem:v5+s1+$0x0] =	vst.idx.msk $0xffff, v4  }
0x139: {  	v4 =	vld [tilespmem:$0x1000]  }
0x13a: {  	v5 =	vld [tilespmem:$0x1010];
	_ =	sdelay $0x3  }
0x13b: {  	v4 =	vand.u32 $0x3FFF, v4  }
0x13c: {  	[tilespmem:$0x3608] =	vst v4;
	v4 =	vand.u32 $0x3FFF, v5  }
0x13d: {  	s7 =	simm.s32 $0x3608;
	[tilespmem:$0x3618] =	vst v4  }
0x13e: {  	[tilespmem:s3], [sflag:$0x1] =	stream.indirect.gather [hbm4b:s4+s8], $0x90, s7, s8, $0xb8;
	[tilespmem:$0x1E288] =	vst v63  }
0x13f: {  	v4 =	vld [tilespmem:$0x1020]  }
0x140: {  	v5 =	vld [tilespmem:$0x1030];
	_ =	sdelay $0x3  }
0x141: {  	v4 =	vand.u32 $0x3FFF, v4  }
0x142: {  	[tilespmem:$0x3628] =	vst v4;
	v4 =	vand.u32 $0x3FFF, v5  }
0x143: {  	s9 =	simm.s32 $0x3628;
	s10 =	simm.s32 $0x0;
	[tilespmem:$0x3638] =	vst v4  }
0x144: {  	[tilespmem:s11], [sflag:$0x2] =	stream.indirect.gather [hbm4b:s4+s8], $0x90, s9, s8, $0xb8;
	[tilespmem:$0x1E288] =	vst v63  }
0x145: {  	v4 =	vld [tilespmem:s10+$0x1000];
	_ =	sdelay $0x4  }
0x146: {  	v4 =	vshra.s32 v4, $0xE  }
0x147: {  	[tilespmem:$0x3688] =	vst v4  }
0x148: {  	v4 =	vld [tilespmem:s10+$0x1010];
	_ =	sdelay $0x4  }
0x149: {  	v4 =	vshra.s32 v4, $0xE  }
0x14a: {  	[tilespmem:$0x3698] =	vst v4  }
0x14b: {  	_ =	swait.ge [sflag:s12], $0x1200  }
0x14c: {  	[sflag:s12] =	ssyncset.done $0x0  }
0x14d: {  	[sflag:s12] =	ssyncadd.s32 $0xFFFFEE00  }
0x14e: {  	v4 =	vld [tilespmem:s10+$0x1040];
	_ =	sdelay $0x4  }
0x14f: {  	v4 =	vand.u32 $0x3FFF, v4  }
0x150: {  	[tilespmem:$0x3648] =	vst v4  }
0x151: {  	v4 =	vld [tilespmem:s10+$0x1050];
	_ =	sdelay $0x4  }
0x152: {  	v4 =	vand.u32 $0x3FFF, v4  }
0x153: {  	[tilespmem:$0x3658] =	vst v4  }
0x154: {  	[tilespmem:s14], [sflag:$0x3] =	stream.indirect.gather [hbm4b:s4+s8], $0x90, s13, s8, $0xb8;
	[tilespmem:$0x1E288] =	vst v63  }
0x155: {  	_ = 	snop  }
0x156: {  	[spmem:s2] =	stream.indirect.scatter.add.f32 [tilespmem:s3], [sflag:$0x5], $0x90, s15, s8, $0xb8;
	[tilespmem:$0x1E288] =	vst v63  }
0x157: {  	_ =	swait.ge [sflag:s0], $0x1200  }
0x158: {  	[sflag:s0] =	ssyncset.done $0x0  }
0x159: {  	[sflag:s0] =	ssyncadd.s32 $0xFFFFEE00  }
0x15a: {  	v4 =	vld [tilespmem:s10+$0x1020];
	_ =	sdelay $0x4  }
0x15b: {  	v4 =	vshra.s32 v4, $0xE  }
0x15c: {  	[tilespmem:$0x36A8] =	vst v4  }
0x15d: {  	v4 =	vld [tilespmem:s10+$0x1030];
	_ =	sdelay $0x4  }
0x15e: {  	v4 =	vshra.s32 v4, $0xE  }
0x15f: {  	[tilespmem:$0x36B8] =	vst v4  }
0x160: {  	_ =	swait.ge [sflag:s16], $0x1200  }
0x161: {  	[sflag:s16] =	ssyncset.done $0x0  }
0x162: {  	[sflag:s16] =	ssyncadd.s32 $0xFFFFEE00  }
0x163: {  	v4 =	vld [tilespmem:s10+$0x1060];
	_ =	sdelay $0x4  }
0x164: {  	v4 =	vand.u32 $0x3FFF, v4  }
0x165: {  	[tilespmem:$0x3668] =	vst v4  }
0x166: {  	v4 =	vld [tilespmem:s10+$0x1070];
	_ =	sdelay $0x4  }
0x167: {  	v4 =	vand.u32 $0x3FFF, v4  }
0x168: {  	[tilespmem:$0x3678] =	vst v4  }
0x169: {  	[tilespmem:s18], [sflag:$0x4] =	stream.indirect.gather [hbm4b:s4+s8], $0x90, s17, s8, $0xb8;
	[tilespmem:$0x1E288] =	vst v63  }
0x16a: {  	_ = 	snop  }
0x16b: {  	[spmem:s2] =	stream.indirect.scatter.add.f32 [tilespmem:s11], [sflag:$0x5], $0x90, s19, s8, $0xb8;
	[tilespmem:$0x1E288] =	vst v63  }
0x16c: {  	_ =	swait.ge [sflag:s0], $0x1200  }
0x16d: {  	[sflag:s0] =	ssyncset.done $0x0  }
0x16e: {  	[sflag:s0] =	ssyncadd.s32 $0xFFFFEE00  }
0x16f: {  	v4 =	vld [tilespmem:s10+$0x1040];
	_ =	sdelay $0x4  }
0x170: {  	v4 =	vshra.s32 v4, $0xE  }
0x171: {  	[tilespmem:$0x36C8] =	vst v4  }
0x172: {  	v4 =	vld [tilespmem:s10+$0x1050];
	_ =	sdelay $0x4  }
0x173: {  	v4 =	vshra.s32 v4, $0xE  }
0x174: {  	[tilespmem:$0x36D8] =	vst v4  }
0x175: {  	_ =	swait.ge [sflag:s20], $0x1200  }
0x176: {  	p0 =	por $0x0, $0x0;
	[sflag:s20] =	ssyncset.done $0x0  }
0x177: {  	s24 =	simm.s32 @!p0 $0x0;
	[sflag:s20] =	ssyncadd.s32 $0xFFFFEE00  }
0x178: {  	v4 =	vld @!p0 [tilespmem:s24+$0x1080];
	_ =	sdelay $0x4  }
0x179: {  	v4 =	vand.u32 @!p0 $0x3FFF, v4  }
0x17a: {  	[tilespmem:$0x3608] =	vst @!p0 v4  }
0x17b: {  	v4 =	vld @!p0 [tilespmem:s24+$0x1090];
	_ =	sdelay $0x4  }
0x17c: {  	v4 =	vand.u32 @!p0 $0x3FFF, v4  }
0x17d: {  	s28 =	simm.s32 @!p0 $0x20;
	s29 =	simm.s32 @!p0 $0x3608;
	s9 =	simm.s32 @!p0 $0x3708;
	[tilespmem:$0x3618] =	vst @!p0 v4  }
0x17e: {  	[tilespmem:s9], [sflag:$0x1] =	stream.indirect.gather @!p0 [hbm4b:s4+s28], $0x90, s29, s28, $0xb8;
	[tilespmem:$0x1E288] =	vst v63  }
0x17f: {  	_ = 	snop  }
0x180: {  	[spmem:s2] =	stream.indirect.scatter.add.f32 [tilespmem:s14], [sflag:$0x5], $0x90, s21, s8, $0xb8;
	[tilespmem:$0x1E288] =	vst v63  }
0x181: {  	_ =	swait.ge [sflag:s0], $0x1200  }
0x182: {  	[sflag:s0] =	ssyncset.done $0x0  }
0x183: {  	[sflag:s0] =	ssyncadd.s32 $0xFFFFEE00  }
0x184: {  	v4 =	vld [tilespmem:s10+$0x1060];
	_ =	sdelay $0x4  }
0x185: {  	v4 =	vshra.s32 v4, $0xE  }
0x186: {  	[tilespmem:$0x36E8] =	vst v4  }
0x187: {  	v4 =	vld [tilespmem:s10+$0x1070];
	_ =	sdelay $0x4  }
0x188: {  	v4 =	vshra.s32 v4, $0xE  }
0x189: {  	[tilespmem:$0x36F8] =	vst v4  }
0x18a: {  	_ =	swait.ge [sflag:s22], $0x1200  }
0x18b: {  	[sflag:s22] =	ssyncset.done $0x0  }
0x18c: {  	[sflag:s22] =	ssyncadd.s32 $0xFFFFEE00  }
0x18d: {  	v4 =	vld @!p0 [tilespmem:s24+$0x10A0];
	_ =	sdelay $0x4  }
0x18e: {  	v4 =	vand.u32 @!p0 $0x3FFF, v4  }
0x18f: {  	[tilespmem:$0x3628] =	vst @!p0 v4  }
0x190: {  	v4 =	vld @!p0 [tilespmem:s24+$0x10B0];
	_ =	sdelay $0x4  }
0x191: {  	v4 =	vand.u32 @!p0 $0x3FFF, v4  }
0x192: {  	s7 =	simm.s32 @!p0 $0x3628;
	s9 =	simm.s32 @!p0 $0x4908;
	[tilespmem:$0x3638] =	vst @!p0 v4  }
0x193: {  	[tilespmem:s9], [sflag:$0x2] =	stream.indirect.gather @!p0 [hbm4b:s4+s28], $0x90, s7, s28, $0xb8;
	[tilespmem:$0x1E288] =	vst v63  }
0x194: {  	_ = 	snop  }
0x195: {  	[spmem:s2] =	stream.indirect.scatter.add.f32 [tilespmem:s18], [sflag:$0x5], $0x90, s23, s8, $0xb8;
	[tilespmem:$0x1E288] =	vst v63  }
0x196: {  	_ =	swait.ge [sflag:s0], $0x1200  }
0x197: {  	s28 =	simm.s32 $0x200;
	[sflag:s0] =	ssyncset.done $0x0  }
.LBB2_9:
0x198: {  	[sflag:s0] =	ssyncadd.s32 $0xFFFFEE00;
	s7 =	smov.u32 s28;
	s28 =	sadd.s32 $0x200, s28  }
0x199: {  	s29 =	sshra.s32 s7, $0x2;
	p0 =	sne.s32 s28, $0x4000  }
0x19a: {  	v4 =	vld [tilespmem:s29+$0x1000];
	_ =	sdelay $0x4  }
0x19b: {  	v4 =	vshra.s32 v4, $0xE  }
0x19c: {  	[tilespmem:$0x3688] =	vst v4  }
0x19d: {  	v4 =	vld [tilespmem:s29+$0x1010];
	_ =	sdelay $0x4  }
0x19e: {  	v4 =	vshra.s32 v4, $0xE  }
0x19f: {  	[tilespmem:$0x3698] =	vst v4  }
0x1a0: {  	_ =	swait.ge [sflag:s12], $0x1200  }
0x1a1: {  	[sflag:s12] =	ssyncset.done $0x0  }
0x1a2: {  	[sflag:s12] =	ssyncadd.s32 $0xFFFFEE00  }
0x1a3: {  	v4 =	vld [tilespmem:s29+$0x1040];
	_ =	sdelay $0x4  }
0x1a4: {  	v4 =	vand.u32 $0x3FFF, v4  }
0x1a5: {  	[tilespmem:$0x3648] =	vst v4  }
0x1a6: {  	v4 =	vld [tilespmem:s29+$0x1050];
	_ =	sdelay $0x4  }
0x1a7: {  	v4 =	vand.u32 $0x3FFF, v4  }
0x1a8: {  	[tilespmem:$0x3658] =	vst v4  }
0x1a9: {  	[tilespmem:s14], [sflag:$0x3] =	stream.indirect.gather [hbm4b:s4+s8], $0x90, s13, s8, $0xb8;
	[tilespmem:$0x1E288] =	vst v63  }
0x1aa: {  	_ = 	snop  }
0x1ab: {  	[spmem:s2] =	stream.indirect.scatter.add.f32 [tilespmem:s3], [sflag:$0x5], $0x90, s15, s8, $0xb8;
	[tilespmem:$0x1E288] =	vst v63  }
0x1ac: {  	_ =	swait.ge [sflag:s0], $0x1200  }
0x1ad: {  	[sflag:s0] =	ssyncset.done $0x0  }
0x1ae: {  	[sflag:s0] =	ssyncadd.s32 $0xFFFFEE00  }
0x1af: {  	v4 =	vld [tilespmem:s29+$0x1020];
	_ =	sdelay $0x4  }
0x1b0: {  	v4 =	vshra.s32 v4, $0xE  }
0x1b1: {  	[tilespmem:$0x36A8] =	vst v4  }
0x1b2: {  	v4 =	vld [tilespmem:s29+$0x1030];
	_ =	sdelay $0x4  }
0x1b3: {  	v4 =	vshra.s32 v4, $0xE  }
0x1b4: {  	[tilespmem:$0x36B8] =	vst v4  }
0x1b5: {  	_ =	swait.ge [sflag:s16], $0x1200  }
0x1b6: {  	[sflag:s16] =	ssyncset.done $0x0  }
0x1b7: {  	[sflag:s16] =	ssyncadd.s32 $0xFFFFEE00  }
0x1b8: {  	v4 =	vld [tilespmem:s29+$0x1060];
	_ =	sdelay $0x4  }
0x1b9: {  	v4 =	vand.u32 $0x3FFF, v4  }
0x1ba: {  	[tilespmem:$0x3668] =	vst v4  }
0x1bb: {  	v4 =	vld [tilespmem:s29+$0x1070];
	_ =	sdelay $0x4  }
0x1bc: {  	v4 =	vand.u32 $0x3FFF, v4  }
0x1bd: {  	[tilespmem:$0x3678] =	vst v4  }
0x1be: {  	[tilespmem:s18], [sflag:$0x4] =	stream.indirect.gather [hbm4b:s4+s8], $0x90, s17, s8, $0xb8;
	[tilespmem:$0x1E288] =	vst v63  }
0x1bf: {  	_ = 	snop  }
0x1c0: {  	[spmem:s2] =	stream.indirect.scatter.add.f32 [tilespmem:s11], [sflag:$0x5], $0x90, s19, s8, $0xb8;
	[tilespmem:$0x1E288] =	vst v63  }
0x1c1: {  	_ =	swait.ge [sflag:s0], $0x1200  }
0x1c2: {  	[sflag:s0] =	ssyncset.done $0x0  }
0x1c3: {  	[sflag:s0] =	ssyncadd.s32 $0xFFFFEE00  }
0x1c4: {  	v4 =	vld [tilespmem:s29+$0x1040];
	_ =	sdelay $0x4  }
0x1c5: {  	v4 =	vshra.s32 v4, $0xE  }
0x1c6: {  	[tilespmem:$0x36C8] =	vst v4  }
0x1c7: {  	v4 =	vld [tilespmem:s29+$0x1050];
	_ =	sdelay $0x4  }
0x1c8: {  	v4 =	vshra.s32 v4, $0xE  }
0x1c9: {  	[tilespmem:$0x36D8] =	vst v4  }
0x1ca: {  	_ =	swait.ge [sflag:s20], $0x1200  }
0x1cb: {  	p1 =	seq.s32 s7, $0x3E00;
	[sflag:s20] =	ssyncset.done $0x0  }
0x1cc: {  	s7 =	sshra.s32 @!p1 s7, $0x2;
	[sflag:s20] =	ssyncadd.s32 $0xFFFFEE00  }
0x1cd: {  	v4 =	vld @!p1 [tilespmem:s7+$0x1080];
	_ =	sdelay $0x4  }
0x1ce: {  	v4 =	vand.u32 @!p1 $0x3FFF, v4  }
0x1cf: {  	[tilespmem:$0x3608] =	vst @!p1 v4  }
0x1d0: {  	v4 =	vld @!p1 [tilespmem:s7+$0x1090];
	_ =	sdelay $0x4  }
0x1d1: {  	v4 =	vand.u32 @!p1 $0x3FFF, v4  }
0x1d2: {  	s24 =	simm.s32 @!p1 $0x20;
	s9 =	simm.s32 @!p1 $0x3608;
	s10 =	simm.s32 @!p1 $0x3708;
	[tilespmem:$0x3618] =	vst @!p1 v4  }
0x1d3: {  	[tilespmem:s10], [sflag:$0x1] =	stream.indirect.gather @!p1 [hbm4b:s4+s24], $0x90, s9, s24, $0xb8;
	[tilespmem:$0x1E288] =	vst v63  }
0x1d4: {  	_ = 	snop  }
0x1d5: {  	[spmem:s2] =	stream.indirect.scatter.add.f32 [tilespmem:s14], [sflag:$0x5], $0x90, s21, s8, $0xb8;
	[tilespmem:$0x1E288] =	vst v63  }
0x1d6: {  	_ =	swait.ge [sflag:s0], $0x1200  }
0x1d7: {  	[sflag:s0] =	ssyncset.done $0x0  }
0x1d8: {  	[sflag:s0] =	ssyncadd.s32 $0xFFFFEE00  }
0x1d9: {  	v4 =	vld [tilespmem:s29+$0x1060];
	_ =	sdelay $0x4  }
0x1da: {  	v4 =	vshra.s32 v4, $0xE  }
0x1db: {  	[tilespmem:$0x36E8] =	vst v4  }
0x1dc: {  	v4 =	vld [tilespmem:s29+$0x1070];
	_ =	sdelay $0x4  }
0x1dd: {  	v4 =	vshra.s32 v4, $0xE  }
0x1de: {  	[tilespmem:$0x36F8] =	vst v4  }
0x1df: {  	_ =	swait.ge [sflag:s22], $0x1200  }
0x1e0: {  	[sflag:s22] =	ssyncset.done $0x0  }
0x1e1: {  	[sflag:s22] =	ssyncadd.s32 $0xFFFFEE00  }
0x1e2: {  	v4 =	vld @!p1 [tilespmem:s7+$0x10A0];
	_ =	sdelay $0x4  }
0x1e3: {  	v4 =	vand.u32 @!p1 $0x3FFF, v4  }
0x1e4: {  	[tilespmem:$0x3628] =	vst @!p1 v4  }
0x1e5: {  	v4 =	vld @!p1 [tilespmem:s7+$0x10B0];
	_ =	sdelay $0x4  }
0x1e6: {  	v4 =	vand.u32 @!p1 $0x3FFF, v4  }
0x1e7: {  	s9 =	simm.s32 @!p1 $0x4908;
	s7 =	simm.s32 @!p1 $0x3628;
	[tilespmem:$0x3638] =	vst @!p1 v4  }
0x1e8: {  	[tilespmem:s9], [sflag:$0x2] =	stream.indirect.gather @!p1 [hbm4b:s4+s24], $0x90, s7, s24, $0xb8;
	[tilespmem:$0x1E288] =	vst v63  }
.Ltmp3:
0x1e9: {  	_ = 	snop;
	(pc) =	sbr.rel @p0 .LBB2_9-.Ltmp3, $4  }
0x1ea: {  	_ = 	snop  }
0x1eb: {  	[spmem:s2] =	stream.indirect.scatter.add.f32 [tilespmem:s18], [sflag:$0x5], $0x90, s23, s8, $0xb8;
	[tilespmem:$0x1E288] =	vst v63  }
0x1ec: {  	_ =	swait.ge [sflag:s0], $0x1200  }
0x1ed: {  	[sflag:s0] =	ssyncset.done $0x0  }
0x1ee: {  	s26 =	sadd.s32 $0x1, s26  }
0x1ef: {  	p0 =	sne.s32 s26, $0x5  }
.Ltmp4:
0x1f0: {  	_ = 	snop;
	(pc) =	sbr.rel @p0 .LBB2_4-.Ltmp4, $2  }
0x1f1: {  	_ =	sdelay $0x2  }
0x1f2: {  	[sflag:s0] =	ssyncadd.s32 $0xFFFFEE00  }
0x1f3: {  	s7 =	stileid.u32;
	[bflag:$0x0] =	sbarrier.arrive $0xFFFF  }
0x1f4: {  	s7 =	sshll.u32 s7, $0x6;
	s10 =	rddreg [dreg:$0x4]  }
0x1f5: {  	s24 =	rddreg [dreg:$0x18];
	s7 =	sor.u32 $0x1C05, s7;
	s9 =	sshrl.u32 s10, $0x3  }
0x1f6: {  	[hbm:s24], [sflag:s7] =	dma.local [spmem:s9], $0x2C70  }
0x1f7: {  	_ =	swait.ge [sflag:s0], $0x2C70  }
0x1f8: {  	s28 =	rddreg [dreg:$0x1a]  }
0x1f9: {  	s29 =	rddreg [dreg:$0x19];
	s9 =	sadd.s32 $0x1, s28  }
0x1fa: {  	p0 =	sne.s32 s9, s29  }
.Ltmp5:
0x1fb: {  	_ = 	snop;
	(pc) =	sbr.rel @p0 .LBB2_1-.Ltmp5, $3  }
0x1fc: {  	_ =	sdelay $0x1  }
0x1fd: {  	[sflag:s0] =	ssyncset.done $0x0  }
0x1fe: {  	[sflag:s0] =	ssyncadd.s32 $0xFFFFD390  }
0x1ff: {  	_ =	sfence.sel $0x180000  }
0x200: {  	[bflag:$0x0] =	sbarrier.arrive $0xFFFF  }
0x201: {  	_ =	strace $0x90000047  }
0x202: {  	s0 =	stileid.u32;
	[bflag:$0x2] =	sbarrier.arrive $0xFFFF  }
0x203: {  	p0 =	sne.s32 s0, $0x0;
	s0 =	rddreg [dreg:$0x2]  }
0x204: {  	s0 =	sadd.s32 @!p0 $0x100000, s0  }
0x205: {  	[sflag:s0] =	ssyncadd.tile.s32 @!p0 $0x1;
	_ =	shalt  }
.Lfunc_end2:
_tile_overlayer_lowered:
.L_overlay_start_2:
0x206: {  	(tag) =	ssettag $0x2  }
0x207: {  	s0 =	rddreg [dreg:$0x0];
	s2 =	stileid.u32  }
0x208: {  	s1 =	rddreg [dreg:$0x1];
	p0 =	sne.s32 s2, $0x0  }
0x209: {  	s3 =	rddreg [dreg:$0x2];
	[bflag:$0x3] =	sbarrier.arrive $0xFFFF;
	s2 =	simm.s32 @!p0 $0x1C05  }
0x20a: {  	[timem:s3], [sflag:s2] =	dma.local @!p0 [hbm:s0], s1  }
0x20b: {  	s0 =	simm.s32 @!p0 $0x5  }
0x20c: {  	_ =	swait.ge @!p0 [sflag:s0], s1  }
0x20d: {  	s1 =	ssub.s32 @!p0 $0x0, s1;
	[sflag:s0] =	ssyncset.done @!p0 $0x0  }
0x20e: {  	[sflag:s0] =	ssyncadd.s32 @!p0 s1  }
0x20f: {  	[bflag:$0x3] =	sbarrier.arrive $0xFFFF  }
0x210: {  	_ =	shalt  }

</sc_bundles>
